<compile_context>
chip_gen: v7x
topology: tpu7x:2x2x1
jax: 0.10.2.dev20260603
libtpu: 0.0.44.dev20260713+nightly
codegen_flags: <defaults>
</compile_context>

<pallas_src>
import functools
import jax
import jax.numpy as jnp
from jax import lax
from jax.experimental import pallas as pl
from jax.experimental.pallas import tpu as pltpu
from jax.experimental.pallas import tpu_sc as plsc

N_NODES = 10000
N_EDGES = 160000
DIM = 256
HALF = 128
N_GRAPHS = 16

NC, NS, LANES = 2, 16, 16
CHUNK = 128
N_CHUNKS = 1280
E_PAD = N_CHUNKS * CHUNK
CPT = N_CHUNKS // NS
CPW = N_CHUNKS // (NC * NS)
NPAD = 10112
RPT = NPAD // NS
NBUF = 2
HCPT = CPT // 2

ROW_BLK = 1000
N_RB = N_NODES // ROW_BLK

def _deg_body(dst_hbm, ones_hbm, zeros_hbm, deg_hbm, idx_v, ones_v, acc_sh):
    c = lax.axis_index("c")
    s = lax.axis_index("s")
    wid = s * NC + c
    pltpu.sync_copy(zeros_hbm.at[pl.ds(s * RPT, RPT)],
                    acc_sh.at[pl.ds(s * RPT, RPT)])
    pltpu.sync_copy(ones_hbm, ones_v)
    pltpu.sync_copy(dst_hbm.at[pl.ds(wid * CPW, CPW)], idx_v)
    plsc.subcore_barrier()

    @pl.loop(0, CPW)
    def _count(j):
        pltpu.sync_copy(ones_v, acc_sh.at[idx_v.at[j]], add=True)

    plsc.subcore_barrier()
    pltpu.sync_copy(acc_sh.at[pl.ds(s * RPT, RPT)],
                    deg_hbm.at[c, pl.ds(s * RPT, RPT)])


def _msg_body(y_hbm, src_hbm, dst_hbm, out_hbm, src_v, dst_v, bufs, acc_sh,
              gsems, ssems):
    c = lax.axis_index("c")
    s = lax.axis_index("s")
    pltpu.sync_copy(y_hbm.at[pl.ds(c * NPAD + s * RPT, RPT)],
                    acc_sh.at[pl.ds(s * RPT, RPT)])
    plsc.subcore_barrier()

    for p in range(2):
        base = p * HCPT
        pltpu.sync_copy(src_hbm.at[c, pl.ds(s * CPT + base, HCPT)], src_v)
        pltpu.sync_copy(dst_hbm.at[pl.ds(s * CPT + base, HCPT)], dst_v)
        for b in range(NBUF):
            pltpu.async_copy(y_hbm.at[src_v.at[b]], bufs[b], gsems[b])

        @pl.loop(0, HCPT, step=NBUF)
        def _edges(j):
            for b in range(NBUF):
                pltpu.make_async_copy(
                    y_hbm.at[src_v.at[j + b]], bufs[b], gsems[b]).wait()
                pltpu.async_copy(
                    bufs[b], acc_sh.at[dst_v.at[j + b]], ssems[b], add=True)
            for b in range(NBUF):
                pltpu.make_async_copy(
                    bufs[b], acc_sh.at[dst_v.at[j + b]], ssems[b]).wait()

                @pl.when(j + NBUF < HCPT)
                def _():
                    pltpu.async_copy(
                        y_hbm.at[src_v.at[j + b + NBUF]], bufs[b], gsems[b])

    plsc.subcore_barrier()
    pltpu.sync_copy(acc_sh.at[pl.ds(s * RPT, RPT)],
                    out_hbm.at[c, pl.ds(s * RPT, RPT)])


@functools.cache
def _sc_kernels():
    mesh = plsc.VectorSubcoreMesh(
        core_axis_name="c", subcore_axis_name="s",
        num_cores=NC, num_subcores=NS)
    deg_kernel = pl.kernel(
        _deg_body,
        out_type=jax.ShapeDtypeStruct((NC, NPAD, HALF), jnp.float32),
        mesh=mesh,
        scratch_types=[
            pltpu.VMEM((CPW, CHUNK), jnp.int32),
            pltpu.VMEM((CHUNK, HALF), jnp.float32),
            pltpu.VMEM_SHARED((NPAD, HALF), jnp.float32),
        ],
    )
    msg_kernel = pl.kernel(
        _msg_body,
        out_type=jax.ShapeDtypeStruct((NC, NPAD, HALF), jnp.float32),
        mesh=mesh,
        scratch_types=[
            pltpu.VMEM((HCPT, CHUNK), jnp.int32),
            pltpu.VMEM((HCPT, CHUNK), jnp.int32),
            [pltpu.VMEM((CHUNK, HALF), jnp.float32)] * NBUF,
            pltpu.VMEM_SHARED((NPAD, HALF), jnp.float32),
            [pltpu.SemaphoreType.DMA] * NBUF,
            [pltpu.SemaphoreType.DMA] * NBUF,
        ],
    )
    return deg_kernel, msg_kernel


def _dinv_body(deg_ref, dinv_ref):
    d = deg_ref[0, :, 0:1] + deg_ref[1, :, 0:1] + 1.0
    dinv_ref[...] = lax.rsqrt(d)


def _dinv_call(deg):
    return pl.pallas_call(
        _dinv_body,
        grid=(N_RB,),
        in_specs=[pl.BlockSpec((2, ROW_BLK, HALF), lambda i: (0, i, 0))],
        out_specs=pl.BlockSpec((ROW_BLK, 1), lambda i: (i, 0)),
        out_shape=jax.ShapeDtypeStruct((N_NODES, 1), jnp.float32),
    )(deg)


def _mm1_body(x_ref, w_ref, dinv_ref, y_ref):
    acc = jnp.dot(x_ref[...], w_ref[...], preferred_element_type=jnp.float32)
    y_ref[0] = acc * dinv_ref[...]


def _mm1_call(x, w, dinv):
    return pl.pallas_call(
        _mm1_body,
        grid=(N_RB, NC),
        in_specs=[
            pl.BlockSpec((ROW_BLK, DIM), lambda i, j: (i, 0)),
            pl.BlockSpec((DIM, HALF), lambda i, j: (0, j)),
            pl.BlockSpec((ROW_BLK, 1), lambda i, j: (i, 0)),
        ],
        out_specs=pl.BlockSpec((1, ROW_BLK, HALF), lambda i, j: (j, i, 0)),
        out_shape=jax.ShapeDtypeStruct((NC, NPAD, HALF), jnp.float32),
    )(x, w, dinv)


def _lin_body(acca_ref, accb_ref, dinv_ref, b_ref, w_ref, y_ref):
    h = jnp.concatenate([acca_ref[0], accb_ref[0]], axis=1)
    h = jnp.maximum(h * dinv_ref[...] + b_ref[...], 0.0)
    y_ref[0] = (
        jnp.dot(h, w_ref[...], preferred_element_type=jnp.float32)
        * dinv_ref[...]
    )


def _lin_call(accf, dinv, b, w):
    return pl.pallas_call(
        _lin_body,
        grid=(N_RB, NC),
        in_specs=[
            pl.BlockSpec((1, ROW_BLK, HALF), lambda i, j: (0, i, 0)),
            pl.BlockSpec((1, ROW_BLK, HALF), lambda i, j: (1, i, 0)),
            pl.BlockSpec((ROW_BLK, 1), lambda i, j: (i, 0)),
            pl.BlockSpec((1, DIM), lambda i, j: (0, 0)),
            pl.BlockSpec((DIM, HALF), lambda i, j: (0, j)),
        ],
        out_specs=pl.BlockSpec((1, ROW_BLK, HALF), lambda i, j: (j, i, 0)),
        out_shape=jax.ShapeDtypeStruct((NC, NPAD, HALF), jnp.float32),
    )(accf, accf, dinv, b, w)


def _pool_body(acca_ref, accb_ref, dinv_ref, b_ref, batch_ref, out_ref, cnts):
    i = pl.program_id(0)

    @pl.when(i == 0)
    def _():
        out_ref[...] = jnp.zeros_like(out_ref)
        cnts[...] = jnp.zeros_like(cnts)

    h = jnp.concatenate([acca_ref[0], accb_ref[0]], axis=1)
    h = h * dinv_ref[...] + b_ref[...]
    onehot = (batch_ref[...] ==
              lax.broadcasted_iota(jnp.int32, (1, N_GRAPHS), 1)
              ).astype(jnp.float32)
    out_ref[...] += lax.dot_general(
        onehot, h, (((0,), (0,)), ((), ())), preferred_element_type=jnp.float32)
    cnt = jnp.sum(onehot, axis=0)[:, None]
    cnts[...] += jnp.broadcast_to(cnt, (N_GRAPHS, DIM))

    @pl.when(i == pl.num_programs(0) - 1)
    def _():
        out_ref[...] = out_ref[...] / jnp.maximum(cnts[...], 1.0)


def _pool_call(accf, dinv, b, batch2):
    return pl.pallas_call(
        _pool_body,
        grid=(N_RB,),
        in_specs=[
            pl.BlockSpec((1, ROW_BLK, HALF), lambda i: (0, i, 0)),
            pl.BlockSpec((1, ROW_BLK, HALF), lambda i: (1, i, 0)),
            pl.BlockSpec((ROW_BLK, 1), lambda i: (i, 0)),
            pl.BlockSpec((1, DIM), lambda i: (0, 0)),
            pl.BlockSpec((ROW_BLK, 1), lambda i: (i, 0)),
        ],
        out_specs=pl.BlockSpec((N_GRAPHS, DIM), lambda i: (0, 0)),
        out_shape=jax.ShapeDtypeStruct((N_GRAPHS, DIM), jnp.float32),
        scratch_shapes=[pltpu.VMEM((N_GRAPHS, DIM), jnp.float32)],
    )(accf, accf, dinv, b, batch2)


@jax.jit
def kernel(x, edge_index, ptr, batch, W1, b1, W2, b2, W3, b3):
    x = x.astype(jnp.float32)
    src = edge_index[0]
    dst = edge_index[1]
    pad = E_PAD - N_EDGES
    srcp = jnp.concatenate([src, jnp.zeros((pad,), jnp.int32)])
    dstp = jnp.concatenate([dst, jnp.full((pad,), N_NODES, jnp.int32)])
    src2 = jnp.stack([srcp, srcp + NPAD]).reshape(NC, N_CHUNKS, CHUNK)
    dst2 = dstp.reshape(N_CHUNKS, CHUNK)
    ones_rows = jnp.ones((CHUNK, HALF), jnp.float32)
    zeros_init = jnp.zeros((NPAD, HALF), jnp.float32)
    batch2 = batch.reshape(N_NODES, 1)

    deg_kernel, msg_kernel = _sc_kernels()
    deg = deg_kernel(dst2, ones_rows, zeros_init)
    dinv = _dinv_call(deg)

    y = _mm1_call(x, W1, dinv)
    acc = msg_kernel(y.reshape(NC * NPAD, HALF), src2, dst2)
    y = _lin_call(acc, dinv, b1.reshape(1, DIM), W2)
    acc = msg_kernel(y.reshape(NC * NPAD, HALF), src2, dst2)
    y = _lin_call(acc, dinv, b2.reshape(1, DIM), W3)
    acc = msg_kernel(y.reshape(NC * NPAD, HALF), src2, dst2)
    out = _pool_call(acc, dinv, b3.reshape(1, DIM), batch2)
    return out.reshape(-1)

# --- scband reference (transcript-rebuilt; emitter-appended) ---
"""Pipeline reference for scband-gcn-17437567222320 (READ-ONLY COPY).

The authoritative reference and input builder live on the scoring server;
editing this copy changes nothing except your own understanding.
"""

import jax, jax.numpy as jnp
import numpy as np

N, E, D, B = 10000, 160000, 256, 16


def gcn_layer(x, edge_index, W, b):
    n = x.shape[0]
    src = edge_index[0]
    dst = edge_index[1]
    loop = jnp.arange(n, dtype=src.dtype)
    src2 = jnp.concatenate([src, loop])
    dst2 = jnp.concatenate([dst, loop])
    # linear transform first (PyG GCNConv applies lin before propagate)
    xw = x @ W
    # symmetric normalization with self-loops
    deg = jnp.zeros((n,), dtype=x.dtype).at[dst2].add(1.0)
    dinv = jnp.where(deg > 0, 1.0 / jnp.sqrt(deg), 0.0)
    norm = dinv[src2] * dinv[dst2]
    msg = xw[src2] * norm[:, None]
    out = jnp.zeros((n, W.shape[1]), dtype=x.dtype).at[dst2].add(msg)
    return out + b


def setup_inputs(seed: int = 0):
    key = jax.random.key(seed)
    ks = jax.random.split(key, 12)
    x = jax.random.normal(ks[0], (N, D), dtype=jnp.float32)
    edge_index = jax.random.randint(ks[1], (2, E), 0, N, dtype=jnp.int32)
    batch = jnp.sort(jax.random.randint(ks[2], (N,), 0, B, dtype=jnp.int32))
    ptr = jnp.sort(jax.random.randint(ks[3], (B + 1,), 0, N, dtype=jnp.int32))

    def glorot(k, fin, fout):
        s = np.sqrt(6.0 / (fin + fout)).astype(np.float32)
        return jax.random.uniform(k, (fin, fout), minval=-s, maxval=s, dtype=jnp.float32)

    W1 = glorot(ks[4], D, D)
    b1 = jnp.zeros((D,), dtype=jnp.float32)
    W2 = glorot(ks[5], D, D)
    b2 = jnp.zeros((D,), dtype=jnp.float32)
    W3 = glorot(ks[6], D, D)
    b3 = jnp.zeros((D,), dtype=jnp.float32)
    return {"x": x, "edge_index": edge_index, "ptr": ptr, "batch": batch,
            "W1": W1, "b1": b1, "W2": W2, "b2": b2, "W3": W3, "b3": b3}


def reference(x, edge_index, ptr, batch, W1, b1, W2, b2, W3, b3):
    x = x.astype(jnp.float32)
    h = gcn_layer(x, edge_index, W1, b1)
    h = jax.nn.relu(h)  # dropout is identity in eval
    h = gcn_layer(h, edge_index, W2, b2)
    h = jax.nn.relu(h)
    h = gcn_layer(h, edge_index, W3, b3)
    nb = ptr.shape[0] - 1
    sums = jax.ops.segment_sum(h, batch, num_segments=nb)
    cnts = jax.ops.segment_sum(jnp.ones((h.shape[0],), dtype=h.dtype), batch, num_segments=nb)
    mean = sums / jnp.maximum(cnts, 1.0)[:, None]
    return mean.reshape(-1)

if __name__ == "__main__":
    import jax
    _d = setup_inputs()
    print(jax.jit(kernel)(*tuple(_d.values())))

</pallas_src>

<mosaic_0001>
#map = affine_map<(d0, d1) -> (0, 0)>
#map1 = affine_map<(d0, d1) -> (0, 0, 0)>
module attributes {stable_mosaic.version = 14 : i64} {
  func.func @_msg_body(%arg0: i32, %arg1: i32, %arg2: memref<20224x128xf32, #tpu.memory_space<hbm>>, %arg3: memref<2x1280x128xi32, #tpu.memory_space<hbm>>, %arg4: memref<1280x128xi32, #tpu.memory_space<hbm>>, %arg5: memref<2x10112x128xf32, #tpu.memory_space<hbm>>, %arg6: memref<40x128xi32, #tpu.memory_space<vmem>>, %arg7: memref<40x128xi32, #tpu.memory_space<vmem>>, %arg8: memref<128x128xf32, #tpu.memory_space<vmem>>, %arg9: memref<128x128xf32, #tpu.memory_space<vmem>>, %arg10: memref<10112x128xf32, #tpu.memory_space<vmem_shared>>, %arg11: memref<!tpu.dma_semaphore, #tpu.memory_space<semaphore_mem>>, %arg12: memref<!tpu.dma_semaphore, #tpu.memory_space<semaphore_mem>>, %arg13: memref<!tpu.dma_semaphore, #tpu.memory_space<semaphore_mem>>, %arg14: memref<!tpu.dma_semaphore, #tpu.memory_space<semaphore_mem>>) attributes {dimension_semantics = [#tpu.dimension_semantics<core_parallel>, #tpu.dimension_semantics<subcore_parallel>], iteration_bounds = array<i64: 2, 16>, scalar_prefetch = 0 : i64, scratch_operands = 9 : i64, tpu.core_type = #tpu.core_type<sc_vector_subcore>, window_params = [{transform_indices = #map}, {transform_indices = #map1}, {transform_indices = #map}, {transform_indices = #map1}]} {
    %mul3A = arith.constant 10112 : i32
    %mul3A_0 = arith.muli %arg0, %mul3A : i32
    %mul3A_1 = arith.constant 632 : i32
    %mul3A_2 = arith.muli %arg1, %mul3A_1 : i32
    %add3A = arith.addi %mul3A_0, %mul3A_2 : i32
    %mul3A_3 = arith.constant 632 : i32
    %mul3A_4 = arith.muli %arg1, %mul3A_3 : i32
    "tpu.region"() ({
      %run_scoped3A = tpu.sem_alloc : memref<!tpu.dma_semaphore, #tpu.memory_space<semaphore_mem>>
      %dma_start3A_62 = arith.constant 0 : i32
      %dma_start3A_63 = tpu.memref_slice %arg10[%mul3A_4, %dma_start3A_62] : memref<10112x128xf32, #tpu.memory_space<vmem_shared>> -> memref<632x128xf32, #tpu.memory_space<vmem_shared>>
      %dma_start3A_64 = arith.constant 0 : i32
      %dma_start3A_65 = tpu.memref_slice %arg2[%add3A, %dma_start3A_64] : memref<20224x128xf32, #tpu.memory_space<hbm>> -> memref<632x128xf32, #tpu.memory_space<hbm>>
      tpu.enqueue_dma source(%dma_start3A_65 : memref<632x128xf32, #tpu.memory_space<hbm>>) target(%dma_start3A_63 : memref<632x128xf32, #tpu.memory_space<vmem_shared>>) target_semaphore(%run_scoped3A : memref<!tpu.dma_semaphore, #tpu.memory_space<semaphore_mem>>)
      %dma_wait3A = arith.constant 0 : i32
      %dma_wait3A_66 = tpu.memref_slice %arg10[%mul3A_4, %dma_wait3A] : memref<10112x128xf32, #tpu.memory_space<vmem_shared>> -> memref<632x128xf32, #tpu.memory_space<vmem_shared>>
      %dma_wait3A_67 = arith.constant 0 : i32
      %dma_wait3A_68 = tpu.memref_slice %arg2[%add3A, %dma_wait3A_67] : memref<20224x128xf32, #tpu.memory_space<hbm>> -> memref<632x128xf32, #tpu.memory_space<hbm>>
      tpu.wait_dma2 semaphore(%run_scoped3A : memref<!tpu.dma_semaphore, #tpu.memory_space<semaphore_mem>>) src(%dma_wait3A_68 : memref<632x128xf32, #tpu.memory_space<hbm>>) dst(%dma_wait3A_66 : memref<632x128xf32, #tpu.memory_space<vmem_shared>>)
      tpu.yield
    }) : () -> ()
    %barrier3A = arith.constant 0 : index
    tpu.barrier barrier_id(%barrier3A)
    %mul3A_5 = arith.constant 80 : i32
    %mul3A_6 = arith.muli %arg1, %mul3A_5 : i32
    %add3A_7 = arith.constant 0 : i32
    %add3A_8 = arith.addi %mul3A_6, %add3A_7 : i32
    "tpu.region"() ({
      %run_scoped3A = tpu.sem_alloc : memref<!tpu.dma_semaphore, #tpu.memory_space<semaphore_mem>>
      %dma_start3A_62 = arith.constant 0 : i32
      %dma_start3A_63 = tpu.memref_slice %arg3[%arg0, %add3A_8, %dma_start3A_62] : memref<2x1280x128xi32, #tpu.memory_space<hbm>> -> memref<1x40x128xi32, #tpu.memory_space<hbm>>
      %dma_start3A_64 = tpu.memref_squeeze %dma_start3A_63 : memref<1x40x128xi32, #tpu.memory_space<hbm>> -> memref<40x128xi32, #tpu.memory_space<hbm>>
      %dma_start3A_65 = arith.constant 0 : i32
      %dma_start3A_66 = tpu.memref_slice %arg3[%arg0, %add3A_8, %dma_start3A_65] : memref<2x1280x128xi32, #tpu.memory_space<hbm>> -> memref<1x40x128xi32, #tpu.memory_space<hbm>>
      %dma_start3A_67 = tpu.memref_squeeze %dma_start3A_66 : memref<1x40x128xi32, #tpu.memory_space<hbm>> -> memref<40x128xi32, #tpu.memory_space<hbm>>
      tpu.enqueue_dma source(%dma_start3A_67 : memref<40x128xi32, #tpu.memory_space<hbm>>) target(%arg6 : memref<40x128xi32, #tpu.memory_space<vmem>>) target_semaphore(%run_scoped3A : memref<!tpu.dma_semaphore, #tpu.memory_space<semaphore_mem>>)
      %dma_wait3A = arith.constant 0 : i32
      %dma_wait3A_68 = tpu.memref_slice %arg3[%arg0, %add3A_8, %dma_wait3A] : memref<2x1280x128xi32, #tpu.memory_space<hbm>> -> memref<1x40x128xi32, #tpu.memory_space<hbm>>
      %dma_wait3A_69 = tpu.memref_squeeze %dma_wait3A_68 : memref<1x40x128xi32, #tpu.memory_space<hbm>> -> memref<40x128xi32, #tpu.memory_space<hbm>>
      %dma_wait3A_70 = arith.constant 0 : i32
      %dma_wait3A_71 = tpu.memref_slice %arg3[%arg0, %add3A_8, %dma_wait3A_70] : memref<2x1280x128xi32, #tpu.memory_space<hbm>> -> memref<1x40x128xi32, #tpu.memory_space<hbm>>
      %dma_wait3A_72 = tpu.memref_squeeze %dma_wait3A_71 : memref<1x40x128xi32, #tpu.memory_space<hbm>> -> memref<40x128xi32, #tpu.memory_space<hbm>>
      tpu.wait_dma2 semaphore(%run_scoped3A : memref<!tpu.dma_semaphore, #tpu.memory_space<semaphore_mem>>) src(%dma_wait3A_72 : memref<40x128xi32, #tpu.memory_space<hbm>>) dst(%arg6 : memref<40x128xi32, #tpu.memory_space<vmem>>)
      tpu.yield
    }) : () -> ()
    %mul3A_9 = arith.constant 80 : i32
    %mul3A_10 = arith.muli %arg1, %mul3A_9 : i32
    %add3A_11 = arith.constant 0 : i32
    %add3A_12 = arith.addi %mul3A_10, %add3A_11 : i32
    "tpu.region"() ({
      %run_scoped3A = tpu.sem_alloc : memref<!tpu.dma_semaphore, #tpu.memory_space<semaphore_mem>>
      %dma_start3A_62 = arith.constant 0 : i32
      %dma_start3A_63 = tpu.memref_slice %arg4[%add3A_12, %dma_start3A_62] : memref<1280x128xi32, #tpu.memory_space<hbm>> -> memref<40x128xi32, #tpu.memory_space<hbm>>
      %dma_start3A_64 = arith.constant 0 : i32
      %dma_start3A_65 = tpu.memref_slice %arg4[%add3A_12, %dma_start3A_64] : memref<1280x128xi32, #tpu.memory_space<hbm>> -> memref<40x128xi32, #tpu.memory_space<hbm>>
      tpu.enqueue_dma source(%dma_start3A_65 : memref<40x128xi32, #tpu.memory_space<hbm>>) target(%arg7 : memref<40x128xi32, #tpu.memory_space<vmem>>) target_semaphore(%run_scoped3A : memref<!tpu.dma_semaphore, #tpu.memory_space<semaphore_mem>>)
      %dma_wait3A = arith.constant 0 : i32
      %dma_wait3A_66 = tpu.memref_slice %arg4[%add3A_12, %dma_wait3A] : memref<1280x128xi32, #tpu.memory_space<hbm>> -> memref<40x128xi32, #tpu.memory_space<hbm>>
      %dma_wait3A_67 = arith.constant 0 : i32
      %dma_wait3A_68 = tpu.memref_slice %arg4[%add3A_12, %dma_wait3A_67] : memref<1280x128xi32, #tpu.memory_space<hbm>> -> memref<40x128xi32, #tpu.memory_space<hbm>>
      tpu.wait_dma2 semaphore(%run_scoped3A : memref<!tpu.dma_semaphore, #tpu.memory_space<semaphore_mem>>) src(%dma_wait3A_68 : memref<40x128xi32, #tpu.memory_space<hbm>>) dst(%arg7 : memref<40x128xi32, #tpu.memory_space<vmem>>)
      tpu.yield
    }) : () -> ()
    %dma_start3A = arith.constant 0 : i32
    %dma_start3A_13 = arith.constant 0 : i32
    %dma_start3A_14 = tpu.memref_slice %arg6[%dma_start3A, %dma_start3A_13] : memref<40x128xi32, #tpu.memory_space<vmem>> -> memref<1x128xi32, #tpu.memory_space<vmem>>
    %dma_start3A_15 = tpu.memref_squeeze %dma_start3A_14 : memref<1x128xi32, #tpu.memory_space<vmem>> -> memref<128xi32, #tpu.memory_space<vmem>>
    %dma_start3A_16 = arith.constant 0 : i32
    %dma_start3A_17 = arith.constant 0 : i32
    %dma_start3A_18 = tpu.memref_slice %arg2[%dma_start3A_16, %dma_start3A_17] : memref<20224x128xf32, #tpu.memory_space<hbm>> -> memref<20224x128xf32, #tpu.memory_space<hbm>>
    tpu.enqueue_indirect_dma source(%dma_start3A_18 : memref<20224x128xf32, #tpu.memory_space<hbm>>) target(%arg8 : memref<128x128xf32, #tpu.memory_space<vmem>>) offsets(%dma_start3A_15 : memref<128xi32, #tpu.memory_space<vmem>>) semaphore(%arg11 : memref<!tpu.dma_semaphore, #tpu.memory_space<semaphore_mem>>)
    %dma_start3A_19 = arith.constant 1 : i32
    %dma_start3A_20 = arith.constant 0 : i32
    %dma_start3A_21 = tpu.memref_slice %arg6[%dma_start3A_19, %dma_start3A_20] : memref<40x128xi32, #tpu.memory_space<vmem>> -> memref<1x128xi32, #tpu.memory_space<vmem>>
    %dma_start3A_22 = tpu.memref_squeeze %dma_start3A_21 : memref<1x128xi32, #tpu.memory_space<vmem>> -> memref<128xi32, #tpu.memory_space<vmem>>
    %dma_start3A_23 = arith.constant 0 : i32
    %dma_start3A_24 = arith.constant 0 : i32
    %dma_start3A_25 = tpu.memref_slice %arg2[%dma_start3A_23, %dma_start3A_24] : memref<20224x128xf32, #tpu.memory_space<hbm>> -> memref<20224x128xf32, #tpu.memory_space<hbm>>
    tpu.enqueue_indirect_dma source(%dma_start3A_25 : memref<20224x128xf32, #tpu.memory_space<hbm>>) target(%arg9 : memref<128x128xf32, #tpu.memory_space<vmem>>) offsets(%dma_start3A_22 : memref<128xi32, #tpu.memory_space<vmem>>) semaphore(%arg12 : memref<!tpu.dma_semaphore, #tpu.memory_space<semaphore_mem>>)
    %scan3A = arith.constant 0 : i32
    %scan3A_26 = arith.constant 20 : i32
    %scan3A_27 = arith.addi %scan3A, %scan3A_26 : i32
    %scan3A_28 = arith.constant 1 : i32
    scf.for %scan3A_62 = %scan3A to %scan3A_27 step %scan3A_28  : i32 {
      %mul3A_63 = arith.constant 2 : i32
      %mul3A_64 = arith.muli %scan3A_62, %mul3A_63 : i32
      %add3A_65 = arith.constant 0 : i32
      %add3A_66 = arith.addi %add3A_65, %mul3A_64 : i32
      %add3A_67 = arith.constant 0 : i32
      %add3A_68 = arith.addi %add3A_66, %add3A_67 : i32
      %dma_wait3A = arith.constant 0 : i32
      %dma_wait3A_69 = tpu.memref_slice %arg6[%add3A_68, %dma_wait3A] : memref<40x128xi32, #tpu.memory_space<vmem>> -> memref<1x128xi32, #tpu.memory_space<vmem>>
      %dma_wait3A_70 = tpu.memref_squeeze %dma_wait3A_69 : memref<1x128xi32, #tpu.memory_space<vmem>> -> memref<128xi32, #tpu.memory_space<vmem>>
      %dma_wait3A_71 = arith.constant 0 : i32
      %dma_wait3A_72 = arith.constant 0 : i32
      %dma_wait3A_73 = tpu.memref_slice %arg2[%dma_wait3A_71, %dma_wait3A_72] : memref<20224x128xf32, #tpu.memory_space<hbm>> -> memref<20224x128xf32, #tpu.memory_space<hbm>>
      tpu.wait_indirect_dma semaphore(%arg11 : memref<!tpu.dma_semaphore, #tpu.memory_space<semaphore_mem>>) src(%dma_wait3A_73 : memref<20224x128xf32, #tpu.memory_space<hbm>>) dst(%arg8 : memref<128x128xf32, #tpu.memory_space<vmem>>)
      %add3A_74 = arith.constant 0 : i32
      %add3A_75 = arith.addi %add3A_66, %add3A_74 : i32
      %dma_start3A_76 = arith.constant 0 : i32
      %dma_start3A_77 = tpu.memref_slice %arg7[%add3A_75, %dma_start3A_76] : memref<40x128xi32, #tpu.memory_space<vmem>> -> memref<1x128xi32, #tpu.memory_space<vmem>>
      %dma_start3A_78 = tpu.memref_squeeze %dma_start3A_77 : memref<1x128xi32, #tpu.memory_space<vmem>> -> memref<128xi32, #tpu.memory_space<vmem>>
      %dma_start3A_79 = arith.constant 0 : i32
      %dma_start3A_80 = arith.constant 0 : i32
      %dma_start3A_81 = tpu.memref_slice %arg10[%dma_start3A_79, %dma_start3A_80] : memref<10112x128xf32, #tpu.memory_space<vmem_shared>> -> memref<10112x128xf32, #tpu.memory_space<vmem_shared>>
      tpu.enqueue_indirect_dma source(%arg8 : memref<128x128xf32, #tpu.memory_space<vmem>>) target(%dma_start3A_81 : memref<10112x128xf32, #tpu.memory_space<vmem_shared>>) offsets(%dma_start3A_78 : memref<128xi32, #tpu.memory_space<vmem>>) semaphore(%arg13 : memref<!tpu.dma_semaphore, #tpu.memory_space<semaphore_mem>>) {add = true}
      %add3A_82 = arith.constant 1 : i32
      %add3A_83 = arith.addi %add3A_66, %add3A_82 : i32
      %dma_wait3A_84 = arith.constant 0 : i32
      %dma_wait3A_85 = tpu.memref_slice %arg6[%add3A_83, %dma_wait3A_84] : memref<40x128xi32, #tpu.memory_space<vmem>> -> memref<1x128xi32, #tpu.memory_space<vmem>>
      %dma_wait3A_86 = tpu.memref_squeeze %dma_wait3A_85 : memref<1x128xi32, #tpu.memory_space<vmem>> -> memref<128xi32, #tpu.memory_space<vmem>>
      %dma_wait3A_87 = arith.constant 0 : i32
      %dma_wait3A_88 = arith.constant 0 : i32
      %dma_wait3A_89 = tpu.memref_slice %arg2[%dma_wait3A_87, %dma_wait3A_88] : memref<20224x128xf32, #tpu.memory_space<hbm>> -> memref<20224x128xf32, #tpu.memory_space<hbm>>
      tpu.wait_indirect_dma semaphore(%arg12 : memref<!tpu.dma_semaphore, #tpu.memory_space<semaphore_mem>>) src(%dma_wait3A_89 : memref<20224x128xf32, #tpu.memory_space<hbm>>) dst(%arg9 : memref<128x128xf32, #tpu.memory_space<vmem>>)
      %add3A_90 = arith.constant 1 : i32
      %add3A_91 = arith.addi %add3A_66, %add3A_90 : i32
      %dma_start3A_92 = arith.constant 0 : i32
      %dma_start3A_93 = tpu.memref_slice %arg7[%add3A_91, %dma_start3A_92] : memref<40x128xi32, #tpu.memory_space<vmem>> -> memref<1x128xi32, #tpu.memory_space<vmem>>
      %dma_start3A_94 = tpu.memref_squeeze %dma_start3A_93 : memref<1x128xi32, #tpu.memory_space<vmem>> -> memref<128xi32, #tpu.memory_space<vmem>>
      %dma_start3A_95 = arith.constant 0 : i32
      %dma_start3A_96 = arith.constant 0 : i32
      %dma_start3A_97 = tpu.memref_slice %arg10[%dma_start3A_95, %dma_start3A_96] : memref<10112x128xf32, #tpu.memory_space<vmem_shared>> -> memref<10112x128xf32, #tpu.memory_space<vmem_shared>>
      tpu.enqueue_indirect_dma source(%arg9 : memref<128x128xf32, #tpu.memory_space<vmem>>) target(%dma_start3A_97 : memref<10112x128xf32, #tpu.memory_space<vmem_shared>>) offsets(%dma_start3A_94 : memref<128xi32, #tpu.memory_space<vmem>>) semaphore(%arg14 : memref<!tpu.dma_semaphore, #tpu.memory_space<semaphore_mem>>) {add = true}
      %add3A_98 = arith.constant 0 : i32
      %add3A_99 = arith.addi %add3A_66, %add3A_98 : i32
      %dma_wait3A_100 = arith.constant 0 : i32
      %dma_wait3A_101 = tpu.memref_slice %arg7[%add3A_99, %dma_wait3A_100] : memref<40x128xi32, #tpu.memory_space<vmem>> -> memref<1x128xi32, #tpu.memory_space<vmem>>
      %dma_wait3A_102 = tpu.memref_squeeze %dma_wait3A_101 : memref<1x128xi32, #tpu.memory_space<vmem>> -> memref<128xi32, #tpu.memory_space<vmem>>
      %dma_wait3A_103 = arith.constant 0 : i32
      %dma_wait3A_104 = arith.constant 0 : i32
      %dma_wait3A_105 = tpu.memref_slice %arg10[%dma_wait3A_103, %dma_wait3A_104] : memref<10112x128xf32, #tpu.memory_space<vmem_shared>> -> memref<10112x128xf32, #tpu.memory_space<vmem_shared>>
      tpu.wait_indirect_dma semaphore(%arg13 : memref<!tpu.dma_semaphore, #tpu.memory_space<semaphore_mem>>) src(%arg8 : memref<128x128xf32, #tpu.memory_space<vmem>>) dst(%dma_wait3A_105 : memref<10112x128xf32, #tpu.memory_space<vmem_shared>>)
      %add3A_106 = arith.constant 2 : i32
      %add3A_107 = arith.addi %add3A_66, %add3A_106 : i32
      %lt3A = arith.constant 40 : i32
      %lt3A_108 = arith.cmpi slt, %add3A_107, %lt3A : i32
      %convert_element_type3A = arith.extui %lt3A_108 : i1 to i32
      %cond3A = arith.constant 0 : i32
      %cond3A_109 = arith.cmpi ne, %convert_element_type3A, %cond3A : i32
      scf.if %cond3A_109 {
        %add3A_125 = arith.constant 0 : i32
        %add3A_126 = arith.addi %add3A_66, %add3A_125 : i32
        %add3A_127 = arith.constant 2 : i32
        %add3A_128 = arith.addi %add3A_126, %add3A_127 : i32
        %dma_start3A_129 = arith.constant 0 : i32
        %dma_start3A_130 = tpu.memref_slice %arg6[%add3A_128, %dma_start3A_129] : memref<40x128xi32, #tpu.memory_space<vmem>> -> memref<1x128xi32, #tpu.memory_space<vmem>>
        %dma_start3A_131 = tpu.memref_squeeze %dma_start3A_130 : memref<1x128xi32, #tpu.memory_space<vmem>> -> memref<128xi32, #tpu.memory_space<vmem>>
        %dma_start3A_132 = arith.constant 0 : i32
        %dma_start3A_133 = arith.constant 0 : i32
        %dma_start3A_134 = tpu.memref_slice %arg2[%dma_start3A_132, %dma_start3A_133] : memref<20224x128xf32, #tpu.memory_space<hbm>> -> memref<20224x128xf32, #tpu.memory_space<hbm>>
        tpu.enqueue_indirect_dma source(%dma_start3A_134 : memref<20224x128xf32, #tpu.memory_space<hbm>>) target(%arg8 : memref<128x128xf32, #tpu.memory_space<vmem>>) offsets(%dma_start3A_131 : memref<128xi32, #tpu.memory_space<vmem>>) semaphore(%arg11 : memref<!tpu.dma_semaphore, #tpu.memory_space<semaphore_mem>>)
      } else {
      }
      %add3A_110 = arith.constant 1 : i32
      %add3A_111 = arith.addi %add3A_66, %add3A_110 : i32
      %dma_wait3A_112 = arith.constant 0 : i32
      %dma_wait3A_113 = tpu.memref_slice %arg7[%add3A_111, %dma_wait3A_112] : memref<40x128xi32, #tpu.memory_space<vmem>> -> memref<1x128xi32, #tpu.memory_space<vmem>>
      %dma_wait3A_114 = tpu.memref_squeeze %dma_wait3A_113 : memref<1x128xi32, #tpu.memory_space<vmem>> -> memref<128xi32, #tpu.memory_space<vmem>>
      %dma_wait3A_115 = arith.constant 0 : i32
      %dma_wait3A_116 = arith.constant 0 : i32
      %dma_wait3A_117 = tpu.memref_slice %arg10[%dma_wait3A_115, %dma_wait3A_116] : memref<10112x128xf32, #tpu.memory_space<vmem_shared>> -> memref<10112x128xf32, #tpu.memory_space<vmem_shared>>
      tpu.wait_indirect_dma semaphore(%arg14 : memref<!tpu.dma_semaphore, #tpu.memory_space<semaphore_mem>>) src(%arg9 : memref<128x128xf32, #tpu.memory_space<vmem>>) dst(%dma_wait3A_117 : memref<10112x128xf32, #tpu.memory_space<vmem_shared>>)
      %add3A_118 = arith.constant 2 : i32
      %add3A_119 = arith.addi %add3A_66, %add3A_118 : i32
      %lt3A_120 = arith.constant 40 : i32
      %lt3A_121 = arith.cmpi slt, %add3A_119, %lt3A_120 : i32
      %convert_element_type3A_122 = arith.extui %lt3A_121 : i1 to i32
      %cond3A_123 = arith.constant 0 : i32
      %cond3A_124 = arith.cmpi ne, %convert_element_type3A_122, %cond3A_123 : i32
      scf.if %cond3A_124 {
        %add3A_125 = arith.constant 1 : i32
        %add3A_126 = arith.addi %add3A_66, %add3A_125 : i32
        %add3A_127 = arith.constant 2 : i32
        %add3A_128 = arith.addi %add3A_126, %add3A_127 : i32
        %dma_start3A_129 = arith.constant 0 : i32
        %dma_start3A_130 = tpu.memref_slice %arg6[%add3A_128, %dma_start3A_129] : memref<40x128xi32, #tpu.memory_space<vmem>> -> memref<1x128xi32, #tpu.memory_space<vmem>>
        %dma_start3A_131 = tpu.memref_squeeze %dma_start3A_130 : memref<1x128xi32, #tpu.memory_space<vmem>> -> memref<128xi32, #tpu.memory_space<vmem>>
        %dma_start3A_132 = arith.constant 0 : i32
        %dma_start3A_133 = arith.constant 0 : i32
        %dma_start3A_134 = tpu.memref_slice %arg2[%dma_start3A_132, %dma_start3A_133] : memref<20224x128xf32, #tpu.memory_space<hbm>> -> memref<20224x128xf32, #tpu.memory_space<hbm>>
        tpu.enqueue_indirect_dma source(%dma_start3A_134 : memref<20224x128xf32, #tpu.memory_space<hbm>>) target(%arg9 : memref<128x128xf32, #tpu.memory_space<vmem>>) offsets(%dma_start3A_131 : memref<128xi32, #tpu.memory_space<vmem>>) semaphore(%arg12 : memref<!tpu.dma_semaphore, #tpu.memory_space<semaphore_mem>>)
      } else {
      }
    }
    %scan3A_29 = arith.constant 20 : i32
    %mul3A_30 = arith.constant 80 : i32
    %mul3A_31 = arith.muli %arg1, %mul3A_30 : i32
    %add3A_32 = arith.constant 40 : i32
    %add3A_33 = arith.addi %mul3A_31, %add3A_32 : i32
    "tpu.region"() ({
      %run_scoped3A = tpu.sem_alloc : memref<!tpu.dma_semaphore, #tpu.memory_space<semaphore_mem>>
      %dma_start3A_62 = arith.constant 0 : i32
      %dma_start3A_63 = tpu.memref_slice %arg3[%arg0, %add3A_33, %dma_start3A_62] : memref<2x1280x128xi32, #tpu.memory_space<hbm>> -> memref<1x40x128xi32, #tpu.memory_space<hbm>>
      %dma_start3A_64 = tpu.memref_squeeze %dma_start3A_63 : memref<1x40x128xi32, #tpu.memory_space<hbm>> -> memref<40x128xi32, #tpu.memory_space<hbm>>
      %dma_start3A_65 = arith.constant 0 : i32
      %dma_start3A_66 = tpu.memref_slice %arg3[%arg0, %add3A_33, %dma_start3A_65] : memref<2x1280x128xi32, #tpu.memory_space<hbm>> -> memref<1x40x128xi32, #tpu.memory_space<hbm>>
      %dma_start3A_67 = tpu.memref_squeeze %dma_start3A_66 : memref<1x40x128xi32, #tpu.memory_space<hbm>> -> memref<40x128xi32, #tpu.memory_space<hbm>>
      tpu.enqueue_dma source(%dma_start3A_67 : memref<40x128xi32, #tpu.memory_space<hbm>>) target(%arg6 : memref<40x128xi32, #tpu.memory_space<vmem>>) target_semaphore(%run_scoped3A : memref<!tpu.dma_semaphore, #tpu.memory_space<semaphore_mem>>)
      %dma_wait3A = arith.constant 0 : i32
      %dma_wait3A_68 = tpu.memref_slice %arg3[%arg0, %add3A_33, %dma_wait3A] : memref<2x1280x128xi32, #tpu.memory_space<hbm>> -> memref<1x40x128xi32, #tpu.memory_space<hbm>>
      %dma_wait3A_69 = tpu.memref_squeeze %dma_wait3A_68 : memref<1x40x128xi32, #tpu.memory_space<hbm>> -> memref<40x128xi32, #tpu.memory_space<hbm>>
      %dma_wait3A_70 = arith.constant 0 : i32
      %dma_wait3A_71 = tpu.memref_slice %arg3[%arg0, %add3A_33, %dma_wait3A_70] : memref<2x1280x128xi32, #tpu.memory_space<hbm>> -> memref<1x40x128xi32, #tpu.memory_space<hbm>>
      %dma_wait3A_72 = tpu.memref_squeeze %dma_wait3A_71 : memref<1x40x128xi32, #tpu.memory_space<hbm>> -> memref<40x128xi32, #tpu.memory_space<hbm>>
      tpu.wait_dma2 semaphore(%run_scoped3A : memref<!tpu.dma_semaphore, #tpu.memory_space<semaphore_mem>>) src(%dma_wait3A_72 : memref<40x128xi32, #tpu.memory_space<hbm>>) dst(%arg6 : memref<40x128xi32, #tpu.memory_space<vmem>>)
      tpu.yield
    }) : () -> ()
    %mul3A_34 = arith.constant 80 : i32
    %mul3A_35 = arith.muli %arg1, %mul3A_34 : i32
    %add3A_36 = arith.constant 40 : i32
    %add3A_37 = arith.addi %mul3A_35, %add3A_36 : i32
    "tpu.region"() ({
      %run_scoped3A = tpu.sem_alloc : memref<!tpu.dma_semaphore, #tpu.memory_space<semaphore_mem>>
      %dma_start3A_62 = arith.constant 0 : i32
      %dma_start3A_63 = tpu.memref_slice %arg4[%add3A_37, %dma_start3A_62] : memref<1280x128xi32, #tpu.memory_space<hbm>> -> memref<40x128xi32, #tpu.memory_space<hbm>>
      %dma_start3A_64 = arith.constant 0 : i32
      %dma_start3A_65 = tpu.memref_slice %arg4[%add3A_37, %dma_start3A_64] : memref<1280x128xi32, #tpu.memory_space<hbm>> -> memref<40x128xi32, #tpu.memory_space<hbm>>
      tpu.enqueue_dma source(%dma_start3A_65 : memref<40x128xi32, #tpu.memory_space<hbm>>) target(%arg7 : memref<40x128xi32, #tpu.memory_space<vmem>>) target_semaphore(%run_scoped3A : memref<!tpu.dma_semaphore, #tpu.memory_space<semaphore_mem>>)
      %dma_wait3A = arith.constant 0 : i32
      %dma_wait3A_66 = tpu.memref_slice %arg4[%add3A_37, %dma_wait3A] : memref<1280x128xi32, #tpu.memory_space<hbm>> -> memref<40x128xi32, #tpu.memory_space<hbm>>
      %dma_wait3A_67 = arith.constant 0 : i32
      %dma_wait3A_68 = tpu.memref_slice %arg4[%add3A_37, %dma_wait3A_67] : memref<1280x128xi32, #tpu.memory_space<hbm>> -> memref<40x128xi32, #tpu.memory_space<hbm>>
      tpu.wait_dma2 semaphore(%run_scoped3A : memref<!tpu.dma_semaphore, #tpu.memory_space<semaphore_mem>>) src(%dma_wait3A_68 : memref<40x128xi32, #tpu.memory_space<hbm>>) dst(%arg7 : memref<40x128xi32, #tpu.memory_space<vmem>>)
      tpu.yield
    }) : () -> ()
    %dma_start3A_38 = arith.constant 0 : i32
    %dma_start3A_39 = arith.constant 0 : i32
    %dma_start3A_40 = tpu.memref_slice %arg6[%dma_start3A_38, %dma_start3A_39] : memref<40x128xi32, #tpu.memory_space<vmem>> -> memref<1x128xi32, #tpu.memory_space<vmem>>
    %dma_start3A_41 = tpu.memref_squeeze %dma_start3A_40 : memref<1x128xi32, #tpu.memory_space<vmem>> -> memref<128xi32, #tpu.memory_space<vmem>>
    %dma_start3A_42 = arith.constant 0 : i32
    %dma_start3A_43 = arith.constant 0 : i32
    %dma_start3A_44 = tpu.memref_slice %arg2[%dma_start3A_42, %dma_start3A_43] : memref<20224x128xf32, #tpu.memory_space<hbm>> -> memref<20224x128xf32, #tpu.memory_space<hbm>>
    tpu.enqueue_indirect_dma source(%dma_start3A_44 : memref<20224x128xf32, #tpu.memory_space<hbm>>) target(%arg8 : memref<128x128xf32, #tpu.memory_space<vmem>>) offsets(%dma_start3A_41 : memref<128xi32, #tpu.memory_space<vmem>>) semaphore(%arg11 : memref<!tpu.dma_semaphore, #tpu.memory_space<semaphore_mem>>)
    %dma_start3A_45 = arith.constant 1 : i32
    %dma_start3A_46 = arith.constant 0 : i32
    %dma_start3A_47 = tpu.memref_slice %arg6[%dma_start3A_45, %dma_start3A_46] : memref<40x128xi32, #tpu.memory_space<vmem>> -> memref<1x128xi32, #tpu.memory_space<vmem>>
    %dma_start3A_48 = tpu.memref_squeeze %dma_start3A_47 : memref<1x128xi32, #tpu.memory_space<vmem>> -> memref<128xi32, #tpu.memory_space<vmem>>
    %dma_start3A_49 = arith.constant 0 : i32
    %dma_start3A_50 = arith.constant 0 : i32
    %dma_start3A_51 = tpu.memref_slice %arg2[%dma_start3A_49, %dma_start3A_50] : memref<20224x128xf32, #tpu.memory_space<hbm>> -> memref<20224x128xf32, #tpu.memory_space<hbm>>
    tpu.enqueue_indirect_dma source(%dma_start3A_51 : memref<20224x128xf32, #tpu.memory_space<hbm>>) target(%arg9 : memref<128x128xf32, #tpu.memory_space<vmem>>) offsets(%dma_start3A_48 : memref<128xi32, #tpu.memory_space<vmem>>) semaphore(%arg12 : memref<!tpu.dma_semaphore, #tpu.memory_space<semaphore_mem>>)
    %scan3A_52 = arith.constant 0 : i32
    %scan3A_53 = arith.constant 20 : i32
    %scan3A_54 = arith.addi %scan3A_52, %scan3A_53 : i32
    %scan3A_55 = arith.constant 1 : i32
    scf.for %scan3A_62 = %scan3A_52 to %scan3A_54 step %scan3A_55  : i32 {
      %mul3A_63 = arith.constant 2 : i32
      %mul3A_64 = arith.muli %scan3A_62, %mul3A_63 : i32
      %add3A_65 = arith.constant 0 : i32
      %add3A_66 = arith.addi %add3A_65, %mul3A_64 : i32
      %add3A_67 = arith.constant 0 : i32
      %add3A_68 = arith.addi %add3A_66, %add3A_67 : i32
      %dma_wait3A = arith.constant 0 : i32
      %dma_wait3A_69 = tpu.memref_slice %arg6[%add3A_68, %dma_wait3A] : memref<40x128xi32, #tpu.memory_space<vmem>> -> memref<1x128xi32, #tpu.memory_space<vmem>>
      %dma_wait3A_70 = tpu.memref_squeeze %dma_wait3A_69 : memref<1x128xi32, #tpu.memory_space<vmem>> -> memref<128xi32, #tpu.memory_space<vmem>>
      %dma_wait3A_71 = arith.constant 0 : i32
      %dma_wait3A_72 = arith.constant 0 : i32
      %dma_wait3A_73 = tpu.memref_slice %arg2[%dma_wait3A_71, %dma_wait3A_72] : memref<20224x128xf32, #tpu.memory_space<hbm>> -> memref<20224x128xf32, #tpu.memory_space<hbm>>
      tpu.wait_indirect_dma semaphore(%arg11 : memref<!tpu.dma_semaphore, #tpu.memory_space<semaphore_mem>>) src(%dma_wait3A_73 : memref<20224x128xf32, #tpu.memory_space<hbm>>) dst(%arg8 : memref<128x128xf32, #tpu.memory_space<vmem>>)
      %add3A_74 = arith.constant 0 : i32
      %add3A_75 = arith.addi %add3A_66, %add3A_74 : i32
      %dma_start3A_76 = arith.constant 0 : i32
      %dma_start3A_77 = tpu.memref_slice %arg7[%add3A_75, %dma_start3A_76] : memref<40x128xi32, #tpu.memory_space<vmem>> -> memref<1x128xi32, #tpu.memory_space<vmem>>
      %dma_start3A_78 = tpu.memref_squeeze %dma_start3A_77 : memref<1x128xi32, #tpu.memory_space<vmem>> -> memref<128xi32, #tpu.memory_space<vmem>>
      %dma_start3A_79 = arith.constant 0 : i32
      %dma_start3A_80 = arith.constant 0 : i32
      %dma_start3A_81 = tpu.memref_slice %arg10[%dma_start3A_79, %dma_start3A_80] : memref<10112x128xf32, #tpu.memory_space<vmem_shared>> -> memref<10112x128xf32, #tpu.memory_space<vmem_shared>>
      tpu.enqueue_indirect_dma source(%arg8 : memref<128x128xf32, #tpu.memory_space<vmem>>) target(%dma_start3A_81 : memref<10112x128xf32, #tpu.memory_space<vmem_shared>>) offsets(%dma_start3A_78 : memref<128xi32, #tpu.memory_space<vmem>>) semaphore(%arg13 : memref<!tpu.dma_semaphore, #tpu.memory_space<semaphore_mem>>) {add = true}
      %add3A_82 = arith.constant 1 : i32
      %add3A_83 = arith.addi %add3A_66, %add3A_82 : i32
      %dma_wait3A_84 = arith.constant 0 : i32
      %dma_wait3A_85 = tpu.memref_slice %arg6[%add3A_83, %dma_wait3A_84] : memref<40x128xi32, #tpu.memory_space<vmem>> -> memref<1x128xi32, #tpu.memory_space<vmem>>
      %dma_wait3A_86 = tpu.memref_squeeze %dma_wait3A_85 : memref<1x128xi32, #tpu.memory_space<vmem>> -> memref<128xi32, #tpu.memory_space<vmem>>
      %dma_wait3A_87 = arith.constant 0 : i32
      %dma_wait3A_88 = arith.constant 0 : i32
      %dma_wait3A_89 = tpu.memref_slice %arg2[%dma_wait3A_87, %dma_wait3A_88] : memref<20224x128xf32, #tpu.memory_space<hbm>> -> memref<20224x128xf32, #tpu.memory_space<hbm>>
      tpu.wait_indirect_dma semaphore(%arg12 : memref<!tpu.dma_semaphore, #tpu.memory_space<semaphore_mem>>) src(%dma_wait3A_89 : memref<20224x128xf32, #tpu.memory_space<hbm>>) dst(%arg9 : memref<128x128xf32, #tpu.memory_space<vmem>>)
      %add3A_90 = arith.constant 1 : i32
      %add3A_91 = arith.addi %add3A_66, %add3A_90 : i32
      %dma_start3A_92 = arith.constant 0 : i32
      %dma_start3A_93 = tpu.memref_slice %arg7[%add3A_91, %dma_start3A_92] : memref<40x128xi32, #tpu.memory_space<vmem>> -> memref<1x128xi32, #tpu.memory_space<vmem>>
      %dma_start3A_94 = tpu.memref_squeeze %dma_start3A_93 : memref<1x128xi32, #tpu.memory_space<vmem>> -> memref<128xi32, #tpu.memory_space<vmem>>
      %dma_start3A_95 = arith.constant 0 : i32
      %dma_start3A_96 = arith.constant 0 : i32
      %dma_start3A_97 = tpu.memref_slice %arg10[%dma_start3A_95, %dma_start3A_96] : memref<10112x128xf32, #tpu.memory_space<vmem_shared>> -> memref<10112x128xf32, #tpu.memory_space<vmem_shared>>
      tpu.enqueue_indirect_dma source(%arg9 : memref<128x128xf32, #tpu.memory_space<vmem>>) target(%dma_start3A_97 : memref<10112x128xf32, #tpu.memory_space<vmem_shared>>) offsets(%dma_start3A_94 : memref<128xi32, #tpu.memory_space<vmem>>) semaphore(%arg14 : memref<!tpu.dma_semaphore, #tpu.memory_space<semaphore_mem>>) {add = true}
      %add3A_98 = arith.constant 0 : i32
      %add3A_99 = arith.addi %add3A_66, %add3A_98 : i32
      %dma_wait3A_100 = arith.constant 0 : i32
      %dma_wait3A_101 = tpu.memref_slice %arg7[%add3A_99, %dma_wait3A_100] : memref<40x128xi32, #tpu.memory_space<vmem>> -> memref<1x128xi32, #tpu.memory_space<vmem>>
      %dma_wait3A_102 = tpu.memref_squeeze %dma_wait3A_101 : memref<1x128xi32, #tpu.memory_space<vmem>> -> memref<128xi32, #tpu.memory_space<vmem>>
      %dma_wait3A_103 = arith.constant 0 : i32
      %dma_wait3A_104 = arith.constant 0 : i32
      %dma_wait3A_105 = tpu.memref_slice %arg10[%dma_wait3A_103, %dma_wait3A_104] : memref<10112x128xf32, #tpu.memory_space<vmem_shared>> -> memref<10112x128xf32, #tpu.memory_space<vmem_shared>>
      tpu.wait_indirect_dma semaphore(%arg13 : memref<!tpu.dma_semaphore, #tpu.memory_space<semaphore_mem>>) src(%arg8 : memref<128x128xf32, #tpu.memory_space<vmem>>) dst(%dma_wait3A_105 : memref<10112x128xf32, #tpu.memory_space<vmem_shared>>)
      %add3A_106 = arith.constant 2 : i32
      %add3A_107 = arith.addi %add3A_66, %add3A_106 : i32
      %lt3A = arith.constant 40 : i32
      %lt3A_108 = arith.cmpi slt, %add3A_107, %lt3A : i32
      %convert_element_type3A = arith.extui %lt3A_108 : i1 to i32
      %cond3A = arith.constant 0 : i32
      %cond3A_109 = arith.cmpi ne, %convert_element_type3A, %cond3A : i32
      scf.if %cond3A_109 {
        %add3A_125 = arith.constant 0 : i32
        %add3A_126 = arith.addi %add3A_66, %add3A_125 : i32
        %add3A_127 = arith.constant 2 : i32
        %add3A_128 = arith.addi %add3A_126, %add3A_127 : i32
        %dma_start3A_129 = arith.constant 0 : i32
        %dma_start3A_130 = tpu.memref_slice %arg6[%add3A_128, %dma_start3A_129] : memref<40x128xi32, #tpu.memory_space<vmem>> -> memref<1x128xi32, #tpu.memory_space<vmem>>
        %dma_start3A_131 = tpu.memref_squeeze %dma_start3A_130 : memref<1x128xi32, #tpu.memory_space<vmem>> -> memref<128xi32, #tpu.memory_space<vmem>>
        %dma_start3A_132 = arith.constant 0 : i32
        %dma_start3A_133 = arith.constant 0 : i32
        %dma_start3A_134 = tpu.memref_slice %arg2[%dma_start3A_132, %dma_start3A_133] : memref<20224x128xf32, #tpu.memory_space<hbm>> -> memref<20224x128xf32, #tpu.memory_space<hbm>>
        tpu.enqueue_indirect_dma source(%dma_start3A_134 : memref<20224x128xf32, #tpu.memory_space<hbm>>) target(%arg8 : memref<128x128xf32, #tpu.memory_space<vmem>>) offsets(%dma_start3A_131 : memref<128xi32, #tpu.memory_space<vmem>>) semaphore(%arg11 : memref<!tpu.dma_semaphore, #tpu.memory_space<semaphore_mem>>)
      } else {
      }
      %add3A_110 = arith.constant 1 : i32
      %add3A_111 = arith.addi %add3A_66, %add3A_110 : i32
      %dma_wait3A_112 = arith.constant 0 : i32
      %dma_wait3A_113 = tpu.memref_slice %arg7[%add3A_111, %dma_wait3A_112] : memref<40x128xi32, #tpu.memory_space<vmem>> -> memref<1x128xi32, #tpu.memory_space<vmem>>
      %dma_wait3A_114 = tpu.memref_squeeze %dma_wait3A_113 : memref<1x128xi32, #tpu.memory_space<vmem>> -> memref<128xi32, #tpu.memory_space<vmem>>
      %dma_wait3A_115 = arith.constant 0 : i32
      %dma_wait3A_116 = arith.constant 0 : i32
      %dma_wait3A_117 = tpu.memref_slice %arg10[%dma_wait3A_115, %dma_wait3A_116] : memref<10112x128xf32, #tpu.memory_space<vmem_shared>> -> memref<10112x128xf32, #tpu.memory_space<vmem_shared>>
      tpu.wait_indirect_dma semaphore(%arg14 : memref<!tpu.dma_semaphore, #tpu.memory_space<semaphore_mem>>) src(%arg9 : memref<128x128xf32, #tpu.memory_space<vmem>>) dst(%dma_wait3A_117 : memref<10112x128xf32, #tpu.memory_space<vmem_shared>>)
      %add3A_118 = arith.constant 2 : i32
      %add3A_119 = arith.addi %add3A_66, %add3A_118 : i32
      %lt3A_120 = arith.constant 40 : i32
      %lt3A_121 = arith.cmpi slt, %add3A_119, %lt3A_120 : i32
      %convert_element_type3A_122 = arith.extui %lt3A_121 : i1 to i32
      %cond3A_123 = arith.constant 0 : i32
      %cond3A_124 = arith.cmpi ne, %convert_element_type3A_122, %cond3A_123 : i32
      scf.if %cond3A_124 {
        %add3A_125 = arith.constant 1 : i32
        %add3A_126 = arith.addi %add3A_66, %add3A_125 : i32
        %add3A_127 = arith.constant 2 : i32
        %add3A_128 = arith.addi %add3A_126, %add3A_127 : i32
        %dma_start3A_129 = arith.constant 0 : i32
        %dma_start3A_130 = tpu.memref_slice %arg6[%add3A_128, %dma_start3A_129] : memref<40x128xi32, #tpu.memory_space<vmem>> -> memref<1x128xi32, #tpu.memory_space<vmem>>
        %dma_start3A_131 = tpu.memref_squeeze %dma_start3A_130 : memref<1x128xi32, #tpu.memory_space<vmem>> -> memref<128xi32, #tpu.memory_space<vmem>>
        %dma_start3A_132 = arith.constant 0 : i32
        %dma_start3A_133 = arith.constant 0 : i32
        %dma_start3A_134 = tpu.memref_slice %arg2[%dma_start3A_132, %dma_start3A_133] : memref<20224x128xf32, #tpu.memory_space<hbm>> -> memref<20224x128xf32, #tpu.memory_space<hbm>>
        tpu.enqueue_indirect_dma source(%dma_start3A_134 : memref<20224x128xf32, #tpu.memory_space<hbm>>) target(%arg9 : memref<128x128xf32, #tpu.memory_space<vmem>>) offsets(%dma_start3A_131 : memref<128xi32, #tpu.memory_space<vmem>>) semaphore(%arg12 : memref<!tpu.dma_semaphore, #tpu.memory_space<semaphore_mem>>)
      } else {
      }
    }
    %scan3A_56 = arith.constant 20 : i32
    %barrier3A_57 = arith.constant 0 : index
    tpu.barrier barrier_id(%barrier3A_57)
    %mul3A_58 = arith.constant 632 : i32
    %mul3A_59 = arith.muli %arg1, %mul3A_58 : i32
    %mul3A_60 = arith.constant 632 : i32
    %mul3A_61 = arith.muli %arg1, %mul3A_60 : i32
    "tpu.region"() ({
      %run_scoped3A = tpu.sem_alloc : memref<!tpu.dma_semaphore, #tpu.memory_space<semaphore_mem>>
      %dma_start3A_62 = arith.constant 0 : i32
      %dma_start3A_63 = tpu.memref_slice %arg5[%arg0, %mul3A_61, %dma_start3A_62] : memref<2x10112x128xf32, #tpu.memory_space<hbm>> -> memref<1x632x128xf32, #tpu.memory_space<hbm>>
      %dma_start3A_64 = tpu.memref_squeeze %dma_start3A_63 : memref<1x632x128xf32, #tpu.memory_space<hbm>> -> memref<632x128xf32, #tpu.memory_space<hbm>>
      %dma_start3A_65 = arith.constant 0 : i32
      %dma_start3A_66 = tpu.memref_slice %arg10[%mul3A_59, %dma_start3A_65] : memref<10112x128xf32, #tpu.memory_space<vmem_shared>> -> memref<632x128xf32, #tpu.memory_space<vmem_shared>>
      tpu.enqueue_dma source(%dma_start3A_66 : memref<632x128xf32, #tpu.memory_space<vmem_shared>>) target(%dma_start3A_64 : memref<632x128xf32, #tpu.memory_space<hbm>>) target_semaphore(%run_scoped3A : memref<!tpu.dma_semaphore, #tpu.memory_space<semaphore_mem>>)
      %dma_wait3A = arith.constant 0 : i32
      %dma_wait3A_67 = tpu.memref_slice %arg5[%arg0, %mul3A_61, %dma_wait3A] : memref<2x10112x128xf32, #tpu.memory_space<hbm>> -> memref<1x632x128xf32, #tpu.memory_space<hbm>>
      %dma_wait3A_68 = tpu.memref_squeeze %dma_wait3A_67 : memref<1x632x128xf32, #tpu.memory_space<hbm>> -> memref<632x128xf32, #tpu.memory_space<hbm>>
      %dma_wait3A_69 = arith.constant 0 : i32
      %dma_wait3A_70 = tpu.memref_slice %arg10[%mul3A_59, %dma_wait3A_69] : memref<10112x128xf32, #tpu.memory_space<vmem_shared>> -> memref<632x128xf32, #tpu.memory_space<vmem_shared>>
      tpu.wait_dma2 semaphore(%run_scoped3A : memref<!tpu.dma_semaphore, #tpu.memory_space<semaphore_mem>>) src(%dma_wait3A_70 : memref<632x128xf32, #tpu.memory_space<vmem_shared>>) dst(%dma_wait3A_68 : memref<632x128xf32, #tpu.memory_space<hbm>>)
      tpu.yield
    }) : () -> ()
    return
  }
}

#map = affine_map<(d0, d1) -> (0, 0)>
#map1 = affine_map<(d0, d1) -> (0, 0, 0)>
module attributes {stable_mosaic.version = 14 : i64} {
  func.func @_msg_body(%arg0: i32, %arg1: i32, %arg2: memref<20224x128xf32, #tpu.memory_space<hbm>>, %arg3: memref<2x1280x128xi32, #tpu.memory_space<hbm>>, %arg4: memref<1280x128xi32, #tpu.memory_space<hbm>>, %arg5: memref<2x10112x128xf32, #tpu.memory_space<hbm>>, %arg6: memref<40x128xi32, #tpu.memory_space<vmem>>, %arg7: memref<40x128xi32, #tpu.memory_space<vmem>>, %arg8: memref<128x128xf32, #tpu.memory_space<vmem>>, %arg9: memref<128x128xf32, #tpu.memory_space<vmem>>, %arg10: memref<10112x128xf32, #tpu.memory_space<vmem_shared>>, %arg11: memref<!tpu.dma_semaphore, #tpu.memory_space<semaphore_mem>>, %arg12: memref<!tpu.dma_semaphore, #tpu.memory_space<semaphore_mem>>, %arg13: memref<!tpu.dma_semaphore, #tpu.memory_space<semaphore_mem>>, %arg14: memref<!tpu.dma_semaphore, #tpu.memory_space<semaphore_mem>>) attributes {dimension_semantics = [#tpu.dimension_semantics<core_parallel>, #tpu.dimension_semantics<subcore_parallel>], iteration_bounds = array<i64: 2, 16>, scalar_prefetch = 0 : i64, scratch_operands = 9 : i64, tpu.core_type = #tpu.core_type<sc_vector_subcore>, window_params = [{transform_indices = #map}, {transform_indices = #map1}, {transform_indices = #map}, {transform_indices = #map1}]} {
    %mul3A = arith.constant 10112 : i32
    %mul3A_0 = arith.muli %arg0, %mul3A : i32
    %mul3A_1 = arith.constant 632 : i32
    %mul3A_2 = arith.muli %arg1, %mul3A_1 : i32
    %add3A = arith.addi %mul3A_0, %mul3A_2 : i32
    %mul3A_3 = arith.constant 632 : i32
    %mul3A_4 = arith.muli %arg1, %mul3A_3 : i32
    "tpu.region"() ({
      %run_scoped3A = tpu.sem_alloc : memref<!tpu.dma_semaphore, #tpu.memory_space<semaphore_mem>>
      %dma_start3A_62 = arith.constant 0 : i32
      %dma_start3A_63 = tpu.memref_slice %arg10[%mul3A_4, %dma_start3A_62] : memref<10112x128xf32, #tpu.memory_space<vmem_shared>> -> memref<632x128xf32, #tpu.memory_space<vmem_shared>>
      %dma_start3A_64 = arith.constant 0 : i32
      %dma_start3A_65 = tpu.memref_slice %arg2[%add3A, %dma_start3A_64] : memref<20224x128xf32, #tpu.memory_space<hbm>> -> memref<632x128xf32, #tpu.memory_space<hbm>>
      tpu.enqueue_dma source(%dma_start3A_65 : memref<632x128xf32, #tpu.memory_space<hbm>>) target(%dma_start3A_63 : memref<632x128xf32, #tpu.memory_space<vmem_shared>>) target_semaphore(%run_scoped3A : memref<!tpu.dma_semaphore, #tpu.memory_space<semaphore_mem>>)
      %dma_wait3A = arith.constant 0 : i32
      %dma_wait3A_66 = tpu.memref_slice %arg10[%mul3A_4, %dma_wait3A] : memref<10112x128xf32, #tpu.memory_space<vmem_shared>> -> memref<632x128xf32, #tpu.memory_space<vmem_shared>>
      %dma_wait3A_67 = arith.constant 0 : i32
      %dma_wait3A_68 = tpu.memref_slice %arg2[%add3A, %dma_wait3A_67] : memref<20224x128xf32, #tpu.memory_space<hbm>> -> memref<632x128xf32, #tpu.memory_space<hbm>>
      tpu.wait_dma2 semaphore(%run_scoped3A : memref<!tpu.dma_semaphore, #tpu.memory_space<semaphore_mem>>) src(%dma_wait3A_68 : memref<632x128xf32, #tpu.memory_space<hbm>>) dst(%dma_wait3A_66 : memref<632x128xf32, #tpu.memory_space<vmem_shared>>)
      tpu.yield
    }) : () -> ()
    %barrier3A = arith.constant 0 : index
    tpu.barrier barrier_id(%barrier3A)
    %mul3A_5 = arith.constant 80 : i32
    %mul3A_6 = arith.muli %arg1, %mul3A_5 : i32
    %add3A_7 = arith.constant 0 : i32
    %add3A_8 = arith.addi %mul3A_6, %add3A_7 : i32
    "tpu.region"() ({
      %run_scoped3A = tpu.sem_alloc : memref<!tpu.dma_semaphore, #tpu.memory_space<semaphore_mem>>
      %dma_start3A_62 = arith.constant 0 : i32
      %dma_start3A_63 = tpu.memref_slice %arg3[%arg0, %add3A_8, %dma_start3A_62] : memref<2x1280x128xi32, #tpu.memory_space<hbm>> -> memref<1x40x128xi32, #tpu.memory_space<hbm>>
      %dma_start3A_64 = tpu.memref_squeeze %dma_start3A_63 : memref<1x40x128xi32, #tpu.memory_space<hbm>> -> memref<40x128xi32, #tpu.memory_space<hbm>>
      %dma_start3A_65 = arith.constant 0 : i32
      %dma_start3A_66 = tpu.memref_slice %arg3[%arg0, %add3A_8, %dma_start3A_65] : memref<2x1280x128xi32, #tpu.memory_space<hbm>> -> memref<1x40x128xi32, #tpu.memory_space<hbm>>
      %dma_start3A_67 = tpu.memref_squeeze %dma_start3A_66 : memref<1x40x128xi32, #tpu.memory_space<hbm>> -> memref<40x128xi32, #tpu.memory_space<hbm>>
      tpu.enqueue_dma source(%dma_start3A_67 : memref<40x128xi32, #tpu.memory_space<hbm>>) target(%arg6 : memref<40x128xi32, #tpu.memory_space<vmem>>) target_semaphore(%run_scoped3A : memref<!tpu.dma_semaphore, #tpu.memory_space<semaphore_mem>>)
      %dma_wait3A = arith.constant 0 : i32
      %dma_wait3A_68 = tpu.memref_slice %arg3[%arg0, %add3A_8, %dma_wait3A] : memref<2x1280x128xi32, #tpu.memory_space<hbm>> -> memref<1x40x128xi32, #tpu.memory_space<hbm>>
      %dma_wait3A_69 = tpu.memref_squeeze %dma_wait3A_68 : memref<1x40x128xi32, #tpu.memory_space<hbm>> -> memref<40x128xi32, #tpu.memory_space<hbm>>
      %dma_wait3A_70 = arith.constant 0 : i32
      %dma_wait3A_71 = tpu.memref_slice %arg3[%arg0, %add3A_8, %dma_wait3A_70] : memref<2x1280x128xi32, #tpu.memory_space<hbm>> -> memref<1x40x128xi32, #tpu.memory_space<hbm>>
      %dma_wait3A_72 = tpu.memref_squeeze %dma_wait3A_71 : memref<1x40x128xi32, #tpu.memory_space<hbm>> -> memref<40x128xi32, #tpu.memory_space<hbm>>
      tpu.wait_dma2 semaphore(%run_scoped3A : memref<!tpu.dma_semaphore, #tpu.memory_space<semaphore_mem>>) src(%dma_wait3A_72 : memref<40x128xi32, #tpu.memory_space<hbm>>) dst(%arg6 : memref<40x128xi32, #tpu.memory_space<vmem>>)
      tpu.yield
    }) : () -> ()
    %mul3A_9 = arith.constant 80 : i32
    %mul3A_10 = arith.muli %arg1, %mul3A_9 : i32
    %add3A_11 = arith.constant 0 : i32
    %add3A_12 = arith.addi %mul3A_10, %add3A_11 : i32
    "tpu.region"() ({
      %run_scoped3A = tpu.sem_alloc : memref<!tpu.dma_semaphore, #tpu.memory_space<semaphore_mem>>
      %dma_start3A_62 = arith.constant 0 : i32
      %dma_start3A_63 = tpu.memref_slice %arg4[%add3A_12, %dma_start3A_62] : memref<1280x128xi32, #tpu.memory_space<hbm>> -> memref<40x128xi32, #tpu.memory_space<hbm>>
      %dma_start3A_64 = arith.constant 0 : i32
      %dma_start3A_65 = tpu.memref_slice %arg4[%add3A_12, %dma_start3A_64] : memref<1280x128xi32, #tpu.memory_space<hbm>> -> memref<40x128xi32, #tpu.memory_space<hbm>>
      tpu.enqueue_dma source(%dma_start3A_65 : memref<40x128xi32, #tpu.memory_space<hbm>>) target(%arg7 : memref<40x128xi32, #tpu.memory_space<vmem>>) target_semaphore(%run_scoped3A : memref<!tpu.dma_semaphore, #tpu.memory_space<semaphore_mem>>)
      %dma_wait3A = arith.constant 0 : i32
      %dma_wait3A_66 = tpu.memref_slice %arg4[%add3A_12, %dma_wait3A] : memref<1280x128xi32, #tpu.memory_space<hbm>> -> memref<40x128xi32, #tpu.memory_space<hbm>>
      %dma_wait3A_67 = arith.constant 0 : i32
      %dma_wait3A_68 = tpu.memref_slice %arg4[%add3A_12, %dma_wait3A_67] : memref<1280x128xi32, #tpu.memory_space<hbm>> -> memref<40x128xi32, #tpu.memory_space<hbm>>
      tpu.wait_dma2 semaphore(%run_scoped3A : memref<!tpu.dma_semaphore, #tpu.memory_space<semaphore_mem>>) src(%dma_wait3A_68 : memref<40x128xi32, #tpu.memory_space<hbm>>) dst(%arg7 : memref<40x128xi32, #tpu.memory_space<vmem>>)
      tpu.yield
    }) : () -> ()
    %dma_start3A = arith.constant 0 : i32
    %dma_start3A_13 = arith.constant 0 : i32
    %dma_start3A_14 = tpu.memref_slice %arg6[%dma_start3A, %dma_start3A_13] : memref<40x128xi32, #tpu.memory_space<vmem>> -> memref<1x128xi32, #tpu.memory_space<vmem>>
    %dma_start3A_15 = tpu.memref_squeeze %dma_start3A_14 : memref<1x128xi32, #tpu.memory_space<vmem>> -> memref<128xi32, #tpu.memory_space<vmem>>
    %dma_start3A_16 = arith.constant 0 : i32
    %dma_start3A_17 = arith.constant 0 : i32
    %dma_start3A_18 = tpu.memref_slice %arg2[%dma_start3A_16, %dma_start3A_17] : memref<20224x128xf32, #tpu.memory_space<hbm>> -> memref<20224x128xf32, #tpu.memory_space<hbm>>
    tpu.enqueue_indirect_dma source(%dma_start3A_18 : memref<20224x128xf32, #tpu.memory_space<hbm>>) target(%arg8 : memref<128x128xf32, #tpu.memory_space<vmem>>) offsets(%dma_start3A_15 : memref<128xi32, #tpu.memory_space<vmem>>) semaphore(%arg11 : memref<!tpu.dma_semaphore, #tpu.memory_space<semaphore_mem>>)
    %dma_start3A_19 = arith.constant 1 : i32
    %dma_start3A_20 = arith.constant 0 : i32
    %dma_start3A_21 = tpu.memref_slice %arg6[%dma_start3A_19, %dma_start3A_20] : memref<40x128xi32, #tpu.memory_space<vmem>> -> memref<1x128xi32, #tpu.memory_space<vmem>>
    %dma_start3A_22 = tpu.memref_squeeze %dma_start3A_21 : memref<1x128xi32, #tpu.memory_space<vmem>> -> memref<128xi32, #tpu.memory_space<vmem>>
    %dma_start3A_23 = arith.constant 0 : i32
    %dma_start3A_24 = arith.constant 0 : i32
    %dma_start3A_25 = tpu.memref_slice %arg2[%dma_start3A_23, %dma_start3A_24] : memref<20224x128xf32, #tpu.memory_space<hbm>> -> memref<20224x128xf32, #tpu.memory_space<hbm>>
    tpu.enqueue_indirect_dma source(%dma_start3A_25 : memref<20224x128xf32, #tpu.memory_space<hbm>>) target(%arg9 : memref<128x128xf32, #tpu.memory_space<vmem>>) offsets(%dma_start3A_22 : memref<128xi32, #tpu.memory_space<vmem>>) semaphore(%arg12 : memref<!tpu.dma_semaphore, #tpu.memory_space<semaphore_mem>>)
    %scan3A = arith.constant 0 : i32
    %scan3A_26 = arith.constant 20 : i32
    %scan3A_27 = arith.addi %scan3A, %scan3A_26 : i32
    %scan3A_28 = arith.constant 1 : i32
    scf.for %scan3A_62 = %scan3A to %scan3A_27 step %scan3A_28  : i32 {
      %mul3A_63 = arith.constant 2 : i32
      %mul3A_64 = arith.muli %scan3A_62, %mul3A_63 : i32
      %add3A_65 = arith.constant 0 : i32
      %add3A_66 = arith.addi %add3A_65, %mul3A_64 : i32
      %add3A_67 = arith.constant 0 : i32
      %add3A_68 = arith.addi %add3A_66, %add3A_67 : i32
      %dma_wait3A = arith.constant 0 : i32
      %dma_wait3A_69 = tpu.memref_slice %arg6[%add3A_68, %dma_wait3A] : memref<40x128xi32, #tpu.memory_space<vmem>> -> memref<1x128xi32, #tpu.memory_space<vmem>>
      %dma_wait3A_70 = tpu.memref_squeeze %dma_wait3A_69 : memref<1x128xi32, #tpu.memory_space<vmem>> -> memref<128xi32, #tpu.memory_space<vmem>>
      %dma_wait3A_71 = arith.constant 0 : i32
      %dma_wait3A_72 = arith.constant 0 : i32
      %dma_wait3A_73 = tpu.memref_slice %arg2[%dma_wait3A_71, %dma_wait3A_72] : memref<20224x128xf32, #tpu.memory_space<hbm>> -> memref<20224x128xf32, #tpu.memory_space<hbm>>
      tpu.wait_indirect_dma semaphore(%arg11 : memref<!tpu.dma_semaphore, #tpu.memory_space<semaphore_mem>>) src(%dma_wait3A_73 : memref<20224x128xf32, #tpu.memory_space<hbm>>) dst(%arg8 : memref<128x128xf32, #tpu.memory_space<vmem>>)
      %add3A_74 = arith.constant 0 : i32
      %add3A_75 = arith.addi %add3A_66, %add3A_74 : i32
      %dma_start3A_76 = arith.constant 0 : i32
      %dma_start3A_77 = tpu.memref_slice %arg7[%add3A_75, %dma_start3A_76] : memref<40x128xi32, #tpu.memory_space<vmem>> -> memref<1x128xi32, #tpu.memory_space<vmem>>
      %dma_start3A_78 = tpu.memref_squeeze %dma_start3A_77 : memref<1x128xi32, #tpu.memory_space<vmem>> -> memref<128xi32, #tpu.memory_space<vmem>>
      %dma_start3A_79 = arith.constant 0 : i32
      %dma_start3A_80 = arith.constant 0 : i32
      %dma_start3A_81 = tpu.memref_slice %arg10[%dma_start3A_79, %dma_start3A_80] : memref<10112x128xf32, #tpu.memory_space<vmem_shared>> -> memref<10112x128xf32, #tpu.memory_space<vmem_shared>>
      tpu.enqueue_indirect_dma source(%arg8 : memref<128x128xf32, #tpu.memory_space<vmem>>) target(%dma_start3A_81 : memref<10112x128xf32, #tpu.memory_space<vmem_shared>>) offsets(%dma_start3A_78 : memref<128xi32, #tpu.memory_space<vmem>>) semaphore(%arg13 : memref<!tpu.dma_semaphore, #tpu.memory_space<semaphore_mem>>) {add = true}
      %add3A_82 = arith.constant 1 : i32
      %add3A_83 = arith.addi %add3A_66, %add3A_82 : i32
      %dma_wait3A_84 = arith.constant 0 : i32
      %dma_wait3A_85 = tpu.memref_slice %arg6[%add3A_83, %dma_wait3A_84] : memref<40x128xi32, #tpu.memory_space<vmem>> -> memref<1x128xi32, #tpu.memory_space<vmem>>
      %dma_wait3A_86 = tpu.memref_squeeze %dma_wait3A_85 : memref<1x128xi32, #tpu.memory_space<vmem>> -> memref<128xi32, #tpu.memory_space<vmem>>
      %dma_wait3A_87 = arith.constant 0 : i32
      %dma_wait3A_88 = arith.constant 0 : i32
      %dma_wait3A_89 = tpu.memref_slice %arg2[%dma_wait3A_87, %dma_wait3A_88] : memref<20224x128xf32, #tpu.memory_space<hbm>> -> memref<20224x128xf32, #tpu.memory_space<hbm>>
      tpu.wait_indirect_dma semaphore(%arg12 : memref<!tpu.dma_semaphore, #tpu.memory_space<semaphore_mem>>) src(%dma_wait3A_89 : memref<20224x128xf32, #tpu.memory_space<hbm>>) dst(%arg9 : memref<128x128xf32, #tpu.memory_space<vmem>>)
      %add3A_90 = arith.constant 1 : i32
      %add3A_91 = arith.addi %add3A_66, %add3A_90 : i32
      %dma_start3A_92 = arith.constant 0 : i32
      %dma_start3A_93 = tpu.memref_slice %arg7[%add3A_91, %dma_start3A_92] : memref<40x128xi32, #tpu.memory_space<vmem>> -> memref<1x128xi32, #tpu.memory_space<vmem>>
      %dma_start3A_94 = tpu.memref_squeeze %dma_start3A_93 : memref<1x128xi32, #tpu.memory_space<vmem>> -> memref<128xi32, #tpu.memory_space<vmem>>
      %dma_start3A_95 = arith.constant 0 : i32
      %dma_start3A_96 = arith.constant 0 : i32
      %dma_start3A_97 = tpu.memref_slice %arg10[%dma_start3A_95, %dma_start3A_96] : memref<10112x128xf32, #tpu.memory_space<vmem_shared>> -> memref<10112x128xf32, #tpu.memory_space<vmem_shared>>
      tpu.enqueue_indirect_dma source(%arg9 : memref<128x128xf32, #tpu.memory_space<vmem>>) target(%dma_start3A_97 : memref<10112x128xf32, #tpu.memory_space<vmem_shared>>) offsets(%dma_start3A_94 : memref<128xi32, #tpu.memory_space<vmem>>) semaphore(%arg14 : memref<!tpu.dma_semaphore, #tpu.memory_space<semaphore_mem>>) {add = true}
      %add3A_98 = arith.constant 0 : i32
      %add3A_99 = arith.addi %add3A_66, %add3A_98 : i32
      %dma_wait3A_100 = arith.constant 0 : i32
      %dma_wait3A_101 = tpu.memref_slice %arg7[%add3A_99, %dma_wait3A_100] : memref<40x128xi32, #tpu.memory_space<vmem>> -> memref<1x128xi32, #tpu.memory_space<vmem>>
      %dma_wait3A_102 = tpu.memref_squeeze %dma_wait3A_101 : memref<1x128xi32, #tpu.memory_space<vmem>> -> memref<128xi32, #tpu.memory_space<vmem>>
      %dma_wait3A_103 = arith.constant 0 : i32
      %dma_wait3A_104 = arith.constant 0 : i32
      %dma_wait3A_105 = tpu.memref_slice %arg10[%dma_wait3A_103, %dma_wait3A_104] : memref<10112x128xf32, #tpu.memory_space<vmem_shared>> -> memref<10112x128xf32, #tpu.memory_space<vmem_shared>>
      tpu.wait_indirect_dma semaphore(%arg13 : memref<!tpu.dma_semaphore, #tpu.memory_space<semaphore_mem>>) src(%arg8 : memref<128x128xf32, #tpu.memory_space<vmem>>) dst(%dma_wait3A_105 : memref<10112x128xf32, #tpu.memory_space<vmem_shared>>)
      %add3A_106 = arith.constant 2 : i32
      %add3A_107 = arith.addi %add3A_66, %add3A_106 : i32
      %lt3A = arith.constant 40 : i32
      %lt3A_108 = arith.cmpi slt, %add3A_107, %lt3A : i32
      %convert_element_type3A = arith.extui %lt3A_108 : i1 to i32
      %cond3A = arith.constant 0 : i32
      %cond3A_109 = arith.cmpi ne, %convert_element_type3A, %cond3A : i32
      scf.if %cond3A_109 {
        %add3A_125 = arith.constant 0 : i32
        %add3A_126 = arith.addi %add3A_66, %add3A_125 : i32
        %add3A_127 = arith.constant 2 : i32
        %add3A_128 = arith.addi %add3A_126, %add3A_127 : i32
        %dma_start3A_129 = arith.constant 0 : i32
        %dma_start3A_130 = tpu.memref_slice %arg6[%add3A_128, %dma_start3A_129] : memref<40x128xi32, #tpu.memory_space<vmem>> -> memref<1x128xi32, #tpu.memory_space<vmem>>
        %dma_start3A_131 = tpu.memref_squeeze %dma_start3A_130 : memref<1x128xi32, #tpu.memory_space<vmem>> -> memref<128xi32, #tpu.memory_space<vmem>>
        %dma_start3A_132 = arith.constant 0 : i32
        %dma_start3A_133 = arith.constant 0 : i32
        %dma_start3A_134 = tpu.memref_slice %arg2[%dma_start3A_132, %dma_start3A_133] : memref<20224x128xf32, #tpu.memory_space<hbm>> -> memref<20224x128xf32, #tpu.memory_space<hbm>>
        tpu.enqueue_indirect_dma source(%dma_start3A_134 : memref<20224x128xf32, #tpu.memory_space<hbm>>) target(%arg8 : memref<128x128xf32, #tpu.memory_space<vmem>>) offsets(%dma_start3A_131 : memref<128xi32, #tpu.memory_space<vmem>>) semaphore(%arg11 : memref<!tpu.dma_semaphore, #tpu.memory_space<semaphore_mem>>)
      } else {
      }
      %add3A_110 = arith.constant 1 : i32
      %add3A_111 = arith.addi %add3A_66, %add3A_110 : i32
      %dma_wait3A_112 = arith.constant 0 : i32
      %dma_wait3A_113 = tpu.memref_slice %arg7[%add3A_111, %dma_wait3A_112] : memref<40x128xi32, #tpu.memory_space<vmem>> -> memref<1x128xi32, #tpu.memory_space<vmem>>
      %dma_wait3A_114 = tpu.memref_squeeze %dma_wait3A_113 : memref<1x128xi32, #tpu.memory_space<vmem>> -> memref<128xi32, #tpu.memory_space<vmem>>
      %dma_wait3A_115 = arith.constant 0 : i32
      %dma_wait3A_116 = arith.constant 0 : i32
      %dma_wait3A_117 = tpu.memref_slice %arg10[%dma_wait3A_115, %dma_wait3A_116] : memref<10112x128xf32, #tpu.memory_space<vmem_shared>> -> memref<10112x128xf32, #tpu.memory_space<vmem_shared>>
      tpu.wait_indirect_dma semaphore(%arg14 : memref<!tpu.dma_semaphore, #tpu.memory_space<semaphore_mem>>) src(%arg9 : memref<128x128xf32, #tpu.memory_space<vmem>>) dst(%dma_wait3A_117 : memref<10112x128xf32, #tpu.memory_space<vmem_shared>>)
      %add3A_118 = arith.constant 2 : i32
      %add3A_119 = arith.addi %add3A_66, %add3A_118 : i32
      %lt3A_120 = arith.constant 40 : i32
      %lt3A_121 = arith.cmpi slt, %add3A_119, %lt3A_120 : i32
      %convert_element_type3A_122 = arith.extui %lt3A_121 : i1 to i32
      %cond3A_123 = arith.constant 0 : i32
      %cond3A_124 = arith.cmpi ne, %convert_element_type3A_122, %cond3A_123 : i32
      scf.if %cond3A_124 {
        %add3A_125 = arith.constant 1 : i32
        %add3A_126 = arith.addi %add3A_66, %add3A_125 : i32
        %add3A_127 = arith.constant 2 : i32
        %add3A_128 = arith.addi %add3A_126, %add3A_127 : i32
        %dma_start3A_129 = arith.constant 0 : i32
        %dma_start3A_130 = tpu.memref_slice %arg6[%add3A_128, %dma_start3A_129] : memref<40x128xi32, #tpu.memory_space<vmem>> -> memref<1x128xi32, #tpu.memory_space<vmem>>
        %dma_start3A_131 = tpu.memref_squeeze %dma_start3A_130 : memref<1x128xi32, #tpu.memory_space<vmem>> -> memref<128xi32, #tpu.memory_space<vmem>>
        %dma_start3A_132 = arith.constant 0 : i32
        %dma_start3A_133 = arith.constant 0 : i32
        %dma_start3A_134 = tpu.memref_slice %arg2[%dma_start3A_132, %dma_start3A_133] : memref<20224x128xf32, #tpu.memory_space<hbm>> -> memref<20224x128xf32, #tpu.memory_space<hbm>>
        tpu.enqueue_indirect_dma source(%dma_start3A_134 : memref<20224x128xf32, #tpu.memory_space<hbm>>) target(%arg9 : memref<128x128xf32, #tpu.memory_space<vmem>>) offsets(%dma_start3A_131 : memref<128xi32, #tpu.memory_space<vmem>>) semaphore(%arg12 : memref<!tpu.dma_semaphore, #tpu.memory_space<semaphore_mem>>)
      } else {
      }
    }
    %scan3A_29 = arith.constant 20 : i32
    %mul3A_30 = arith.constant 80 : i32
    %mul3A_31 = arith.muli %arg1, %mul3A_30 : i32
    %add3A_32 = arith.constant 40 : i32
    %add3A_33 = arith.addi %mul3A_31, %add3A_32 : i32
    "tpu.region"() ({
      %run_scoped3A = tpu.sem_alloc : memref<!tpu.dma_semaphore, #tpu.memory_space<semaphore_mem>>
      %dma_start3A_62 = arith.constant 0 : i32
      %dma_start3A_63 = tpu.memref_slice %arg3[%arg0, %add3A_33, %dma_start3A_62] : memref<2x1280x128xi32, #tpu.memory_space<hbm>> -> memref<1x40x128xi32, #tpu.memory_space<hbm>>
      %dma_start3A_64 = tpu.memref_squeeze %dma_start3A_63 : memref<1x40x128xi32, #tpu.memory_space<hbm>> -> memref<40x128xi32, #tpu.memory_space<hbm>>
      %dma_start3A_65 = arith.constant 0 : i32
      %dma_start3A_66 = tpu.memref_slice %arg3[%arg0, %add3A_33, %dma_start3A_65] : memref<2x1280x128xi32, #tpu.memory_space<hbm>> -> memref<1x40x128xi32, #tpu.memory_space<hbm>>
      %dma_start3A_67 = tpu.memref_squeeze %dma_start3A_66 : memref<1x40x128xi32, #tpu.memory_space<hbm>> -> memref<40x128xi32, #tpu.memory_space<hbm>>
      tpu.enqueue_dma source(%dma_start3A_67 : memref<40x128xi32, #tpu.memory_space<hbm>>) target(%arg6 : memref<40x128xi32, #tpu.memory_space<vmem>>) target_semaphore(%run_scoped3A : memref<!tpu.dma_semaphore, #tpu.memory_space<semaphore_mem>>)
      %dma_wait3A = arith.constant 0 : i32
      %dma_wait3A_68 = tpu.memref_slice %arg3[%arg0, %add3A_33, %dma_wait3A] : memref<2x1280x128xi32, #tpu.memory_space<hbm>> -> memref<1x40x128xi32, #tpu.memory_space<hbm>>
      %dma_wait3A_69 = tpu.memref_squeeze %dma_wait3A_68 : memref<1x40x128xi32, #tpu.memory_space<hbm>> -> memref<40x128xi32, #tpu.memory_space<hbm>>
      %dma_wait3A_70 = arith.constant 0 : i32
      %dma_wait3A_71 = tpu.memref_slice %arg3[%arg0, %add3A_33, %dma_wait3A_70] : memref<2x1280x128xi32, #tpu.memory_space<hbm>> -> memref<1x40x128xi32, #tpu.memory_space<hbm>>
      %dma_wait3A_72 = tpu.memref_squeeze %dma_wait3A_71 : memref<1x40x128xi32, #tpu.memory_space<hbm>> -> memref<40x128xi32, #tpu.memory_space<hbm>>
      tpu.wait_dma2 semaphore(%run_scoped3A : memref<!tpu.dma_semaphore, #tpu.memory_space<semaphore_mem>>) src(%dma_wait3A_72 : memref<40x128xi32, #tpu.memory_space<hbm>>) dst(%arg6 : memref<40x128xi32, #tpu.memory_space<vmem>>)
      tpu.yield
    }) : () -> ()
    %mul3A_34 = arith.constant 80 : i32
    %mul3A_35 = arith.muli %arg1, %mul3A_34 : i32
    %add3A_36 = arith.constant 40 : i32
    %add3A_37 = arith.addi %mul3A_35, %add3A_36 : i32
    "tpu.region"() ({
      %run_scoped3A = tpu.sem_alloc : memref<!tpu.dma_semaphore, #tpu.memory_space<semaphore_mem>>
      %dma_start3A_62 = arith.constant 0 : i32
      %dma_start3A_63 = tpu.memref_slice %arg4[%add3A_37, %dma_start3A_62] : memref<1280x128xi32, #tpu.memory_space<hbm>> -> memref<40x128xi32, #tpu.memory_space<hbm>>
      %dma_start3A_64 = arith.constant 0 : i32
      %dma_start3A_65 = tpu.memref_slice %arg4[%add3A_37, %dma_start3A_64] : memref<1280x128xi32, #tpu.memory_space<hbm>> -> memref<40x128xi32, #tpu.memory_space<hbm>>
      tpu.enqueue_dma source(%dma_start3A_65 : memref<40x128xi32, #tpu.memory_space<hbm>>) target(%arg7 : memref<40x128xi32, #tpu.memory_space<vmem>>) target_semaphore(%run_scoped3A : memref<!tpu.dma_semaphore, #tpu.memory_space<semaphore_mem>>)
      %dma_wait3A = arith.constant 0 : i32
      %dma_wait3A_66 = tpu.memref_slice %arg4[%add3A_37, %dma_wait3A] : memref<1280x128xi32, #tpu.memory_space<hbm>> -> memref<40x128xi32, #tpu.memory_space<hbm>>
      %dma_wait3A_67 = arith.constant 0 : i32
      %dma_wait3A_68 = tpu.memref_slice %arg4[%add3A_37, %dma_wait3A_67] : memref<1280x128xi32, #tpu.memory_space<hbm>> -> memref<40x128xi32, #tpu.memory_space<hbm>>
      tpu.wait_dma2 semaphore(%run_scoped3A : memref<!tpu.dma_semaphore, #tpu.memory_space<semaphore_mem>>) src(%dma_wait3A_68 : memref<40x128xi32, #tpu.memory_space<hbm>>) dst(%arg7 : memref<40x128xi32, #tpu.memory_space<vmem>>)
      tpu.yield
    }) : () -> ()
    %dma_start3A_38 = arith.constant 0 : i32
    %dma_start3A_39 = arith.constant 0 : i32
    %dma_start3A_40 = tpu.memref_slice %arg6[%dma_start3A_38, %dma_start3A_39] : memref<40x128xi32, #tpu.memory_space<vmem>> -> memref<1x128xi32, #tpu.memory_space<vmem>>
    %dma_start3A_41 = tpu.memref_squeeze %dma_start3A_40 : memref<1x128xi32, #tpu.memory_space<vmem>> -> memref<128xi32, #tpu.memory_space<vmem>>
    %dma_start3A_42 = arith.constant 0 : i32
    %dma_start3A_43 = arith.constant 0 : i32
    %dma_start3A_44 = tpu.memref_slice %arg2[%dma_start3A_42, %dma_start3A_43] : memref<20224x128xf32, #tpu.memory_space<hbm>> -> memref<20224x128xf32, #tpu.memory_space<hbm>>
    tpu.enqueue_indirect_dma source(%dma_start3A_44 : memref<20224x128xf32, #tpu.memory_space<hbm>>) target(%arg8 : memref<128x128xf32, #tpu.memory_space<vmem>>) offsets(%dma_start3A_41 : memref<128xi32, #tpu.memory_space<vmem>>) semaphore(%arg11 : memref<!tpu.dma_semaphore, #tpu.memory_space<semaphore_mem>>)
    %dma_start3A_45 = arith.constant 1 : i32
    %dma_start3A_46 = arith.constant 0 : i32
    %dma_start3A_47 = tpu.memref_slice %arg6[%dma_start3A_45, %dma_start3A_46] : memref<40x128xi32, #tpu.memory_space<vmem>> -> memref<1x128xi32, #tpu.memory_space<vmem>>
    %dma_start3A_48 = tpu.memref_squeeze %dma_start3A_47 : memref<1x128xi32, #tpu.memory_space<vmem>> -> memref<128xi32, #tpu.memory_space<vmem>>
    %dma_start3A_49 = arith.constant 0 : i32
    %dma_start3A_50 = arith.constant 0 : i32
    %dma_start3A_51 = tpu.memref_slice %arg2[%dma_start3A_49, %dma_start3A_50] : memref<20224x128xf32, #tpu.memory_space<hbm>> -> memref<20224x128xf32, #tpu.memory_space<hbm>>
    tpu.enqueue_indirect_dma source(%dma_start3A_51 : memref<20224x128xf32, #tpu.memory_space<hbm>>) target(%arg9 : memref<128x128xf32, #tpu.memory_space<vmem>>) offsets(%dma_start3A_48 : memref<128xi32, #tpu.memory_space<vmem>>) semaphore(%arg12 : memref<!tpu.dma_semaphore, #tpu.memory_space<semaphore_mem>>)
    %scan3A_52 = arith.constant 0 : i32
    %scan3A_53 = arith.constant 20 : i32
    %scan3A_54 = arith.addi %scan3A_52, %scan3A_53 : i32
    %scan3A_55 = arith.constant 1 : i32
    scf.for %scan3A_62 = %scan3A_52 to %scan3A_54 step %scan3A_55  : i32 {
      %mul3A_63 = arith.constant 2 : i32
      %mul3A_64 = arith.muli %scan3A_62, %mul3A_63 : i32
      %add3A_65 = arith.constant 0 : i32
      %add3A_66 = arith.addi %add3A_65, %mul3A_64 : i32
      %add3A_67 = arith.constant 0 : i32
      %add3A_68 = arith.addi %add3A_66, %add3A_67 : i32
      %dma_wait3A = arith.constant 0 : i32
      %dma_wait3A_69 = tpu.memref_slice %arg6[%add3A_68, %dma_wait3A] : memref<40x128xi32, #tpu.memory_space<vmem>> -> memref<1x128xi32, #tpu.memory_space<vmem>>
      %dma_wait3A_70 = tpu.memref_squeeze %dma_wait3A_69 : memref<1x128xi32, #tpu.memory_space<vmem>> -> memref<128xi32, #tpu.memory_space<vmem>>
      %dma_wait3A_71 = arith.constant 0 : i32
      %dma_wait3A_72 = arith.constant 0 : i32
      %dma_wait3A_73 = tpu.memref_slice %arg2[%dma_wait3A_71, %dma_wait3A_72] : memref<20224x128xf32, #tpu.memory_space<hbm>> -> memref<20224x128xf32, #tpu.memory_space<hbm>>
      tpu.wait_indirect_dma semaphore(%arg11 : memref<!tpu.dma_semaphore, #tpu.memory_space<semaphore_mem>>) src(%dma_wait3A_73 : memref<20224x128xf32, #tpu.memory_space<hbm>>) dst(%arg8 : memref<128x128xf32, #tpu.memory_space<vmem>>)
      %add3A_74 = arith.constant 0 : i32
      %add3A_75 = arith.addi %add3A_66, %add3A_74 : i32
      %dma_start3A_76 = arith.constant 0 : i32
      %dma_start3A_77 = tpu.memref_slice %arg7[%add3A_75, %dma_start3A_76] : memref<40x128xi32, #tpu.memory_space<vmem>> -> memref<1x128xi32, #tpu.memory_space<vmem>>
      %dma_start3A_78 = tpu.memref_squeeze %dma_start3A_77 : memref<1x128xi32, #tpu.memory_space<vmem>> -> memref<128xi32, #tpu.memory_space<vmem>>
      %dma_start3A_79 = arith.constant 0 : i32
      %dma_start3A_80 = arith.constant 0 : i32
      %dma_start3A_81 = tpu.memref_slice %arg10[%dma_start3A_79, %dma_start3A_80] : memref<10112x128xf32, #tpu.memory_space<vmem_shared>> -> memref<10112x128xf32, #tpu.memory_space<vmem_shared>>
      tpu.enqueue_indirect_dma source(%arg8 : memref<128x128xf32, #tpu.memory_space<vmem>>) target(%dma_start3A_81 : memref<10112x128xf32, #tpu.memory_space<vmem_shared>>) offsets(%dma_start3A_78 : memref<128xi32, #tpu.memory_space<vmem>>) semaphore(%arg13 : memref<!tpu.dma_semaphore, #tpu.memory_space<semaphore_mem>>) {add = true}
      %add3A_82 = arith.constant 1 : i32
      %add3A_83 = arith.addi %add3A_66, %add3A_82 : i32
      %dma_wait3A_84 = arith.constant 0 : i32
      %dma_wait3A_85 = tpu.memref_slice %arg6[%add3A_83, %dma_wait3A_84] : memref<40x128xi32, #tpu.memory_space<vmem>> -> memref<1x128xi32, #tpu.memory_space<vmem>>
      %dma_wait3A_86 = tpu.memref_squeeze %dma_wait3A_85 : memref<1x128xi32, #tpu.memory_space<vmem>> -> memref<128xi32, #tpu.memory_space<vmem>>
      %dma_wait3A_87 = arith.constant 0 : i32
      %dma_wait3A_88 = arith.constant 0 : i32
      %dma_wait3A_89 = tpu.memref_slice %arg2[%dma_wait3A_87, %dma_wait3A_88] : memref<20224x128xf32, #tpu.memory_space<hbm>> -> memref<20224x128xf32, #tpu.memory_space<hbm>>
      tpu.wait_indirect_dma semaphore(%arg12 : memref<!tpu.dma_semaphore, #tpu.memory_space<semaphore_mem>>) src(%dma_wait3A_89 : memref<20224x128xf32, #tpu.memory_space<hbm>>) dst(%arg9 : memref<128x128xf32, #tpu.memory_space<vmem>>)
      %add3A_90 = arith.constant 1 : i32
      %add3A_91 = arith.addi %add3A_66, %add3A_90 : i32
      %dma_start3A_92 = arith.constant 0 : i32
      %dma_start3A_93 = tpu.memref_slice %arg7[%add3A_91, %dma_start3A_92] : memref<40x128xi32, #tpu.memory_space<vmem>> -> memref<1x128xi32, #tpu.memory_space<vmem>>
      %dma_start3A_94 = tpu.memref_squeeze %dma_start3A_93 : memref<1x128xi32, #tpu.memory_space<vmem>> -> memref<128xi32, #tpu.memory_space<vmem>>
      %dma_start3A_95 = arith.constant 0 : i32
      %dma_start3A_96 = arith.constant 0 : i32
      %dma_start3A_97 = tpu.memref_slice %arg10[%dma_start3A_95, %dma_start3A_96] : memref<10112x128xf32, #tpu.memory_space<vmem_shared>> -> memref<10112x128xf32, #tpu.memory_space<vmem_shared>>
      tpu.enqueue_indirect_dma source(%arg9 : memref<128x128xf32, #tpu.memory_space<vmem>>) target(%dma_start3A_97 : memref<10112x128xf32, #tpu.memory_space<vmem_shared>>) offsets(%dma_start3A_94 : memref<128xi32, #tpu.memory_space<vmem>>) semaphore(%arg14 : memref<!tpu.dma_semaphore, #tpu.memory_space<semaphore_mem>>) {add = true}
      %add3A_98 = arith.constant 0 : i32
      %add3A_99 = arith.addi %add3A_66, %add3A_98 : i32
      %dma_wait3A_100 = arith.constant 0 : i32
      %dma_wait3A_101 = tpu.memref_slice %arg7[%add3A_99, %dma_wait3A_100] : memref<40x128xi32, #tpu.memory_space<vmem>> -> memref<1x128xi32, #tpu.memory_space<vmem>>
      %dma_wait3A_102 = tpu.memref_squeeze %dma_wait3A_101 : memref<1x128xi32, #tpu.memory_space<vmem>> -> memref<128xi32, #tpu.memory_space<vmem>>
      %dma_wait3A_103 = arith.constant 0 : i32
      %dma_wait3A_104 = arith.constant 0 : i32
      %dma_wait3A_105 = tpu.memref_slice %arg10[%dma_wait3A_103, %dma_wait3A_104] : memref<10112x128xf32, #tpu.memory_space<vmem_shared>> -> memref<10112x128xf32, #tpu.memory_space<vmem_shared>>
      tpu.wait_indirect_dma semaphore(%arg13 : memref<!tpu.dma_semaphore, #tpu.memory_space<semaphore_mem>>) src(%arg8 : memref<128x128xf32, #tpu.memory_space<vmem>>) dst(%dma_wait3A_105 : memref<10112x128xf32, #tpu.memory_space<vmem_shared>>)
      %add3A_106 = arith.constant 2 : i32
      %add3A_107 = arith.addi %add3A_66, %add3A_106 : i32
      %lt3A = arith.constant 40 : i32
      %lt3A_108 = arith.cmpi slt, %add3A_107, %lt3A : i32
      %convert_element_type3A = arith.extui %lt3A_108 : i1 to i32
      %cond3A = arith.constant 0 : i32
      %cond3A_109 = arith.cmpi ne, %convert_element_type3A, %cond3A : i32
      scf.if %cond3A_109 {
        %add3A_125 = arith.constant 0 : i32
        %add3A_126 = arith.addi %add3A_66, %add3A_125 : i32
        %add3A_127 = arith.constant 2 : i32
        %add3A_128 = arith.addi %add3A_126, %add3A_127 : i32
        %dma_start3A_129 = arith.constant 0 : i32
        %dma_start3A_130 = tpu.memref_slice %arg6[%add3A_128, %dma_start3A_129] : memref<40x128xi32, #tpu.memory_space<vmem>> -> memref<1x128xi32, #tpu.memory_space<vmem>>
        %dma_start3A_131 = tpu.memref_squeeze %dma_start3A_130 : memref<1x128xi32, #tpu.memory_space<vmem>> -> memref<128xi32, #tpu.memory_space<vmem>>
        %dma_start3A_132 = arith.constant 0 : i32
        %dma_start3A_133 = arith.constant 0 : i32
        %dma_start3A_134 = tpu.memref_slice %arg2[%dma_start3A_132, %dma_start3A_133] : memref<20224x128xf32, #tpu.memory_space<hbm>> -> memref<20224x128xf32, #tpu.memory_space<hbm>>
        tpu.enqueue_indirect_dma source(%dma_start3A_134 : memref<20224x128xf32, #tpu.memory_space<hbm>>) target(%arg8 : memref<128x128xf32, #tpu.memory_space<vmem>>) offsets(%dma_start3A_131 : memref<128xi32, #tpu.memory_space<vmem>>) semaphore(%arg11 : memref<!tpu.dma_semaphore, #tpu.memory_space<semaphore_mem>>)
      } else {
      }
      %add3A_110 = arith.constant 1 : i32
      %add3A_111 = arith.addi %add3A_66, %add3A_110 : i32
      %dma_wait3A_112 = arith.constant 0 : i32
      %dma_wait3A_113 = tpu.memref_slice %arg7[%add3A_111, %dma_wait3A_112] : memref<40x128xi32, #tpu.memory_space<vmem>> -> memref<1x128xi32, #tpu.memory_space<vmem>>
      %dma_wait3A_114 = tpu.memref_squeeze %dma_wait3A_113 : memref<1x128xi32, #tpu.memory_space<vmem>> -> memref<128xi32, #tpu.memory_space<vmem>>
      %dma_wait3A_115 = arith.constant 0 : i32
      %dma_wait3A_116 = arith.constant 0 : i32
      %dma_wait3A_117 = tpu.memref_slice %arg10[%dma_wait3A_115, %dma_wait3A_116] : memref<10112x128xf32, #tpu.memory_space<vmem_shared>> -> memref<10112x128xf32, #tpu.memory_space<vmem_shared>>
      tpu.wait_indirect_dma semaphore(%arg14 : memref<!tpu.dma_semaphore, #tpu.memory_space<semaphore_mem>>) src(%arg9 : memref<128x128xf32, #tpu.memory_space<vmem>>) dst(%dma_wait3A_117 : memref<10112x128xf32, #tpu.memory_space<vmem_shared>>)
      %add3A_118 = arith.constant 2 : i32
      %add3A_119 = arith.addi %add3A_66, %add3A_118 : i32
      %lt3A_120 = arith.constant 40 : i32
      %lt3A_121 = arith.cmpi slt, %add3A_119, %lt3A_120 : i32
      %convert_element_type3A_122 = arith.extui %lt3A_121 : i1 to i32
      %cond3A_123 = arith.constant 0 : i32
      %cond3A_124 = arith.cmpi ne, %convert_element_type3A_122, %cond3A_123 : i32
      scf.if %cond3A_124 {
        %add3A_125 = arith.constant 1 : i32
        %add3A_126 = arith.addi %add3A_66, %add3A_125 : i32
        %add3A_127 = arith.constant 2 : i32
        %add3A_128 = arith.addi %add3A_126, %add3A_127 : i32
        %dma_start3A_129 = arith.constant 0 : i32
        %dma_start3A_130 = tpu.memref_slice %arg6[%add3A_128, %dma_start3A_129] : memref<40x128xi32, #tpu.memory_space<vmem>> -> memref<1x128xi32, #tpu.memory_space<vmem>>
        %dma_start3A_131 = tpu.memref_squeeze %dma_start3A_130 : memref<1x128xi32, #tpu.memory_space<vmem>> -> memref<128xi32, #tpu.memory_space<vmem>>
        %dma_start3A_132 = arith.constant 0 : i32
        %dma_start3A_133 = arith.constant 0 : i32
        %dma_start3A_134 = tpu.memref_slice %arg2[%dma_start3A_132, %dma_start3A_133] : memref<20224x128xf32, #tpu.memory_space<hbm>> -> memref<20224x128xf32, #tpu.memory_space<hbm>>
        tpu.enqueue_indirect_dma source(%dma_start3A_134 : memref<20224x128xf32, #tpu.memory_space<hbm>>) target(%arg9 : memref<128x128xf32, #tpu.memory_space<vmem>>) offsets(%dma_start3A_131 : memref<128xi32, #tpu.memory_space<vmem>>) semaphore(%arg12 : memref<!tpu.dma_semaphore, #tpu.memory_space<semaphore_mem>>)
      } else {
      }
    }
    %scan3A_56 = arith.constant 20 : i32
    %barrier3A_57 = arith.constant 0 : index
    tpu.barrier barrier_id(%barrier3A_57)
    %mul3A_58 = arith.constant 632 : i32
    %mul3A_59 = arith.muli %arg1, %mul3A_58 : i32
    %mul3A_60 = arith.constant 632 : i32
    %mul3A_61 = arith.muli %arg1, %mul3A_60 : i32
    "tpu.region"() ({
      %run_scoped3A = tpu.sem_alloc : memref<!tpu.dma_semaphore, #tpu.memory_space<semaphore_mem>>
      %dma_start3A_62 = arith.constant 0 : i32
      %dma_start3A_63 = tpu.memref_slice %arg5[%arg0, %mul3A_61, %dma_start3A_62] : memref<2x10112x128xf32, #tpu.memory_space<hbm>> -> memref<1x632x128xf32, #tpu.memory_space<hbm>>
      %dma_start3A_64 = tpu.memref_squeeze %dma_start3A_63 : memref<1x632x128xf32, #tpu.memory_space<hbm>> -> memref<632x128xf32, #tpu.memory_space<hbm>>
      %dma_start3A_65 = arith.constant 0 : i32
      %dma_start3A_66 = tpu.memref_slice %arg10[%mul3A_59, %dma_start3A_65] : memref<10112x128xf32, #tpu.memory_space<vmem_shared>> -> memref<632x128xf32, #tpu.memory_space<vmem_shared>>
      tpu.enqueue_dma source(%dma_start3A_66 : memref<632x128xf32, #tpu.memory_space<vmem_shared>>) target(%dma_start3A_64 : memref<632x128xf32, #tpu.memory_space<hbm>>) target_semaphore(%run_scoped3A : memref<!tpu.dma_semaphore, #tpu.memory_space<semaphore_mem>>)
      %dma_wait3A = arith.constant 0 : i32
      %dma_wait3A_67 = tpu.memref_slice %arg5[%arg0, %mul3A_61, %dma_wait3A] : memref<2x10112x128xf32, #tpu.memory_space<hbm>> -> memref<1x632x128xf32, #tpu.memory_space<hbm>>
      %dma_wait3A_68 = tpu.memref_squeeze %dma_wait3A_67 : memref<1x632x128xf32, #tpu.memory_space<hbm>> -> memref<632x128xf32, #tpu.memory_space<hbm>>
      %dma_wait3A_69 = arith.constant 0 : i32
      %dma_wait3A_70 = tpu.memref_slice %arg10[%mul3A_59, %dma_wait3A_69] : memref<10112x128xf32, #tpu.memory_space<vmem_shared>> -> memref<632x128xf32, #tpu.memory_space<vmem_shared>>
      tpu.wait_dma2 semaphore(%run_scoped3A : memref<!tpu.dma_semaphore, #tpu.memory_space<semaphore_mem>>) src(%dma_wait3A_70 : memref<632x128xf32, #tpu.memory_space<vmem_shared>>) dst(%dma_wait3A_68 : memref<632x128xf32, #tpu.memory_space<hbm>>)
      tpu.yield
    }) : () -> ()
    return
  }
}

#map = affine_map<(d0, d1) -> (0, 0)>
#map1 = affine_map<(d0, d1) -> (0, 0, 0)>
module attributes {stable_mosaic.version = 14 : i64} {
  func.func @_deg_body(%arg0: i32, %arg1: i32, %arg2: memref<1280x128xi32, #tpu.memory_space<hbm>>, %arg3: memref<128x128xf32, #tpu.memory_space<hbm>>, %arg4: memref<10112x128xf32, #tpu.memory_space<hbm>>, %arg5: memref<2x10112x128xf32, #tpu.memory_space<hbm>>, %arg6: memref<40x128xi32, #tpu.memory_space<vmem>>, %arg7: memref<128x128xf32, #tpu.memory_space<vmem>>, %arg8: memref<10112x128xf32, #tpu.memory_space<vmem_shared>>) attributes {dimension_semantics = [#tpu.dimension_semantics<core_parallel>, #tpu.dimension_semantics<subcore_parallel>], iteration_bounds = array<i64: 2, 16>, scalar_prefetch = 0 : i64, scratch_operands = 3 : i64, tpu.core_type = #tpu.core_type<sc_vector_subcore>, window_params = [{transform_indices = #map}, {transform_indices = #map}, {transform_indices = #map}, {transform_indices = #map1}]} {
    %mul3A = arith.constant 2 : i32
    %mul3A_0 = arith.muli %arg1, %mul3A : i32
    %add3A = arith.addi %mul3A_0, %arg0 : i32
    %mul3A_1 = arith.constant 632 : i32
    %mul3A_2 = arith.muli %arg1, %mul3A_1 : i32
    %mul3A_3 = arith.constant 632 : i32
    %mul3A_4 = arith.muli %arg1, %mul3A_3 : i32
    "tpu.region"() ({
      %run_scoped3A = tpu.sem_alloc : memref<!tpu.dma_semaphore, #tpu.memory_space<semaphore_mem>>
      %dma_start3A = arith.constant 0 : i32
      %dma_start3A_16 = tpu.memref_slice %arg8[%mul3A_4, %dma_start3A] : memref<10112x128xf32, #tpu.memory_space<vmem_shared>> -> memref<632x128xf32, #tpu.memory_space<vmem_shared>>
      %dma_start3A_17 = arith.constant 0 : i32
      %dma_start3A_18 = tpu.memref_slice %arg4[%mul3A_2, %dma_start3A_17] : memref<10112x128xf32, #tpu.memory_space<hbm>> -> memref<632x128xf32, #tpu.memory_space<hbm>>
      tpu.enqueue_dma source(%dma_start3A_18 : memref<632x128xf32, #tpu.memory_space<hbm>>) target(%dma_start3A_16 : memref<632x128xf32, #tpu.memory_space<vmem_shared>>) target_semaphore(%run_scoped3A : memref<!tpu.dma_semaphore, #tpu.memory_space<semaphore_mem>>)
      %dma_wait3A = arith.constant 0 : i32
      %dma_wait3A_19 = tpu.memref_slice %arg8[%mul3A_4, %dma_wait3A] : memref<10112x128xf32, #tpu.memory_space<vmem_shared>> -> memref<632x128xf32, #tpu.memory_space<vmem_shared>>
      %dma_wait3A_20 = arith.constant 0 : i32
      %dma_wait3A_21 = tpu.memref_slice %arg4[%mul3A_2, %dma_wait3A_20] : memref<10112x128xf32, #tpu.memory_space<hbm>> -> memref<632x128xf32, #tpu.memory_space<hbm>>
      tpu.wait_dma2 semaphore(%run_scoped3A : memref<!tpu.dma_semaphore, #tpu.memory_space<semaphore_mem>>) src(%dma_wait3A_21 : memref<632x128xf32, #tpu.memory_space<hbm>>) dst(%dma_wait3A_19 : memref<632x128xf32, #tpu.memory_space<vmem_shared>>)
      tpu.yield
    }) : () -> ()
    "tpu.region"() ({
      %run_scoped3A = tpu.sem_alloc : memref<!tpu.dma_semaphore, #tpu.memory_space<semaphore_mem>>
      tpu.enqueue_dma source(%arg3 : memref<128x128xf32, #tpu.memory_space<hbm>>) target(%arg7 : memref<128x128xf32, #tpu.memory_space<vmem>>) target_semaphore(%run_scoped3A : memref<!tpu.dma_semaphore, #tpu.memory_space<semaphore_mem>>)
      tpu.wait_dma2 semaphore(%run_scoped3A : memref<!tpu.dma_semaphore, #tpu.memory_space<semaphore_mem>>) src(%arg3 : memref<128x128xf32, #tpu.memory_space<hbm>>) dst(%arg7 : memref<128x128xf32, #tpu.memory_space<vmem>>)
      tpu.yield
    }) : () -> ()
    %mul3A_5 = arith.constant 40 : i32
    %mul3A_6 = arith.muli %add3A, %mul3A_5 : i32
    "tpu.region"() ({
      %run_scoped3A = tpu.sem_alloc : memref<!tpu.dma_semaphore, #tpu.memory_space<semaphore_mem>>
      %dma_start3A = arith.constant 0 : i32
      %dma_start3A_16 = tpu.memref_slice %arg2[%mul3A_6, %dma_start3A] : memref<1280x128xi32, #tpu.memory_space<hbm>> -> memref<40x128xi32, #tpu.memory_space<hbm>>
      %dma_start3A_17 = arith.constant 0 : i32
      %dma_start3A_18 = tpu.memref_slice %arg2[%mul3A_6, %dma_start3A_17] : memref<1280x128xi32, #tpu.memory_space<hbm>> -> memref<40x128xi32, #tpu.memory_space<hbm>>
      tpu.enqueue_dma source(%dma_start3A_18 : memref<40x128xi32, #tpu.memory_space<hbm>>) target(%arg6 : memref<40x128xi32, #tpu.memory_space<vmem>>) target_semaphore(%run_scoped3A : memref<!tpu.dma_semaphore, #tpu.memory_space<semaphore_mem>>)
      %dma_wait3A = arith.constant 0 : i32
      %dma_wait3A_19 = tpu.memref_slice %arg2[%mul3A_6, %dma_wait3A] : memref<1280x128xi32, #tpu.memory_space<hbm>> -> memref<40x128xi32, #tpu.memory_space<hbm>>
      %dma_wait3A_20 = arith.constant 0 : i32
      %dma_wait3A_21 = tpu.memref_slice %arg2[%mul3A_6, %dma_wait3A_20] : memref<1280x128xi32, #tpu.memory_space<hbm>> -> memref<40x128xi32, #tpu.memory_space<hbm>>
      tpu.wait_dma2 semaphore(%run_scoped3A : memref<!tpu.dma_semaphore, #tpu.memory_space<semaphore_mem>>) src(%dma_wait3A_21 : memref<40x128xi32, #tpu.memory_space<hbm>>) dst(%arg6 : memref<40x128xi32, #tpu.memory_space<vmem>>)
      tpu.yield
    }) : () -> ()
    %barrier3A = arith.constant 0 : index
    tpu.barrier barrier_id(%barrier3A)
    %scan3A = arith.constant 0 : i32
    %scan3A_7 = arith.constant 40 : i32
    %scan3A_8 = arith.addi %scan3A, %scan3A_7 : i32
    %scan3A_9 = arith.constant 1 : i32
    scf.for %scan3A_16 = %scan3A to %scan3A_8 step %scan3A_9  : i32 {
      %mul3A_17 = arith.constant 1 : i32
      %mul3A_18 = arith.muli %scan3A_16, %mul3A_17 : i32
      %add3A_19 = arith.constant 0 : i32
      %add3A_20 = arith.addi %add3A_19, %mul3A_18 : i32
      "tpu.region"() ({
        %run_scoped3A = tpu.sem_alloc : memref<!tpu.dma_semaphore, #tpu.memory_space<semaphore_mem>>
        %dma_start3A = arith.constant 0 : i32
        %dma_start3A_21 = tpu.memref_slice %arg6[%add3A_20, %dma_start3A] : memref<40x128xi32, #tpu.memory_space<vmem>> -> memref<1x128xi32, #tpu.memory_space<vmem>>
        %dma_start3A_22 = tpu.memref_squeeze %dma_start3A_21 : memref<1x128xi32, #tpu.memory_space<vmem>> -> memref<128xi32, #tpu.memory_space<vmem>>
        %dma_start3A_23 = arith.constant 0 : i32
        %dma_start3A_24 = arith.constant 0 : i32
        %dma_start3A_25 = tpu.memref_slice %arg8[%dma_start3A_23, %dma_start3A_24] : memref<10112x128xf32, #tpu.memory_space<vmem_shared>> -> memref<10112x128xf32, #tpu.memory_space<vmem_shared>>
        tpu.enqueue_indirect_dma source(%arg7 : memref<128x128xf32, #tpu.memory_space<vmem>>) target(%dma_start3A_25 : memref<10112x128xf32, #tpu.memory_space<vmem_shared>>) offsets(%dma_start3A_22 : memref<128xi32, #tpu.memory_space<vmem>>) semaphore(%run_scoped3A : memref<!tpu.dma_semaphore, #tpu.memory_space<semaphore_mem>>) {add = true}
        %dma_wait3A = arith.constant 0 : i32
        %dma_wait3A_26 = tpu.memref_slice %arg6[%add3A_20, %dma_wait3A] : memref<40x128xi32, #tpu.memory_space<vmem>> -> memref<1x128xi32, #tpu.memory_space<vmem>>
        %dma_wait3A_27 = tpu.memref_squeeze %dma_wait3A_26 : memref<1x128xi32, #tpu.memory_space<vmem>> -> memref<128xi32, #tpu.memory_space<vmem>>
        %dma_wait3A_28 = arith.constant 0 : i32
        %dma_wait3A_29 = arith.constant 0 : i32
        %dma_wait3A_30 = tpu.memref_slice %arg8[%dma_wait3A_28, %dma_wait3A_29] : memref<10112x128xf32, #tpu.memory_space<vmem_shared>> -> memref<10112x128xf32, #tpu.memory_space<vmem_shared>>
        tpu.wait_indirect_dma semaphore(%run_scoped3A : memref<!tpu.dma_semaphore, #tpu.memory_space<semaphore_mem>>) src(%arg7 : memref<128x128xf32, #tpu.memory_space<vmem>>) dst(%dma_wait3A_30 : memref<10112x128xf32, #tpu.memory_space<vmem_shared>>)
        tpu.yield
      }) : () -> ()
    }
    %scan3A_10 = arith.constant 40 : i32
    %barrier3A_11 = arith.constant 0 : index
    tpu.barrier barrier_id(%barrier3A_11)
    %mul3A_12 = arith.constant 632 : i32
    %mul3A_13 = arith.muli %arg1, %mul3A_12 : i32
    %mul3A_14 = arith.constant 632 : i32
    %mul3A_15 = arith.muli %arg1, %mul3A_14 : i32
    "tpu.region"() ({
      %run_scoped3A = tpu.sem_alloc : memref<!tpu.dma_semaphore, #tpu.memory_space<semaphore_mem>>
      %dma_start3A = arith.constant 0 : i32
      %dma_start3A_16 = tpu.memref_slice %arg5[%arg0, %mul3A_15, %dma_start3A] : memref<2x10112x128xf32, #tpu.memory_space<hbm>> -> memref<1x632x128xf32, #tpu.memory_space<hbm>>
      %dma_start3A_17 = tpu.memref_squeeze %dma_start3A_16 : memref<1x632x128xf32, #tpu.memory_space<hbm>> -> memref<632x128xf32, #tpu.memory_space<hbm>>
      %dma_start3A_18 = arith.constant 0 : i32
      %dma_start3A_19 = tpu.memref_slice %arg8[%mul3A_13, %dma_start3A_18] : memref<10112x128xf32, #tpu.memory_space<vmem_shared>> -> memref<632x128xf32, #tpu.memory_space<vmem_shared>>
      tpu.enqueue_dma source(%dma_start3A_19 : memref<632x128xf32, #tpu.memory_space<vmem_shared>>) target(%dma_start3A_17 : memref<632x128xf32, #tpu.memory_space<hbm>>) target_semaphore(%run_scoped3A : memref<!tpu.dma_semaphore, #tpu.memory_space<semaphore_mem>>)
      %dma_wait3A = arith.constant 0 : i32
      %dma_wait3A_20 = tpu.memref_slice %arg5[%arg0, %mul3A_15, %dma_wait3A] : memref<2x10112x128xf32, #tpu.memory_space<hbm>> -> memref<1x632x128xf32, #tpu.memory_space<hbm>>
      %dma_wait3A_21 = tpu.memref_squeeze %dma_wait3A_20 : memref<1x632x128xf32, #tpu.memory_space<hbm>> -> memref<632x128xf32, #tpu.memory_space<hbm>>
      %dma_wait3A_22 = arith.constant 0 : i32
      %dma_wait3A_23 = tpu.memref_slice %arg8[%mul3A_13, %dma_wait3A_22] : memref<10112x128xf32, #tpu.memory_space<vmem_shared>> -> memref<632x128xf32, #tpu.memory_space<vmem_shared>>
      tpu.wait_dma2 semaphore(%run_scoped3A : memref<!tpu.dma_semaphore, #tpu.memory_space<semaphore_mem>>) src(%dma_wait3A_23 : memref<632x128xf32, #tpu.memory_space<vmem_shared>>) dst(%dma_wait3A_21 : memref<632x128xf32, #tpu.memory_space<hbm>>)
      tpu.yield
    }) : () -> ()
    return
  }
}

#map = affine_map<(d0, d1) -> (0, 0)>
#map1 = affine_map<(d0, d1) -> (0, 0, 0)>
module attributes {stable_mosaic.version = 14 : i64} {
  func.func @_msg_body(%arg0: i32, %arg1: i32, %arg2: memref<20224x128xf32, #tpu.memory_space<hbm>>, %arg3: memref<2x1280x128xi32, #tpu.memory_space<hbm>>, %arg4: memref<1280x128xi32, #tpu.memory_space<hbm>>, %arg5: memref<2x10112x128xf32, #tpu.memory_space<hbm>>, %arg6: memref<40x128xi32, #tpu.memory_space<vmem>>, %arg7: memref<40x128xi32, #tpu.memory_space<vmem>>, %arg8: memref<128x128xf32, #tpu.memory_space<vmem>>, %arg9: memref<128x128xf32, #tpu.memory_space<vmem>>, %arg10: memref<10112x128xf32, #tpu.memory_space<vmem_shared>>, %arg11: memref<!tpu.dma_semaphore, #tpu.memory_space<semaphore_mem>>, %arg12: memref<!tpu.dma_semaphore, #tpu.memory_space<semaphore_mem>>, %arg13: memref<!tpu.dma_semaphore, #tpu.memory_space<semaphore_mem>>, %arg14: memref<!tpu.dma_semaphore, #tpu.memory_space<semaphore_mem>>) attributes {dimension_semantics = [#tpu.dimension_semantics<core_parallel>, #tpu.dimension_semantics<subcore_parallel>], iteration_bounds = array<i64: 2, 16>, scalar_prefetch = 0 : i64, scratch_operands = 9 : i64, tpu.core_type = #tpu.core_type<sc_vector_subcore>, window_params = [{transform_indices = #map}, {transform_indices = #map1}, {transform_indices = #map}, {transform_indices = #map1}]} {
    %mul3A = arith.constant 10112 : i32
    %mul3A_0 = arith.muli %arg0, %mul3A : i32
    %mul3A_1 = arith.constant 632 : i32
    %mul3A_2 = arith.muli %arg1, %mul3A_1 : i32
    %add3A = arith.addi %mul3A_0, %mul3A_2 : i32
    %mul3A_3 = arith.constant 632 : i32
    %mul3A_4 = arith.muli %arg1, %mul3A_3 : i32
    "tpu.region"() ({
      %run_scoped3A = tpu.sem_alloc : memref<!tpu.dma_semaphore, #tpu.memory_space<semaphore_mem>>
      %dma_start3A_62 = arith.constant 0 : i32
      %dma_start3A_63 = tpu.memref_slice %arg10[%mul3A_4, %dma_start3A_62] : memref<10112x128xf32, #tpu.memory_space<vmem_shared>> -> memref<632x128xf32, #tpu.memory_space<vmem_shared>>
      %dma_start3A_64 = arith.constant 0 : i32
      %dma_start3A_65 = tpu.memref_slice %arg2[%add3A, %dma_start3A_64] : memref<20224x128xf32, #tpu.memory_space<hbm>> -> memref<632x128xf32, #tpu.memory_space<hbm>>
      tpu.enqueue_dma source(%dma_start3A_65 : memref<632x128xf32, #tpu.memory_space<hbm>>) target(%dma_start3A_63 : memref<632x128xf32, #tpu.memory_space<vmem_shared>>) target_semaphore(%run_scoped3A : memref<!tpu.dma_semaphore, #tpu.memory_space<semaphore_mem>>)
      %dma_wait3A = arith.constant 0 : i32
      %dma_wait3A_66 = tpu.memref_slice %arg10[%mul3A_4, %dma_wait3A] : memref<10112x128xf32, #tpu.memory_space<vmem_shared>> -> memref<632x128xf32, #tpu.memory_space<vmem_shared>>
      %dma_wait3A_67 = arith.constant 0 : i32
      %dma_wait3A_68 = tpu.memref_slice %arg2[%add3A, %dma_wait3A_67] : memref<20224x128xf32, #tpu.memory_space<hbm>> -> memref<632x128xf32, #tpu.memory_space<hbm>>
      tpu.wait_dma2 semaphore(%run_scoped3A : memref<!tpu.dma_semaphore, #tpu.memory_space<semaphore_mem>>) src(%dma_wait3A_68 : memref<632x128xf32, #tpu.memory_space<hbm>>) dst(%dma_wait3A_66 : memref<632x128xf32, #tpu.memory_space<vmem_shared>>)
      tpu.yield
    }) : () -> ()
    %barrier3A = arith.constant 0 : index
    tpu.barrier barrier_id(%barrier3A)
    %mul3A_5 = arith.constant 80 : i32
    %mul3A_6 = arith.muli %arg1, %mul3A_5 : i32
    %add3A_7 = arith.constant 0 : i32
    %add3A_8 = arith.addi %mul3A_6, %add3A_7 : i32
    "tpu.region"() ({
      %run_scoped3A = tpu.sem_alloc : memref<!tpu.dma_semaphore, #tpu.memory_space<semaphore_mem>>
      %dma_start3A_62 = arith.constant 0 : i32
      %dma_start3A_63 = tpu.memref_slice %arg3[%arg0, %add3A_8, %dma_start3A_62] : memref<2x1280x128xi32, #tpu.memory_space<hbm>> -> memref<1x40x128xi32, #tpu.memory_space<hbm>>
      %dma_start3A_64 = tpu.memref_squeeze %dma_start3A_63 : memref<1x40x128xi32, #tpu.memory_space<hbm>> -> memref<40x128xi32, #tpu.memory_space<hbm>>
      %dma_start3A_65 = arith.constant 0 : i32
      %dma_start3A_66 = tpu.memref_slice %arg3[%arg0, %add3A_8, %dma_start3A_65] : memref<2x1280x128xi32, #tpu.memory_space<hbm>> -> memref<1x40x128xi32, #tpu.memory_space<hbm>>
      %dma_start3A_67 = tpu.memref_squeeze %dma_start3A_66 : memref<1x40x128xi32, #tpu.memory_space<hbm>> -> memref<40x128xi32, #tpu.memory_space<hbm>>
      tpu.enqueue_dma source(%dma_start3A_67 : memref<40x128xi32, #tpu.memory_space<hbm>>) target(%arg6 : memref<40x128xi32, #tpu.memory_space<vmem>>) target_semaphore(%run_scoped3A : memref<!tpu.dma_semaphore, #tpu.memory_space<semaphore_mem>>)
      %dma_wait3A = arith.constant 0 : i32
      %dma_wait3A_68 = tpu.memref_slice %arg3[%arg0, %add3A_8, %dma_wait3A] : memref<2x1280x128xi32, #tpu.memory_space<hbm>> -> memref<1x40x128xi32, #tpu.memory_space<hbm>>
      %dma_wait3A_69 = tpu.memref_squeeze %dma_wait3A_68 : memref<1x40x128xi32, #tpu.memory_space<hbm>> -> memref<40x128xi32, #tpu.memory_space<hbm>>
      %dma_wait3A_70 = arith.constant 0 : i32
      %dma_wait3A_71 = tpu.memref_slice %arg3[%arg0, %add3A_8, %dma_wait3A_70] : memref<2x1280x128xi32, #tpu.memory_space<hbm>> -> memref<1x40x128xi32, #tpu.memory_space<hbm>>
      %dma_wait3A_72 = tpu.memref_squeeze %dma_wait3A_71 : memref<1x40x128xi32, #tpu.memory_space<hbm>> -> memref<40x128xi32, #tpu.memory_space<hbm>>
      tpu.wait_dma2 semaphore(%run_scoped3A : memref<!tpu.dma_semaphore, #tpu.memory_space<semaphore_mem>>) src(%dma_wait3A_72 : memref<40x128xi32, #tpu.memory_space<hbm>>) dst(%arg6 : memref<40x128xi32, #tpu.memory_space<vmem>>)
      tpu.yield
    }) : () -> ()
    %mul3A_9 = arith.constant 80 : i32
    %mul3A_10 = arith.muli %arg1, %mul3A_9 : i32
    %add3A_11 = arith.constant 0 : i32
    %add3A_12 = arith.addi %mul3A_10, %add3A_11 : i32
    "tpu.region"() ({
      %run_scoped3A = tpu.sem_alloc : memref<!tpu.dma_semaphore, #tpu.memory_space<semaphore_mem>>
      %dma_start3A_62 = arith.constant 0 : i32
      %dma_start3A_63 = tpu.memref_slice %arg4[%add3A_12, %dma_start3A_62] : memref<1280x128xi32, #tpu.memory_space<hbm>> -> memref<40x128xi32, #tpu.memory_space<hbm>>
      %dma_start3A_64 = arith.constant 0 : i32
      %dma_start3A_65 = tpu.memref_slice %arg4[%add3A_12, %dma_start3A_64] : memref<1280x128xi32, #tpu.memory_space<hbm>> -> memref<40x128xi32, #tpu.memory_space<hbm>>
      tpu.enqueue_dma source(%dma_start3A_65 : memref<40x128xi32, #tpu.memory_space<hbm>>) target(%arg7 : memref<40x128xi32, #tpu.memory_space<vmem>>) target_semaphore(%run_scoped3A : memref<!tpu.dma_semaphore, #tpu.memory_space<semaphore_mem>>)
      %dma_wait3A = arith.constant 0 : i32
      %dma_wait3A_66 = tpu.memref_slice %arg4[%add3A_12, %dma_wait3A] : memref<1280x128xi32, #tpu.memory_space<hbm>> -> memref<40x128xi32, #tpu.memory_space<hbm>>
      %dma_wait3A_67 = arith.constant 0 : i32
      %dma_wait3A_68 = tpu.memref_slice %arg4[%add3A_12, %dma_wait3A_67] : memref<1280x128xi32, #tpu.memory_space<hbm>> -> memref<40x128xi32, #tpu.memory_space<hbm>>
      tpu.wait_dma2 semaphore(%run_scoped3A : memref<!tpu.dma_semaphore, #tpu.memory_space<semaphore_mem>>) src(%dma_wait3A_68 : memref<40x128xi32, #tpu.memory_space<hbm>>) dst(%arg7 : memref<40x128xi32, #tpu.memory_space<vmem>>)
      tpu.yield
    }) : () -> ()
    %dma_start3A = arith.constant 0 : i32
    %dma_start3A_13 = arith.constant 0 : i32
    %dma_start3A_14 = tpu.memref_slice %arg6[%dma_start3A, %dma_start3A_13] : memref<40x128xi32, #tpu.memory_space<vmem>> -> memref<1x128xi32, #tpu.memory_space<vmem>>
    %dma_start3A_15 = tpu.memref_squeeze %dma_start3A_14 : memref<1x128xi32, #tpu.memory_space<vmem>> -> memref<128xi32, #tpu.memory_space<vmem>>
    %dma_start3A_16 = arith.constant 0 : i32
    %dma_start3A_17 = arith.constant 0 : i32
    %dma_start3A_18 = tpu.memref_slice %arg2[%dma_start3A_16, %dma_start3A_17] : memref<20224x128xf32, #tpu.memory_space<hbm>> -> memref<20224x128xf32, #tpu.memory_space<hbm>>
    tpu.enqueue_indirect_dma source(%dma_start3A_18 : memref<20224x128xf32, #tpu.memory_space<hbm>>) target(%arg8 : memref<128x128xf32, #tpu.memory_space<vmem>>) offsets(%dma_start3A_15 : memref<128xi32, #tpu.memory_space<vmem>>) semaphore(%arg11 : memref<!tpu.dma_semaphore, #tpu.memory_space<semaphore_mem>>)
    %dma_start3A_19 = arith.constant 1 : i32
    %dma_start3A_20 = arith.constant 0 : i32
    %dma_start3A_21 = tpu.memref_slice %arg6[%dma_start3A_19, %dma_start3A_20] : memref<40x128xi32, #tpu.memory_space<vmem>> -> memref<1x128xi32, #tpu.memory_space<vmem>>
    %dma_start3A_22 = tpu.memref_squeeze %dma_start3A_21 : memref<1x128xi32, #tpu.memory_space<vmem>> -> memref<128xi32, #tpu.memory_space<vmem>>
    %dma_start3A_23 = arith.constant 0 : i32
    %dma_start3A_24 = arith.constant 0 : i32
    %dma_start3A_25 = tpu.memref_slice %arg2[%dma_start3A_23, %dma_start3A_24] : memref<20224x128xf32, #tpu.memory_space<hbm>> -> memref<20224x128xf32, #tpu.memory_space<hbm>>
    tpu.enqueue_indirect_dma source(%dma_start3A_25 : memref<20224x128xf32, #tpu.memory_space<hbm>>) target(%arg9 : memref<128x128xf32, #tpu.memory_space<vmem>>) offsets(%dma_start3A_22 : memref<128xi32, #tpu.memory_space<vmem>>) semaphore(%arg12 : memref<!tpu.dma_semaphore, #tpu.memory_space<semaphore_mem>>)
    %scan3A = arith.constant 0 : i32
    %scan3A_26 = arith.constant 20 : i32
    %scan3A_27 = arith.addi %scan3A, %scan3A_26 : i32
    %scan3A_28 = arith.constant 1 : i32
    scf.for %scan3A_62 = %scan3A to %scan3A_27 step %scan3A_28  : i32 {
      %mul3A_63 = arith.constant 2 : i32
      %mul3A_64 = arith.muli %scan3A_62, %mul3A_63 : i32
      %add3A_65 = arith.constant 0 : i32
      %add3A_66 = arith.addi %add3A_65, %mul3A_64 : i32
      %add3A_67 = arith.constant 0 : i32
      %add3A_68 = arith.addi %add3A_66, %add3A_67 : i32
      %dma_wait3A = arith.constant 0 : i32
      %dma_wait3A_69 = tpu.memref_slice %arg6[%add3A_68, %dma_wait3A] : memref<40x128xi32, #tpu.memory_space<vmem>> -> memref<1x128xi32, #tpu.memory_space<vmem>>
      %dma_wait3A_70 = tpu.memref_squeeze %dma_wait3A_69 : memref<1x128xi32, #tpu.memory_space<vmem>> -> memref<128xi32, #tpu.memory_space<vmem>>
      %dma_wait3A_71 = arith.constant 0 : i32
      %dma_wait3A_72 = arith.constant 0 : i32
      %dma_wait3A_73 = tpu.memref_slice %arg2[%dma_wait3A_71, %dma_wait3A_72] : memref<20224x128xf32, #tpu.memory_space<hbm>> -> memref<20224x128xf32, #tpu.memory_space<hbm>>
      tpu.wait_indirect_dma semaphore(%arg11 : memref<!tpu.dma_semaphore, #tpu.memory_space<semaphore_mem>>) src(%dma_wait3A_73 : memref<20224x128xf32, #tpu.memory_space<hbm>>) dst(%arg8 : memref<128x128xf32, #tpu.memory_space<vmem>>)
      %add3A_74 = arith.constant 0 : i32
      %add3A_75 = arith.addi %add3A_66, %add3A_74 : i32
      %dma_start3A_76 = arith.constant 0 : i32
      %dma_start3A_77 = tpu.memref_slice %arg7[%add3A_75, %dma_start3A_76] : memref<40x128xi32, #tpu.memory_space<vmem>> -> memref<1x128xi32, #tpu.memory_space<vmem>>
      %dma_start3A_78 = tpu.memref_squeeze %dma_start3A_77 : memref<1x128xi32, #tpu.memory_space<vmem>> -> memref<128xi32, #tpu.memory_space<vmem>>
      %dma_start3A_79 = arith.constant 0 : i32
      %dma_start3A_80 = arith.constant 0 : i32
      %dma_start3A_81 = tpu.memref_slice %arg10[%dma_start3A_79, %dma_start3A_80] : memref<10112x128xf32, #tpu.memory_space<vmem_shared>> -> memref<10112x128xf32, #tpu.memory_space<vmem_shared>>
      tpu.enqueue_indirect_dma source(%arg8 : memref<128x128xf32, #tpu.memory_space<vmem>>) target(%dma_start3A_81 : memref<10112x128xf32, #tpu.memory_space<vmem_shared>>) offsets(%dma_start3A_78 : memref<128xi32, #tpu.memory_space<vmem>>) semaphore(%arg13 : memref<!tpu.dma_semaphore, #tpu.memory_space<semaphore_mem>>) {add = true}
      %add3A_82 = arith.constant 1 : i32
      %add3A_83 = arith.addi %add3A_66, %add3A_82 : i32
      %dma_wait3A_84 = arith.constant 0 : i32
      %dma_wait3A_85 = tpu.memref_slice %arg6[%add3A_83, %dma_wait3A_84] : memref<40x128xi32, #tpu.memory_space<vmem>> -> memref<1x128xi32, #tpu.memory_space<vmem>>
      %dma_wait3A_86 = tpu.memref_squeeze %dma_wait3A_85 : memref<1x128xi32, #tpu.memory_space<vmem>> -> memref<128xi32, #tpu.memory_space<vmem>>
      %dma_wait3A_87 = arith.constant 0 : i32
      %dma_wait3A_88 = arith.constant 0 : i32
      %dma_wait3A_89 = tpu.memref_slice %arg2[%dma_wait3A_87, %dma_wait3A_88] : memref<20224x128xf32, #tpu.memory_space<hbm>> -> memref<20224x128xf32, #tpu.memory_space<hbm>>
      tpu.wait_indirect_dma semaphore(%arg12 : memref<!tpu.dma_semaphore, #tpu.memory_space<semaphore_mem>>) src(%dma_wait3A_89 : memref<20224x128xf32, #tpu.memory_space<hbm>>) dst(%arg9 : memref<128x128xf32, #tpu.memory_space<vmem>>)
      %add3A_90 = arith.constant 1 : i32
      %add3A_91 = arith.addi %add3A_66, %add3A_90 : i32
      %dma_start3A_92 = arith.constant 0 : i32
      %dma_start3A_93 = tpu.memref_slice %arg7[%add3A_91, %dma_start3A_92] : memref<40x128xi32, #tpu.memory_space<vmem>> -> memref<1x128xi32, #tpu.memory_space<vmem>>
      %dma_start3A_94 = tpu.memref_squeeze %dma_start3A_93 : memref<1x128xi32, #tpu.memory_space<vmem>> -> memref<128xi32, #tpu.memory_space<vmem>>
      %dma_start3A_95 = arith.constant 0 : i32
      %dma_start3A_96 = arith.constant 0 : i32
      %dma_start3A_97 = tpu.memref_slice %arg10[%dma_start3A_95, %dma_start3A_96] : memref<10112x128xf32, #tpu.memory_space<vmem_shared>> -> memref<10112x128xf32, #tpu.memory_space<vmem_shared>>
      tpu.enqueue_indirect_dma source(%arg9 : memref<128x128xf32, #tpu.memory_space<vmem>>) target(%dma_start3A_97 : memref<10112x128xf32, #tpu.memory_space<vmem_shared>>) offsets(%dma_start3A_94 : memref<128xi32, #tpu.memory_space<vmem>>) semaphore(%arg14 : memref<!tpu.dma_semaphore, #tpu.memory_space<semaphore_mem>>) {add = true}
      %add3A_98 = arith.constant 0 : i32
      %add3A_99 = arith.addi %add3A_66, %add3A_98 : i32
      %dma_wait3A_100 = arith.constant 0 : i32
      %dma_wait3A_101 = tpu.memref_slice %arg7[%add3A_99, %dma_wait3A_100] : memref<40x128xi32, #tpu.memory_space<vmem>> -> memref<1x128xi32, #tpu.memory_space<vmem>>
      %dma_wait3A_102 = tpu.memref_squeeze %dma_wait3A_101 : memref<1x128xi32, #tpu.memory_space<vmem>> -> memref<128xi32, #tpu.memory_space<vmem>>
      %dma_wait3A_103 = arith.constant 0 : i32
      %dma_wait3A_104 = arith.constant 0 : i32
      %dma_wait3A_105 = tpu.memref_slice %arg10[%dma_wait3A_103, %dma_wait3A_104] : memref<10112x128xf32, #tpu.memory_space<vmem_shared>> -> memref<10112x128xf32, #tpu.memory_space<vmem_shared>>
      tpu.wait_indirect_dma semaphore(%arg13 : memref<!tpu.dma_semaphore, #tpu.memory_space<semaphore_mem>>) src(%arg8 : memref<128x128xf32, #tpu.memory_space<vmem>>) dst(%dma_wait3A_105 : memref<10112x128xf32, #tpu.memory_space<vmem_shared>>)
      %add3A_106 = arith.constant 2 : i32
      %add3A_107 = arith.addi %add3A_66, %add3A_106 : i32
      %lt3A = arith.constant 40 : i32
      %lt3A_108 = arith.cmpi slt, %add3A_107, %lt3A : i32
      %convert_element_type3A = arith.extui %lt3A_108 : i1 to i32
      %cond3A = arith.constant 0 : i32
      %cond3A_109 = arith.cmpi ne, %convert_element_type3A, %cond3A : i32
      scf.if %cond3A_109 {
        %add3A_125 = arith.constant 0 : i32
        %add3A_126 = arith.addi %add3A_66, %add3A_125 : i32
        %add3A_127 = arith.constant 2 : i32
        %add3A_128 = arith.addi %add3A_126, %add3A_127 : i32
        %dma_start3A_129 = arith.constant 0 : i32
        %dma_start3A_130 = tpu.memref_slice %arg6[%add3A_128, %dma_start3A_129] : memref<40x128xi32, #tpu.memory_space<vmem>> -> memref<1x128xi32, #tpu.memory_space<vmem>>
        %dma_start3A_131 = tpu.memref_squeeze %dma_start3A_130 : memref<1x128xi32, #tpu.memory_space<vmem>> -> memref<128xi32, #tpu.memory_space<vmem>>
        %dma_start3A_132 = arith.constant 0 : i32
        %dma_start3A_133 = arith.constant 0 : i32
        %dma_start3A_134 = tpu.memref_slice %arg2[%dma_start3A_132, %dma_start3A_133] : memref<20224x128xf32, #tpu.memory_space<hbm>> -> memref<20224x128xf32, #tpu.memory_space<hbm>>
        tpu.enqueue_indirect_dma source(%dma_start3A_134 : memref<20224x128xf32, #tpu.memory_space<hbm>>) target(%arg8 : memref<128x128xf32, #tpu.memory_space<vmem>>) offsets(%dma_start3A_131 : memref<128xi32, #tpu.memory_space<vmem>>) semaphore(%arg11 : memref<!tpu.dma_semaphore, #tpu.memory_space<semaphore_mem>>)
      } else {
      }
      %add3A_110 = arith.constant 1 : i32
      %add3A_111 = arith.addi %add3A_66, %add3A_110 : i32
      %dma_wait3A_112 = arith.constant 0 : i32
      %dma_wait3A_113 = tpu.memref_slice %arg7[%add3A_111, %dma_wait3A_112] : memref<40x128xi32, #tpu.memory_space<vmem>> -> memref<1x128xi32, #tpu.memory_space<vmem>>
      %dma_wait3A_114 = tpu.memref_squeeze %dma_wait3A_113 : memref<1x128xi32, #tpu.memory_space<vmem>> -> memref<128xi32, #tpu.memory_space<vmem>>
      %dma_wait3A_115 = arith.constant 0 : i32
      %dma_wait3A_116 = arith.constant 0 : i32
      %dma_wait3A_117 = tpu.memref_slice %arg10[%dma_wait3A_115, %dma_wait3A_116] : memref<10112x128xf32, #tpu.memory_space<vmem_shared>> -> memref<10112x128xf32, #tpu.memory_space<vmem_shared>>
      tpu.wait_indirect_dma semaphore(%arg14 : memref<!tpu.dma_semaphore, #tpu.memory_space<semaphore_mem>>) src(%arg9 : memref<128x128xf32, #tpu.memory_space<vmem>>) dst(%dma_wait3A_117 : memref<10112x128xf32, #tpu.memory_space<vmem_shared>>)
      %add3A_118 = arith.constant 2 : i32
      %add3A_119 = arith.addi %add3A_66, %add3A_118 : i32
      %lt3A_120 = arith.constant 40 : i32
      %lt3A_121 = arith.cmpi slt, %add3A_119, %lt3A_120 : i32
      %convert_element_type3A_122 = arith.extui %lt3A_121 : i1 to i32
      %cond3A_123 = arith.constant 0 : i32
      %cond3A_124 = arith.cmpi ne, %convert_element_type3A_122, %cond3A_123 : i32
      scf.if %cond3A_124 {
        %add3A_125 = arith.constant 1 : i32
        %add3A_126 = arith.addi %add3A_66, %add3A_125 : i32
        %add3A_127 = arith.constant 2 : i32
        %add3A_128 = arith.addi %add3A_126, %add3A_127 : i32
        %dma_start3A_129 = arith.constant 0 : i32
        %dma_start3A_130 = tpu.memref_slice %arg6[%add3A_128, %dma_start3A_129] : memref<40x128xi32, #tpu.memory_space<vmem>> -> memref<1x128xi32, #tpu.memory_space<vmem>>
        %dma_start3A_131 = tpu.memref_squeeze %dma_start3A_130 : memref<1x128xi32, #tpu.memory_space<vmem>> -> memref<128xi32, #tpu.memory_space<vmem>>
        %dma_start3A_132 = arith.constant 0 : i32
        %dma_start3A_133 = arith.constant 0 : i32
        %dma_start3A_134 = tpu.memref_slice %arg2[%dma_start3A_132, %dma_start3A_133] : memref<20224x128xf32, #tpu.memory_space<hbm>> -> memref<20224x128xf32, #tpu.memory_space<hbm>>
        tpu.enqueue_indirect_dma source(%dma_start3A_134 : memref<20224x128xf32, #tpu.memory_space<hbm>>) target(%arg9 : memref<128x128xf32, #tpu.memory_space<vmem>>) offsets(%dma_start3A_131 : memref<128xi32, #tpu.memory_space<vmem>>) semaphore(%arg12 : memref<!tpu.dma_semaphore, #tpu.memory_space<semaphore_mem>>)
      } else {
      }
    }
    %scan3A_29 = arith.constant 20 : i32
    %mul3A_30 = arith.constant 80 : i32
    %mul3A_31 = arith.muli %arg1, %mul3A_30 : i32
    %add3A_32 = arith.constant 40 : i32
    %add3A_33 = arith.addi %mul3A_31, %add3A_32 : i32
    "tpu.region"() ({
      %run_scoped3A = tpu.sem_alloc : memref<!tpu.dma_semaphore, #tpu.memory_space<semaphore_mem>>
      %dma_start3A_62 = arith.constant 0 : i32
      %dma_start3A_63 = tpu.memref_slice %arg3[%arg0, %add3A_33, %dma_start3A_62] : memref<2x1280x128xi32, #tpu.memory_space<hbm>> -> memref<1x40x128xi32, #tpu.memory_space<hbm>>
      %dma_start3A_64 = tpu.memref_squeeze %dma_start3A_63 : memref<1x40x128xi32, #tpu.memory_space<hbm>> -> memref<40x128xi32, #tpu.memory_space<hbm>>
      %dma_start3A_65 = arith.constant 0 : i32
      %dma_start3A_66 = tpu.memref_slice %arg3[%arg0, %add3A_33, %dma_start3A_65] : memref<2x1280x128xi32, #tpu.memory_space<hbm>> -> memref<1x40x128xi32, #tpu.memory_space<hbm>>
      %dma_start3A_67 = tpu.memref_squeeze %dma_start3A_66 : memref<1x40x128xi32, #tpu.memory_space<hbm>> -> memref<40x128xi32, #tpu.memory_space<hbm>>
      tpu.enqueue_dma source(%dma_start3A_67 : memref<40x128xi32, #tpu.memory_space<hbm>>) target(%arg6 : memref<40x128xi32, #tpu.memory_space<vmem>>) target_semaphore(%run_scoped3A : memref<!tpu.dma_semaphore, #tpu.memory_space<semaphore_mem>>)
      %dma_wait3A = arith.constant 0 : i32
      %dma_wait3A_68 = tpu.memref_slice %arg3[%arg0, %add3A_33, %dma_wait3A] : memref<2x1280x128xi32, #tpu.memory_space<hbm>> -> memref<1x40x128xi32, #tpu.memory_space<hbm>>
      %dma_wait3A_69 = tpu.memref_squeeze %dma_wait3A_68 : memref<1x40x128xi32, #tpu.memory_space<hbm>> -> memref<40x128xi32, #tpu.memory_space<hbm>>
      %dma_wait3A_70 = arith.constant 0 : i32
      %dma_wait3A_71 = tpu.memref_slice %arg3[%arg0, %add3A_33, %dma_wait3A_70] : memref<2x1280x128xi32, #tpu.memory_space<hbm>> -> memref<1x40x128xi32, #tpu.memory_space<hbm>>
      %dma_wait3A_72 = tpu.memref_squeeze %dma_wait3A_71 : memref<1x40x128xi32, #tpu.memory_space<hbm>> -> memref<40x128xi32, #tpu.memory_space<hbm>>
      tpu.wait_dma2 semaphore(%run_scoped3A : memref<!tpu.dma_semaphore, #tpu.memory_space<semaphore_mem>>) src(%dma_wait3A_72 : memref<40x128xi32, #tpu.memory_space<hbm>>) dst(%arg6 : memref<40x128xi32, #tpu.memory_space<vmem>>)
      tpu.yield
    }) : () -> ()
    %mul3A_34 = arith.constant 80 : i32
    %mul3A_35 = arith.muli %arg1, %mul3A_34 : i32
    %add3A_36 = arith.constant 40 : i32
    %add3A_37 = arith.addi %mul3A_35, %add3A_36 : i32
    "tpu.region"() ({
      %run_scoped3A = tpu.sem_alloc : memref<!tpu.dma_semaphore, #tpu.memory_space<semaphore_mem>>
      %dma_start3A_62 = arith.constant 0 : i32
      %dma_start3A_63 = tpu.memref_slice %arg4[%add3A_37, %dma_start3A_62] : memref<1280x128xi32, #tpu.memory_space<hbm>> -> memref<40x128xi32, #tpu.memory_space<hbm>>
      %dma_start3A_64 = arith.constant 0 : i32
      %dma_start3A_65 = tpu.memref_slice %arg4[%add3A_37, %dma_start3A_64] : memref<1280x128xi32, #tpu.memory_space<hbm>> -> memref<40x128xi32, #tpu.memory_space<hbm>>
      tpu.enqueue_dma source(%dma_start3A_65 : memref<40x128xi32, #tpu.memory_space<hbm>>) target(%arg7 : memref<40x128xi32, #tpu.memory_space<vmem>>) target_semaphore(%run_scoped3A : memref<!tpu.dma_semaphore, #tpu.memory_space<semaphore_mem>>)
      %dma_wait3A = arith.constant 0 : i32
      %dma_wait3A_66 = tpu.memref_slice %arg4[%add3A_37, %dma_wait3A] : memref<1280x128xi32, #tpu.memory_space<hbm>> -> memref<40x128xi32, #tpu.memory_space<hbm>>
      %dma_wait3A_67 = arith.constant 0 : i32
      %dma_wait3A_68 = tpu.memref_slice %arg4[%add3A_37, %dma_wait3A_67] : memref<1280x128xi32, #tpu.memory_space<hbm>> -> memref<40x128xi32, #tpu.memory_space<hbm>>
      tpu.wait_dma2 semaphore(%run_scoped3A : memref<!tpu.dma_semaphore, #tpu.memory_space<semaphore_mem>>) src(%dma_wait3A_68 : memref<40x128xi32, #tpu.memory_space<hbm>>) dst(%arg7 : memref<40x128xi32, #tpu.memory_space<vmem>>)
      tpu.yield
    }) : () -> ()
    %dma_start3A_38 = arith.constant 0 : i32
    %dma_start3A_39 = arith.constant 0 : i32
    %dma_start3A_40 = tpu.memref_slice %arg6[%dma_start3A_38, %dma_start3A_39] : memref<40x128xi32, #tpu.memory_space<vmem>> -> memref<1x128xi32, #tpu.memory_space<vmem>>
    %dma_start3A_41 = tpu.memref_squeeze %dma_start3A_40 : memref<1x128xi32, #tpu.memory_space<vmem>> -> memref<128xi32, #tpu.memory_space<vmem>>
    %dma_start3A_42 = arith.constant 0 : i32
    %dma_start3A_43 = arith.constant 0 : i32
    %dma_start3A_44 = tpu.memref_slice %arg2[%dma_start3A_42, %dma_start3A_43] : memref<20224x128xf32, #tpu.memory_space<hbm>> -> memref<20224x128xf32, #tpu.memory_space<hbm>>
    tpu.enqueue_indirect_dma source(%dma_start3A_44 : memref<20224x128xf32, #tpu.memory_space<hbm>>) target(%arg8 : memref<128x128xf32, #tpu.memory_space<vmem>>) offsets(%dma_start3A_41 : memref<128xi32, #tpu.memory_space<vmem>>) semaphore(%arg11 : memref<!tpu.dma_semaphore, #tpu.memory_space<semaphore_mem>>)
    %dma_start3A_45 = arith.constant 1 : i32
    %dma_start3A_46 = arith.constant 0 : i32
    %dma_start3A_47 = tpu.memref_slice %arg6[%dma_start3A_45, %dma_start3A_46] : memref<40x128xi32, #tpu.memory_space<vmem>> -> memref<1x128xi32, #tpu.memory_space<vmem>>
    %dma_start3A_48 = tpu.memref_squeeze %dma_start3A_47 : memref<1x128xi32, #tpu.memory_space<vmem>> -> memref<128xi32, #tpu.memory_space<vmem>>
    %dma_start3A_49 = arith.constant 0 : i32
    %dma_start3A_50 = arith.constant 0 : i32
    %dma_start3A_51 = tpu.memref_slice %arg2[%dma_start3A_49, %dma_start3A_50] : memref<20224x128xf32, #tpu.memory_space<hbm>> -> memref<20224x128xf32, #tpu.memory_space<hbm>>
    tpu.enqueue_indirect_dma source(%dma_start3A_51 : memref<20224x128xf32, #tpu.memory_space<hbm>>) target(%arg9 : memref<128x128xf32, #tpu.memory_space<vmem>>) offsets(%dma_start3A_48 : memref<128xi32, #tpu.memory_space<vmem>>) semaphore(%arg12 : memref<!tpu.dma_semaphore, #tpu.memory_space<semaphore_mem>>)
    %scan3A_52 = arith.constant 0 : i32
    %scan3A_53 = arith.constant 20 : i32
    %scan3A_54 = arith.addi %scan3A_52, %scan3A_53 : i32
    %scan3A_55 = arith.constant 1 : i32
    scf.for %scan3A_62 = %scan3A_52 to %scan3A_54 step %scan3A_55  : i32 {
      %mul3A_63 = arith.constant 2 : i32
      %mul3A_64 = arith.muli %scan3A_62, %mul3A_63 : i32
      %add3A_65 = arith.constant 0 : i32
      %add3A_66 = arith.addi %add3A_65, %mul3A_64 : i32
      %add3A_67 = arith.constant 0 : i32
      %add3A_68 = arith.addi %add3A_66, %add3A_67 : i32
      %dma_wait3A = arith.constant 0 : i32
      %dma_wait3A_69 = tpu.memref_slice %arg6[%add3A_68, %dma_wait3A] : memref<40x128xi32, #tpu.memory_space<vmem>> -> memref<1x128xi32, #tpu.memory_space<vmem>>
      %dma_wait3A_70 = tpu.memref_squeeze %dma_wait3A_69 : memref<1x128xi32, #tpu.memory_space<vmem>> -> memref<128xi32, #tpu.memory_space<vmem>>
      %dma_wait3A_71 = arith.constant 0 : i32
      %dma_wait3A_72 = arith.constant 0 : i32
      %dma_wait3A_73 = tpu.memref_slice %arg2[%dma_wait3A_71, %dma_wait3A_72] : memref<20224x128xf32, #tpu.memory_space<hbm>> -> memref<20224x128xf32, #tpu.memory_space<hbm>>
      tpu.wait_indirect_dma semaphore(%arg11 : memref<!tpu.dma_semaphore, #tpu.memory_space<semaphore_mem>>) src(%dma_wait3A_73 : memref<20224x128xf32, #tpu.memory_space<hbm>>) dst(%arg8 : memref<128x128xf32, #tpu.memory_space<vmem>>)
      %add3A_74 = arith.constant 0 : i32
      %add3A_75 = arith.addi %add3A_66, %add3A_74 : i32
      %dma_start3A_76 = arith.constant 0 : i32
      %dma_start3A_77 = tpu.memref_slice %arg7[%add3A_75, %dma_start3A_76] : memref<40x128xi32, #tpu.memory_space<vmem>> -> memref<1x128xi32, #tpu.memory_space<vmem>>
      %dma_start3A_78 = tpu.memref_squeeze %dma_start3A_77 : memref<1x128xi32, #tpu.memory_space<vmem>> -> memref<128xi32, #tpu.memory_space<vmem>>
      %dma_start3A_79 = arith.constant 0 : i32
      %dma_start3A_80 = arith.constant 0 : i32
      %dma_start3A_81 = tpu.memref_slice %arg10[%dma_start3A_79, %dma_start3A_80] : memref<10112x128xf32, #tpu.memory_space<vmem_shared>> -> memref<10112x128xf32, #tpu.memory_space<vmem_shared>>
      tpu.enqueue_indirect_dma source(%arg8 : memref<128x128xf32, #tpu.memory_space<vmem>>) target(%dma_start3A_81 : memref<10112x128xf32, #tpu.memory_space<vmem_shared>>) offsets(%dma_start3A_78 : memref<128xi32, #tpu.memory_space<vmem>>) semaphore(%arg13 : memref<!tpu.dma_semaphore, #tpu.memory_space<semaphore_mem>>) {add = true}
      %add3A_82 = arith.constant 1 : i32
      %add3A_83 = arith.addi %add3A_66, %add3A_82 : i32
      %dma_wait3A_84 = arith.constant 0 : i32
      %dma_wait3A_85 = tpu.memref_slice %arg6[%add3A_83, %dma_wait3A_84] : memref<40x128xi32, #tpu.memory_space<vmem>> -> memref<1x128xi32, #tpu.memory_space<vmem>>
      %dma_wait3A_86 = tpu.memref_squeeze %dma_wait3A_85 : memref<1x128xi32, #tpu.memory_space<vmem>> -> memref<128xi32, #tpu.memory_space<vmem>>
      %dma_wait3A_87 = arith.constant 0 : i32
      %dma_wait3A_88 = arith.constant 0 : i32
      %dma_wait3A_89 = tpu.memref_slice %arg2[%dma_wait3A_87, %dma_wait3A_88] : memref<20224x128xf32, #tpu.memory_space<hbm>> -> memref<20224x128xf32, #tpu.memory_space<hbm>>
      tpu.wait_indirect_dma semaphore(%arg12 : memref<!tpu.dma_semaphore, #tpu.memory_space<semaphore_mem>>) src(%dma_wait3A_89 : memref<20224x128xf32, #tpu.memory_space<hbm>>) dst(%arg9 : memref<128x128xf32, #tpu.memory_space<vmem>>)
      %add3A_90 = arith.constant 1 : i32
      %add3A_91 = arith.addi %add3A_66, %add3A_90 : i32
      %dma_start3A_92 = arith.constant 0 : i32
      %dma_start3A_93 = tpu.memref_slice %arg7[%add3A_91, %dma_start3A_92] : memref<40x128xi32, #tpu.memory_space<vmem>> -> memref<1x128xi32, #tpu.memory_space<vmem>>
      %dma_start3A_94 = tpu.memref_squeeze %dma_start3A_93 : memref<1x128xi32, #tpu.memory_space<vmem>> -> memref<128xi32, #tpu.memory_space<vmem>>
      %dma_start3A_95 = arith.constant 0 : i32
      %dma_start3A_96 = arith.constant 0 : i32
      %dma_start3A_97 = tpu.memref_slice %arg10[%dma_start3A_95, %dma_start3A_96] : memref<10112x128xf32, #tpu.memory_space<vmem_shared>> -> memref<10112x128xf32, #tpu.memory_space<vmem_shared>>
      tpu.enqueue_indirect_dma source(%arg9 : memref<128x128xf32, #tpu.memory_space<vmem>>) target(%dma_start3A_97 : memref<10112x128xf32, #tpu.memory_space<vmem_shared>>) offsets(%dma_start3A_94 : memref<128xi32, #tpu.memory_space<vmem>>) semaphore(%arg14 : memref<!tpu.dma_semaphore, #tpu.memory_space<semaphore_mem>>) {add = true}
      %add3A_98 = arith.constant 0 : i32
      %add3A_99 = arith.addi %add3A_66, %add3A_98 : i32
      %dma_wait3A_100 = arith.constant 0 : i32
      %dma_wait3A_101 = tpu.memref_slice %arg7[%add3A_99, %dma_wait3A_100] : memref<40x128xi32, #tpu.memory_space<vmem>> -> memref<1x128xi32, #tpu.memory_space<vmem>>
      %dma_wait3A_102 = tpu.memref_squeeze %dma_wait3A_101 : memref<1x128xi32, #tpu.memory_space<vmem>> -> memref<128xi32, #tpu.memory_space<vmem>>
      %dma_wait3A_103 = arith.constant 0 : i32
      %dma_wait3A_104 = arith.constant 0 : i32
      %dma_wait3A_105 = tpu.memref_slice %arg10[%dma_wait3A_103, %dma_wait3A_104] : memref<10112x128xf32, #tpu.memory_space<vmem_shared>> -> memref<10112x128xf32, #tpu.memory_space<vmem_shared>>
      tpu.wait_indirect_dma semaphore(%arg13 : memref<!tpu.dma_semaphore, #tpu.memory_space<semaphore_mem>>) src(%arg8 : memref<128x128xf32, #tpu.memory_space<vmem>>) dst(%dma_wait3A_105 : memref<10112x128xf32, #tpu.memory_space<vmem_shared>>)
      %add3A_106 = arith.constant 2 : i32
      %add3A_107 = arith.addi %add3A_66, %add3A_106 : i32
      %lt3A = arith.constant 40 : i32
      %lt3A_108 = arith.cmpi slt, %add3A_107, %lt3A : i32
      %convert_element_type3A = arith.extui %lt3A_108 : i1 to i32
      %cond3A = arith.constant 0 : i32
      %cond3A_109 = arith.cmpi ne, %convert_element_type3A, %cond3A : i32
      scf.if %cond3A_109 {
        %add3A_125 = arith.constant 0 : i32
        %add3A_126 = arith.addi %add3A_66, %add3A_125 : i32
        %add3A_127 = arith.constant 2 : i32
        %add3A_128 = arith.addi %add3A_126, %add3A_127 : i32
        %dma_start3A_129 = arith.constant 0 : i32
        %dma_start3A_130 = tpu.memref_slice %arg6[%add3A_128, %dma_start3A_129] : memref<40x128xi32, #tpu.memory_space<vmem>> -> memref<1x128xi32, #tpu.memory_space<vmem>>
        %dma_start3A_131 = tpu.memref_squeeze %dma_start3A_130 : memref<1x128xi32, #tpu.memory_space<vmem>> -> memref<128xi32, #tpu.memory_space<vmem>>
        %dma_start3A_132 = arith.constant 0 : i32
        %dma_start3A_133 = arith.constant 0 : i32
        %dma_start3A_134 = tpu.memref_slice %arg2[%dma_start3A_132, %dma_start3A_133] : memref<20224x128xf32, #tpu.memory_space<hbm>> -> memref<20224x128xf32, #tpu.memory_space<hbm>>
        tpu.enqueue_indirect_dma source(%dma_start3A_134 : memref<20224x128xf32, #tpu.memory_space<hbm>>) target(%arg8 : memref<128x128xf32, #tpu.memory_space<vmem>>) offsets(%dma_start3A_131 : memref<128xi32, #tpu.memory_space<vmem>>) semaphore(%arg11 : memref<!tpu.dma_semaphore, #tpu.memory_space<semaphore_mem>>)
      } else {
      }
      %add3A_110 = arith.constant 1 : i32
      %add3A_111 = arith.addi %add3A_66, %add3A_110 : i32
      %dma_wait3A_112 = arith.constant 0 : i32
      %dma_wait3A_113 = tpu.memref_slice %arg7[%add3A_111, %dma_wait3A_112] : memref<40x128xi32, #tpu.memory_space<vmem>> -> memref<1x128xi32, #tpu.memory_space<vmem>>
      %dma_wait3A_114 = tpu.memref_squeeze %dma_wait3A_113 : memref<1x128xi32, #tpu.memory_space<vmem>> -> memref<128xi32, #tpu.memory_space<vmem>>
      %dma_wait3A_115 = arith.constant 0 : i32
      %dma_wait3A_116 = arith.constant 0 : i32
      %dma_wait3A_117 = tpu.memref_slice %arg10[%dma_wait3A_115, %dma_wait3A_116] : memref<10112x128xf32, #tpu.memory_space<vmem_shared>> -> memref<10112x128xf32, #tpu.memory_space<vmem_shared>>
      tpu.wait_indirect_dma semaphore(%arg14 : memref<!tpu.dma_semaphore, #tpu.memory_space<semaphore_mem>>) src(%arg9 : memref<128x128xf32, #tpu.memory_space<vmem>>) dst(%dma_wait3A_117 : memref<10112x128xf32, #tpu.memory_space<vmem_shared>>)
      %add3A_118 = arith.constant 2 : i32
      %add3A_119 = arith.addi %add3A_66, %add3A_118 : i32
      %lt3A_120 = arith.constant 40 : i32
      %lt3A_121 = arith.cmpi slt, %add3A_119, %lt3A_120 : i32
      %convert_element_type3A_122 = arith.extui %lt3A_121 : i1 to i32
      %cond3A_123 = arith.constant 0 : i32
      %cond3A_124 = arith.cmpi ne, %convert_element_type3A_122, %cond3A_123 : i32
      scf.if %cond3A_124 {
        %add3A_125 = arith.constant 1 : i32
        %add3A_126 = arith.addi %add3A_66, %add3A_125 : i32
        %add3A_127 = arith.constant 2 : i32
        %add3A_128 = arith.addi %add3A_126, %add3A_127 : i32
        %dma_start3A_129 = arith.constant 0 : i32
        %dma_start3A_130 = tpu.memref_slice %arg6[%add3A_128, %dma_start3A_129] : memref<40x128xi32, #tpu.memory_space<vmem>> -> memref<1x128xi32, #tpu.memory_space<vmem>>
        %dma_start3A_131 = tpu.memref_squeeze %dma_start3A_130 : memref<1x128xi32, #tpu.memory_space<vmem>> -> memref<128xi32, #tpu.memory_space<vmem>>
        %dma_start3A_132 = arith.constant 0 : i32
        %dma_start3A_133 = arith.constant 0 : i32
        %dma_start3A_134 = tpu.memref_slice %arg2[%dma_start3A_132, %dma_start3A_133] : memref<20224x128xf32, #tpu.memory_space<hbm>> -> memref<20224x128xf32, #tpu.memory_space<hbm>>
        tpu.enqueue_indirect_dma source(%dma_start3A_134 : memref<20224x128xf32, #tpu.memory_space<hbm>>) target(%arg9 : memref<128x128xf32, #tpu.memory_space<vmem>>) offsets(%dma_start3A_131 : memref<128xi32, #tpu.memory_space<vmem>>) semaphore(%arg12 : memref<!tpu.dma_semaphore, #tpu.memory_space<semaphore_mem>>)
      } else {
      }
    }
    %scan3A_56 = arith.constant 20 : i32
    %barrier3A_57 = arith.constant 0 : index
    tpu.barrier barrier_id(%barrier3A_57)
    %mul3A_58 = arith.constant 632 : i32
    %mul3A_59 = arith.muli %arg1, %mul3A_58 : i32
    %mul3A_60 = arith.constant 632 : i32
    %mul3A_61 = arith.muli %arg1, %mul3A_60 : i32
    "tpu.region"() ({
      %run_scoped3A = tpu.sem_alloc : memref<!tpu.dma_semaphore, #tpu.memory_space<semaphore_mem>>
      %dma_start3A_62 = arith.constant 0 : i32
      %dma_start3A_63 = tpu.memref_slice %arg5[%arg0, %mul3A_61, %dma_start3A_62] : memref<2x10112x128xf32, #tpu.memory_space<hbm>> -> memref<1x632x128xf32, #tpu.memory_space<hbm>>
      %dma_start3A_64 = tpu.memref_squeeze %dma_start3A_63 : memref<1x632x128xf32, #tpu.memory_space<hbm>> -> memref<632x128xf32, #tpu.memory_space<hbm>>
      %dma_start3A_65 = arith.constant 0 : i32
      %dma_start3A_66 = tpu.memref_slice %arg10[%mul3A_59, %dma_start3A_65] : memref<10112x128xf32, #tpu.memory_space<vmem_shared>> -> memref<632x128xf32, #tpu.memory_space<vmem_shared>>
      tpu.enqueue_dma source(%dma_start3A_66 : memref<632x128xf32, #tpu.memory_space<vmem_shared>>) target(%dma_start3A_64 : memref<632x128xf32, #tpu.memory_space<hbm>>) target_semaphore(%run_scoped3A : memref<!tpu.dma_semaphore, #tpu.memory_space<semaphore_mem>>)
      %dma_wait3A = arith.constant 0 : i32
      %dma_wait3A_67 = tpu.memref_slice %arg5[%arg0, %mul3A_61, %dma_wait3A] : memref<2x10112x128xf32, #tpu.memory_space<hbm>> -> memref<1x632x128xf32, #tpu.memory_space<hbm>>
      %dma_wait3A_68 = tpu.memref_squeeze %dma_wait3A_67 : memref<1x632x128xf32, #tpu.memory_space<hbm>> -> memref<632x128xf32, #tpu.memory_space<hbm>>
      %dma_wait3A_69 = arith.constant 0 : i32
      %dma_wait3A_70 = tpu.memref_slice %arg10[%mul3A_59, %dma_wait3A_69] : memref<10112x128xf32, #tpu.memory_space<vmem_shared>> -> memref<632x128xf32, #tpu.memory_space<vmem_shared>>
      tpu.wait_dma2 semaphore(%run_scoped3A : memref<!tpu.dma_semaphore, #tpu.memory_space<semaphore_mem>>) src(%dma_wait3A_70 : memref<632x128xf32, #tpu.memory_space<vmem_shared>>) dst(%dma_wait3A_68 : memref<632x128xf32, #tpu.memory_space<hbm>>)
      tpu.yield
    }) : () -> ()
    return
  }
}

module attributes {stable_mosaic.version = 14 : i64} {
  func.func @_dinv_body(%arg0: i32, %arg1: memref<2x1000x128xf32, #tpu.memory_space<vmem>>, %arg2: memref<1000x1xf32, #tpu.memory_space<vmem>>) attributes {dimension_semantics = [#tpu.dimension_semantics<arbitrary>], iteration_bounds = array<i64: 10>, scalar_prefetch = 0 : i64, scratch_operands = 0 : i64, tpu.core_type = #tpu.core_type<tc>, window_params = [{transform_indices = @transform_0, window_bounds = array<i64: 2, 1000, 128>}, {transform_indices = @transform_1, window_bounds = array<i64: 1000, 1>}]} {
    %get3A = arith.constant 0 : index
    %get3A_0 = arith.constant 0 : index
    %get3A_1 = arith.constant 0 : index
    %get3A_2 = vector.load %arg1[%get3A, %get3A_0, %get3A_1] : memref<2x1000x128xf32, #tpu.memory_space<vmem>>, vector<1x1000x1xf32>
    %get3A_3 = vector.shape_cast %get3A_2 : vector<1x1000x1xf32> to vector<1000x1xf32>
    %get3A_4 = arith.constant 1 : index
    %get3A_5 = arith.constant 0 : index
    %get3A_6 = arith.constant 0 : index
    %get3A_7 = vector.load %arg1[%get3A_4, %get3A_5, %get3A_6] : memref<2x1000x128xf32, #tpu.memory_space<vmem>>, vector<1x1000x1xf32>
    %get3A_8 = vector.shape_cast %get3A_7 : vector<1x1000x1xf32> to vector<1000x1xf32>
    %add3A = arith.addf %get3A_3, %get3A_8 : vector<1000x1xf32>
    %add3A_9 = arith.constant 1.000000e+00 : f32
    %add3A_10 = vector.broadcast %add3A_9 : f32 to vector<1000x1xf32>
    %add3A_11 = arith.addf %add3A, %add3A_10 : vector<1000x1xf32>
    %rsqrt3A = math.rsqrt %add3A_11 : vector<1000x1xf32>
    %swap3A = arith.constant 0 : index
    %swap3A_12 = arith.constant 0 : index
    %swap3A_13 = vector.load %arg2[%swap3A, %swap3A_12] : memref<1000x1xf32, #tpu.memory_space<vmem>>, vector<1000x1xf32>
    tpu.vector_store %arg2[%swap3A, %swap3A_12], %rsqrt3A {strides = array<i32>} : memref<1000x1xf32, #tpu.memory_space<vmem>>, vector<1000x1xf32>,
    return
  }
  func.func @transform_0(%arg0: i32) -> (i32, i32, i32) {
    %c0_i32 = arith.constant 0 : i32
    %c0_i32_0 = arith.constant 0 : i32
    %c0_i32_1 = arith.constant 0 : i32
    return %c0_i32, %arg0, %c0_i32_0 : i32, i32, i32
  }
  func.func @transform_1(%arg0: i32) -> (i32, i32) {
    %c0_i32 = arith.constant 0 : i32
    %c0_i32_0 = arith.constant 0 : i32
    return %arg0, %c0_i32 : i32, i32
  }
}

module attributes {stable_mosaic.version = 14 : i64} {
  func.func @_mm1_body(%arg0: i32, %arg1: i32, %arg2: memref<1000x256xf32, #tpu.memory_space<vmem>>, %arg3: memref<256x128xf32, #tpu.memory_space<vmem>>, %arg4: memref<1000x1xf32, #tpu.memory_space<vmem>>, %arg5: memref<1x1000x128xf32, #tpu.memory_space<vmem>>) attributes {dimension_semantics = [#tpu.dimension_semantics<arbitrary>, #tpu.dimension_semantics<arbitrary>], iteration_bounds = array<i64: 10, 2>, scalar_prefetch = 0 : i64, scratch_operands = 0 : i64, tpu.core_type = #tpu.core_type<tc>, window_params = [{transform_indices = @transform_0, window_bounds = array<i64: 1000, 256>}, {transform_indices = @transform_1, window_bounds = array<i64: 256, 128>}, {transform_indices = @transform_2, window_bounds = array<i64: 1000, 1>}, {transform_indices = @transform_3, window_bounds = array<i64: 1, 1000, 128>}]} {
    %get3A = arith.constant 0 : index
    %get3A_0 = arith.constant 0 : index
    %get3A_1 = vector.load %arg2[%get3A, %get3A_0] : memref<1000x256xf32, #tpu.memory_space<vmem>>, vector<1000x256xf32>
    %get3A_2 = arith.constant 0 : index
    %get3A_3 = arith.constant 0 : index
    %get3A_4 = vector.load %arg3[%get3A_2, %get3A_3] : memref<256x128xf32, #tpu.memory_space<vmem>>, vector<256x128xf32>
    %dot_general3A = arith.constant dense<0.000000e+00> : vector<1000x128xf32>
    %dot_general3A_5 = tpu.matmul %get3A_1, %get3A_4, %dot_general3A {dimension_numbers = #tpu.dot_dimension_numbers<[1], [0], [0], [1], [0, 0, 1, 1], [], []>, transpose_lhs_hint = false} : vector<1000x256xf32>, vector<256x128xf32>, vector<1000x128xf32> -> vector<1000x128xf32>
    %get3A_6 = arith.constant 0 : index
    %get3A_7 = arith.constant 0 : index
    %get3A_8 = vector.load %arg4[%get3A_6, %get3A_7] : memref<1000x1xf32, #tpu.memory_space<vmem>>, vector<1000x1xf32>
    %mul3A = vector.broadcast %get3A_8 : vector<1000x1xf32> to vector<1000x128xf32>
    %mul3A_9 = arith.mulf %dot_general3A_5, %mul3A : vector<1000x128xf32>
    %swap3A = arith.constant 0 : index
    %swap3A_10 = arith.constant 0 : index
    %swap3A_11 = arith.constant 0 : index
    %swap3A_12 = vector.load %arg5[%swap3A, %swap3A_10, %swap3A_11] : memref<1x1000x128xf32, #tpu.memory_space<vmem>>, vector<1x1000x128xf32>
    %swap3A_13 = vector.shape_cast %swap3A_12 : vector<1x1000x128xf32> to vector<1000x128xf32>
    %swap3A_14 = vector.shape_cast %mul3A_9 : vector<1000x128xf32> to vector<1x1000x128xf32>
    tpu.vector_store %arg5[%swap3A, %swap3A_10, %swap3A_11], %swap3A_14 {strides = array<i32>} : memref<1x1000x128xf32, #tpu.memory_space<vmem>>, vector<1x1000x128xf32>,
    return
  }
  func.func @transform_0(%arg0: i32, %arg1: i32) -> (i32, i32) {
    %c0_i32 = arith.constant 0 : i32
    %c0_i32_0 = arith.constant 0 : i32
    return %arg0, %c0_i32 : i32, i32
  }
  func.func @transform_1(%arg0: i32, %arg1: i32) -> (i32, i32) {
    %c0_i32 = arith.constant 0 : i32
    %c0_i32_0 = arith.constant 0 : i32
    return %c0_i32, %arg1 : i32, i32
  }
  func.func @transform_2(%arg0: i32, %arg1: i32) -> (i32, i32) {
    %c0_i32 = arith.constant 0 : i32
    %c0_i32_0 = arith.constant 0 : i32
    return %arg0, %c0_i32 : i32, i32
  }
  func.func @transform_3(%arg0: i32, %arg1: i32) -> (i32, i32, i32) {
    %c0_i32 = arith.constant 0 : i32
    %c0_i32_0 = arith.constant 0 : i32
    return %arg1, %arg0, %c0_i32 : i32, i32, i32
  }
}

module attributes {stable_mosaic.version = 14 : i64} {
  func.func @_lin_body(%arg0: i32, %arg1: i32, %arg2: memref<1x1000x128xf32, #tpu.memory_space<vmem>>, %arg3: memref<1x1000x128xf32, #tpu.memory_space<vmem>>, %arg4: memref<1000x1xf32, #tpu.memory_space<vmem>>, %arg5: memref<1x256xf32, #tpu.memory_space<vmem>>, %arg6: memref<256x128xf32, #tpu.memory_space<vmem>>, %arg7: memref<1x1000x128xf32, #tpu.memory_space<vmem>>) attributes {dimension_semantics = [#tpu.dimension_semantics<arbitrary>, #tpu.dimension_semantics<arbitrary>], iteration_bounds = array<i64: 10, 2>, scalar_prefetch = 0 : i64, scratch_operands = 0 : i64, tpu.core_type = #tpu.core_type<tc>, window_params = [{transform_indices = @transform_0, window_bounds = array<i64: 1, 1000, 128>}, {transform_indices = @transform_1, window_bounds = array<i64: 1, 1000, 128>}, {transform_indices = @transform_2, window_bounds = array<i64: 1000, 1>}, {pipeline_mode = #tpu.pipeline_mode<synchronous>, transform_indices = @transform_3, window_bounds = array<i64: 1, 256>}, {transform_indices = @transform_4, window_bounds = array<i64: 256, 128>}, {transform_indices = @transform_5, window_bounds = array<i64: 1, 1000, 128>}]} {
    %get3A = arith.constant 0 : index
    %get3A_0 = arith.constant 0 : index
    %get3A_1 = arith.constant 0 : index
    %get3A_2 = vector.load %arg2[%get3A, %get3A_0, %get3A_1] : memref<1x1000x128xf32, #tpu.memory_space<vmem>>, vector<1x1000x128xf32>
    %get3A_3 = vector.shape_cast %get3A_2 : vector<1x1000x128xf32> to vector<1000x128xf32>
    %get3A_4 = arith.constant 0 : index
    %get3A_5 = arith.constant 0 : index
    %get3A_6 = arith.constant 0 : index
    %get3A_7 = vector.load %arg3[%get3A_4, %get3A_5, %get3A_6] : memref<1x1000x128xf32, #tpu.memory_space<vmem>>, vector<1x1000x128xf32>
    %get3A_8 = vector.shape_cast %get3A_7 : vector<1x1000x128xf32> to vector<1000x128xf32>
    %concatenate3A = tpu.concatenate %get3A_3, %get3A_8 in 1 : vector<1000x128xf32>, vector<1000x128xf32> -> vector<1000x256xf32>
    %get3A_9 = arith.constant 0 : index
    %get3A_10 = arith.constant 0 : index
    %get3A_11 = vector.load %arg4[%get3A_9, %get3A_10] : memref<1000x1xf32, #tpu.memory_space<vmem>>, vector<1000x1xf32>
    %mul3A = vector.broadcast %get3A_11 : vector<1000x1xf32> to vector<1000x256xf32>
    %mul3A_12 = arith.mulf %concatenate3A, %mul3A : vector<1000x256xf32>
    %get3A_13 = arith.constant 0 : index
    %get3A_14 = arith.constant 0 : index
    %get3A_15 = vector.load %arg5[%get3A_13, %get3A_14] : memref<1x256xf32, #tpu.memory_space<vmem>>, vector<1x256xf32>
    %add3A = vector.broadcast %get3A_15 : vector<1x256xf32> to vector<1000x256xf32>
    %add3A_16 = arith.addf %mul3A_12, %add3A : vector<1000x256xf32>
    %max3A = arith.constant 0.000000e+00 : f32
    %max3A_17 = vector.broadcast %max3A : f32 to vector<1000x256xf32>
    %max3A_18 = arith.maximumf %add3A_16, %max3A_17 : vector<1000x256xf32>
    %get3A_19 = arith.constant 0 : index
    %get3A_20 = arith.constant 0 : index
    %get3A_21 = vector.load %arg6[%get3A_19, %get3A_20] : memref<256x128xf32, #tpu.memory_space<vmem>>, vector<256x128xf32>
    %dot_general3A = arith.constant dense<0.000000e+00> : vector<1000x128xf32>
    %dot_general3A_22 = tpu.matmul %max3A_18, %get3A_21, %dot_general3A {dimension_numbers = #tpu.dot_dimension_numbers<[1], [0], [0], [1], [0, 0, 1, 1], [], []>, transpose_lhs_hint = false} : vector<1000x256xf32>, vector<256x128xf32>, vector<1000x128xf32> -> vector<1000x128xf32>
    %get3A_23 = arith.constant 0 : index
    %get3A_24 = arith.constant 0 : index
    %get3A_25 = vector.load %arg4[%get3A_23, %get3A_24] : memref<1000x1xf32, #tpu.memory_space<vmem>>, vector<1000x1xf32>
    %mul3A_26 = vector.broadcast %get3A_25 : vector<1000x1xf32> to vector<1000x128xf32>
    %mul3A_27 = arith.mulf %dot_general3A_22, %mul3A_26 : vector<1000x128xf32>
    %swap3A = arith.constant 0 : index
    %swap3A_28 = arith.constant 0 : index
    %swap3A_29 = arith.constant 0 : index
    %swap3A_30 = vector.load %arg7[%swap3A, %swap3A_28, %swap3A_29] : memref<1x1000x128xf32, #tpu.memory_space<vmem>>, vector<1x1000x128xf32>
    %swap3A_31 = vector.shape_cast %swap3A_30 : vector<1x1000x128xf32> to vector<1000x128xf32>
    %swap3A_32 = vector.shape_cast %mul3A_27 : vector<1000x128xf32> to vector<1x1000x128xf32>
    tpu.vector_store %arg7[%swap3A, %swap3A_28, %swap3A_29], %swap3A_32 {strides = array<i32>} : memref<1x1000x128xf32, #tpu.memory_space<vmem>>, vector<1x1000x128xf32>,
    return
  }
  func.func @transform_0(%arg0: i32, %arg1: i32) -> (i32, i32, i32) {
    %c0_i32 = arith.constant 0 : i32
    %c0_i32_0 = arith.constant 0 : i32
    %c0_i32_1 = arith.constant 0 : i32
    return %c0_i32, %arg0, %c0_i32_0 : i32, i32, i32
  }
  func.func @transform_1(%arg0: i32, %arg1: i32) -> (i32, i32, i32) {
    %c1_i32 = arith.constant 1 : i32
    %c0_i32 = arith.constant 0 : i32
    %c0_i32_0 = arith.constant 0 : i32
    return %c1_i32, %arg0, %c0_i32 : i32, i32, i32
  }
  func.func @transform_2(%arg0: i32, %arg1: i32) -> (i32, i32) {
    %c0_i32 = arith.constant 0 : i32
    %c0_i32_0 = arith.constant 0 : i32
    return %arg0, %c0_i32 : i32, i32
  }
  func.func @transform_3(%arg0: i32, %arg1: i32) -> (i32, i32) {
    %c0_i32 = arith.constant 0 : i32
    %c0_i32_0 = arith.constant 0 : i32
    %c0_i32_1 = arith.constant 0 : i32
    return %c0_i32, %c0_i32_0 : i32, i32
  }
  func.func @transform_4(%arg0: i32, %arg1: i32) -> (i32, i32) {
    %c0_i32 = arith.constant 0 : i32
    %c0_i32_0 = arith.constant 0 : i32
    return %c0_i32, %arg1 : i32, i32
  }
  func.func @transform_5(%arg0: i32, %arg1: i32) -> (i32, i32, i32) {
    %c0_i32 = arith.constant 0 : i32
    %c0_i32_0 = arith.constant 0 : i32
    return %arg1, %arg0, %c0_i32 : i32, i32, i32
  }
}

module attributes {stable_mosaic.version = 14 : i64} {
  func.func @_pool_body(%arg0: i32, %arg1: memref<1x1000x128xf32, #tpu.memory_space<vmem>>, %arg2: memref<1x1000x128xf32, #tpu.memory_space<vmem>>, %arg3: memref<1000x1xf32, #tpu.memory_space<vmem>>, %arg4: memref<1x256xf32, #tpu.memory_space<vmem>>, %arg5: memref<1000x1xi32, #tpu.memory_space<vmem>>, %arg6: memref<16x256xf32, #tpu.memory_space<vmem>>, %arg7: memref<16x256xf32, #tpu.memory_space<vmem>>) attributes {dimension_semantics = [#tpu.dimension_semantics<arbitrary>], iteration_bounds = array<i64: 10>, scalar_prefetch = 0 : i64, scratch_operands = 1 : i64, tpu.core_type = #tpu.core_type<tc>, window_params = [{transform_indices = @transform_0, window_bounds = array<i64: 1, 1000, 128>}, {transform_indices = @transform_1, window_bounds = array<i64: 1, 1000, 128>}, {transform_indices = @transform_2, window_bounds = array<i64: 1000, 1>}, {pipeline_mode = #tpu.pipeline_mode<synchronous>, transform_indices = @transform_3, window_bounds = array<i64: 1, 256>}, {transform_indices = @transform_4, window_bounds = array<i64: 1000, 1>}, {pipeline_mode = #tpu.pipeline_mode<synchronous>, transform_indices = @transform_5, window_bounds = array<i64: 16, 256>}]} {
    %eq3A = arith.constant 0 : i32
    %eq3A_0 = arith.cmpi eq, %arg0, %eq3A : i32
    %convert_element_type3A = arith.extui %eq3A_0 : i1 to i32
    %cond3A = arith.constant 0 : i32
    %cond3A_1 = arith.cmpi ne, %convert_element_type3A, %cond3A : i32
    scf.if %cond3A_1 {
      %broadcast_in_dim3A_49 = arith.constant 0.000000e+00 : f32
      %broadcast_in_dim3A_50 = vector.broadcast %broadcast_in_dim3A_49 : f32 to vector<16x256xf32>
      %swap3A_51 = arith.constant 0 : index
      %swap3A_52 = arith.constant 0 : index
      %swap3A_53 = vector.load %arg6[%swap3A_51, %swap3A_52] : memref<16x256xf32, #tpu.memory_space<vmem>>, vector<16x256xf32>
      tpu.vector_store %arg6[%swap3A_51, %swap3A_52], %broadcast_in_dim3A_50 {strides = array<i32>} : memref<16x256xf32, #tpu.memory_space<vmem>>, vector<16x256xf32>,
      %broadcast_in_dim3A_54 = arith.constant 0.000000e+00 : f32
      %broadcast_in_dim3A_55 = vector.broadcast %broadcast_in_dim3A_54 : f32 to vector<16x256xf32>
      %swap3A_56 = arith.constant 0 : index
      %swap3A_57 = arith.constant 0 : index
      %swap3A_58 = vector.load %arg7[%swap3A_56, %swap3A_57] : memref<16x256xf32, #tpu.memory_space<vmem>>, vector<16x256xf32>
      tpu.vector_store %arg7[%swap3A_56, %swap3A_57], %broadcast_in_dim3A_55 {strides = array<i32>} : memref<16x256xf32, #tpu.memory_space<vmem>>, vector<16x256xf32>,
    } else {
    }
    %get3A = arith.constant 0 : index
    %get3A_2 = arith.constant 0 : index
    %get3A_3 = arith.constant 0 : index
    %get3A_4 = vector.load %arg1[%get3A, %get3A_2, %get3A_3] : memref<1x1000x128xf32, #tpu.memory_space<vmem>>, vector<1x1000x128xf32>
    %get3A_5 = vector.shape_cast %get3A_4 : vector<1x1000x128xf32> to vector<1000x128xf32>
    %get3A_6 = arith.constant 0 : index
    %get3A_7 = arith.constant 0 : index
    %get3A_8 = arith.constant 0 : index
    %get3A_9 = vector.load %arg2[%get3A_6, %get3A_7, %get3A_8] : memref<1x1000x128xf32, #tpu.memory_space<vmem>>, vector<1x1000x128xf32>
    %get3A_10 = vector.shape_cast %get3A_9 : vector<1x1000x128xf32> to vector<1000x128xf32>
    %concatenate3A = tpu.concatenate %get3A_5, %get3A_10 in 1 : vector<1000x128xf32>, vector<1000x128xf32> -> vector<1000x256xf32>
    %get3A_11 = arith.constant 0 : index
    %get3A_12 = arith.constant 0 : index
    %get3A_13 = vector.load %arg3[%get3A_11, %get3A_12] : memref<1000x1xf32, #tpu.memory_space<vmem>>, vector<1000x1xf32>
    %mul3A = vector.broadcast %get3A_13 : vector<1000x1xf32> to vector<1000x256xf32>
    %mul3A_14 = arith.mulf %concatenate3A, %mul3A : vector<1000x256xf32>
    %get3A_15 = arith.constant 0 : index
    %get3A_16 = arith.constant 0 : index
    %get3A_17 = vector.load %arg4[%get3A_15, %get3A_16] : memref<1x256xf32, #tpu.memory_space<vmem>>, vector<1x256xf32>
    %add3A = vector.broadcast %get3A_17 : vector<1x256xf32> to vector<1000x256xf32>
    %add3A_18 = arith.addf %mul3A_14, %add3A : vector<1000x256xf32>
    %get3A_19 = arith.constant 0 : index
    %get3A_20 = arith.constant 0 : index
    %get3A_21 = vector.load %arg5[%get3A_19, %get3A_20] : memref<1000x1xi32, #tpu.memory_space<vmem>>, vector<1000x1xi32>
    %iota3A = tpu.iota {dimensions = array<i32: 1>} : vector<1x16xi32>
    %eq3A_22 = vector.broadcast %get3A_21 : vector<1000x1xi32> to vector<1000x16xi32>
    %eq3A_23 = vector.broadcast %iota3A : vector<1x16xi32> to vector<1000x16xi32>
    %eq3A_24 = arith.cmpi eq, %eq3A_22, %eq3A_23 : vector<1000x16xi32>
    %convert_element_type3A_25 = arith.extui %eq3A_24 : vector<1000x16xi1> to vector<1000x16xi32>
    %convert_element_type3A_26 = arith.sitofp %convert_element_type3A_25 : vector<1000x16xi32> to vector<1000x16xf32>
    %get3A_27 = arith.constant 0 : index
    %get3A_28 = arith.constant 0 : index
    %get3A_29 = vector.load %arg6[%get3A_27, %get3A_28] : memref<16x256xf32, #tpu.memory_space<vmem>>, vector<16x256xf32>
    %dot_general3A = arith.constant dense<0.000000e+00> : vector<16x256xf32>
    %dot_general3A_30 = tpu.matmul %convert_element_type3A_26, %add3A_18, %dot_general3A {dimension_numbers = #tpu.dot_dimension_numbers<[0], [0], [1], [1], [0, 1, 1, 1], [], []>, transpose_lhs_hint = false} : vector<1000x16xf32>, vector<1000x256xf32>, vector<16x256xf32> -> vector<16x256xf32>
    %add3A_31 = arith.addf %get3A_29, %dot_general3A_30 : vector<16x256xf32>
    %swap3A = arith.constant 0 : index
    %swap3A_32 = arith.constant 0 : index
    %swap3A_33 = vector.load %arg6[%swap3A, %swap3A_32] : memref<16x256xf32, #tpu.memory_space<vmem>>, vector<16x256xf32>
    tpu.vector_store %arg6[%swap3A, %swap3A_32], %add3A_31 {strides = array<i32>} : memref<16x256xf32, #tpu.memory_space<vmem>>, vector<16x256xf32>,
    %reduce_sum3A = arith.constant dense<0.000000e+00> : vector<16xf32>
    %reduce_sum3A_34 = vector.multi_reduction <add>, %convert_element_type3A_26, %reduce_sum3A [0] : vector<1000x16xf32> to vector<16xf32>
    %broadcast_in_dim3A = vector.shape_cast %reduce_sum3A_34 : vector<16xf32> to vector<16x1xf32>
    %get3A_35 = arith.constant 0 : index
    %get3A_36 = arith.constant 0 : index
    %get3A_37 = vector.load %arg7[%get3A_35, %get3A_36] : memref<16x256xf32, #tpu.memory_space<vmem>>, vector<16x256xf32>
    %broadcast_in_dim3A_38 = vector.shape_cast %broadcast_in_dim3A : vector<16x1xf32> to vector<16x1xf32>
    %broadcast_in_dim3A_39 = vector.broadcast %broadcast_in_dim3A_38 : vector<16x1xf32> to vector<16x256xf32>
    %add3A_40 = arith.addf %get3A_37, %broadcast_in_dim3A_39 : vector<16x256xf32>
    %swap3A_41 = arith.constant 0 : index
    %swap3A_42 = arith.constant 0 : index
    %swap3A_43 = vector.load %arg7[%swap3A_41, %swap3A_42] : memref<16x256xf32, #tpu.memory_space<vmem>>, vector<16x256xf32>
    tpu.vector_store %arg7[%swap3A_41, %swap3A_42], %add3A_40 {strides = array<i32>} : memref<16x256xf32, #tpu.memory_space<vmem>>, vector<16x256xf32>,
    %eq3A_44 = arith.constant 9 : i32
    %eq3A_45 = arith.cmpi eq, %arg0, %eq3A_44 : i32
    %convert_element_type3A_46 = arith.extui %eq3A_45 : i1 to i32
    %cond3A_47 = arith.constant 0 : i32
    %cond3A_48 = arith.cmpi ne, %convert_element_type3A_46, %cond3A_47 : i32
    scf.if %cond3A_48 {
      %get3A_49 = arith.constant 0 : index
      %get3A_50 = arith.constant 0 : index
      %get3A_51 = vector.load %arg6[%get3A_49, %get3A_50] : memref<16x256xf32, #tpu.memory_space<vmem>>, vector<16x256xf32>
      %get3A_52 = arith.constant 0 : index
      %get3A_53 = arith.constant 0 : index
      %get3A_54 = vector.load %arg7[%get3A_52, %get3A_53] : memref<16x256xf32, #tpu.memory_space<vmem>>, vector<16x256xf32>
      %max3A = arith.constant 1.000000e+00 : f32
      %max3A_55 = vector.broadcast %max3A : f32 to vector<16x256xf32>
      %max3A_56 = arith.maximumf %get3A_54, %max3A_55 : vector<16x256xf32>
      %div3A = arith.divf %get3A_51, %max3A_56 : vector<16x256xf32>
      %swap3A_57 = arith.constant 0 : index
      %swap3A_58 = arith.constant 0 : index
      %swap3A_59 = vector.load %arg6[%swap3A_57, %swap3A_58] : memref<16x256xf32, #tpu.memory_space<vmem>>, vector<16x256xf32>
      tpu.vector_store %arg6[%swap3A_57, %swap3A_58], %div3A {strides = array<i32>} : memref<16x256xf32, #tpu.memory_space<vmem>>, vector<16x256xf32>,
    } else {
    }
    return
  }
  func.func @transform_0(%arg0: i32) -> (i32, i32, i32) {
    %c0_i32 = arith.constant 0 : i32
    %c0_i32_0 = arith.constant 0 : i32
    %c0_i32_1 = arith.constant 0 : i32
    return %c0_i32, %arg0, %c0_i32_0 : i32, i32, i32
  }
  func.func @transform_1(%arg0: i32) -> (i32, i32, i32) {
    %c1_i32 = arith.constant 1 : i32
    %c0_i32 = arith.constant 0 : i32
    %c0_i32_0 = arith.constant 0 : i32
    return %c1_i32, %arg0, %c0_i32 : i32, i32, i32
  }
  func.func @transform_2(%arg0: i32) -> (i32, i32) {
    %c0_i32 = arith.constant 0 : i32
    %c0_i32_0 = arith.constant 0 : i32
    return %arg0, %c0_i32 : i32, i32
  }
  func.func @transform_3(%arg0: i32) -> (i32, i32) {
    %c0_i32 = arith.constant 0 : i32
    %c0_i32_0 = arith.constant 0 : i32
    %c0_i32_1 = arith.constant 0 : i32
    return %c0_i32, %c0_i32_0 : i32, i32
  }
  func.func @transform_4(%arg0: i32) -> (i32, i32) {
    %c0_i32 = arith.constant 0 : i32
    %c0_i32_0 = arith.constant 0 : i32
    return %arg0, %c0_i32 : i32, i32
  }
  func.func @transform_5(%arg0: i32) -> (i32, i32) {
    %c0_i32 = arith.constant 0 : i32
    %c0_i32_0 = arith.constant 0 : i32
    %c0_i32_1 = arith.constant 0 : i32
    return %c0_i32, %c0_i32_0 : i32, i32
  }
}

</mosaic_0001>

<sc_bundles>
// kernel: kernel.11.cloned.1.call-start
scs
__scs_entry_jumppad:
0x0: {  	(pc) =	sbr.rel $0x88, $3  }
0x1: {  	(tag) =	ssettag $0x0;
	lr =	simm.s32 $0x1  }
0x2: {  	[smem:$0x3F98] =	sst lr;
	_ =	strace $0xD0000000  }
0x3: {  	_ = 	snop  }
0x4: {  	_ = 	snop  }
0x5: {  	_ = 	snop  }
0x6: {  	_ = 	snop  }
0x7: {  	_ = 	snop  }
__scs_overlays_trampoline_lowered:
0x8: {  	[smem:$0x3FA7] =	sst s0  }
0x9: {  	[smem:$0x3FA8] =	sst s1  }
0xa: {  	[smem:$0x3FA9] =	sst s2  }
0xb: {  	[smem:$0x3FAA] =	sst s3  }
0xc: {  	[smem:$0x3FAB] =	sst s4  }
0xd: {  	[smem:$0x3FAC] =	sst s5  }
0xe: {  	[smem:$0x3FAD] =	sst s6  }
0xf: {  	[smem:$0x3FAE] =	sst s7  }
0x10: {  	[smem:$0x3FAF] =	sst s8  }
0x11: {  	[smem:$0x3FB0] =	sst s9;
	s0 =	simm.s32 @!p0 $0x0  }
0x12: {  	s1 =	sld [smem:$0x3F96];
	s0 =	simm.s32 @p0 $0x1  }
0x13: {  	[smem:$0x3FB1] =	sst s0;
	s0 =	simm.s32 @!p1 $0x0  }
0x14: {  	s2 =	sld [smem:$0x3F95];
	s0 =	simm.s32 @p1 $0x1  }
0x15: {  	[smem:$0x3FB2] =	sst s0;
	s0 =	simm.s32 @!p2 $0x0  }
0x16: {  	s3 =	sld [smem:$0x3FDB];
	s0 =	simm.s32 @p2 $0x1  }
0x17: {  	s4 =	simm.s32 $0x1BF5;
	[smem:$0x3FB4] =	sst s0  }
0x18: {  	s0 =	sld [smem:$0x3F97];
	_ =	swait.ge [sflag:s4], $0x0  }
0x19: {  	s7 =	sld [smem:$0x3F98]  }
0x1a: {  	s8 =	sadd.s32 $0xFFFFE003, lr  }
0x1b: {  	s9 =	sadd.s32 $0xFFFFFEF7, lr;
	s5 =	simm.s32 $0xFFFFFFFF;
	p2 =	slt.u32 s8, $0xFFFFF086  }
0x1c: {  	p1 =	slt.u32 s9, $0xF7A;
	s5 =	simm.s32 @!p2 $0x0  }
0x1d: {  	s5 =	simm.s32 @p1 $0x1;
	p0 =	seq.s32 s7, s2  }
0x1e: {  	s7 =	smul.u32 @!p0 $0xF7A, s2;
	p2 =	seq.s32 @!p0 s5, $0x0  }
0x1f: {  	s9 =	smul.u32 $0xF7A, s1;
	s8 =	simm.s32 @!p0 $0x1BF5;
	p2 =	por !p2, p0  }
0x20: {  	[sflag:s8] =	ssyncset.s32 @!p0 $0xFFFFF086;
	s6 =	sadd.s32 @!p0 s3, s7;
	s7 =	simm.s32 @!p0 $0x108  }
0x21: {  	s3 =	sadd.s32 s3, s9;
	s6 =	sadd.s32 @!p0 $0x88, s6;
	s7 =	simm.s32 @p2 $0x1082  }
0x22: {  	[simem:s7], [sflag:s8] =	dma.local @!p0 [hbm:s6], $0xF7A  }
0x23: {  	s9 =	sor.u32 $0xD0000000, s2;
	s6 =	simm.s32 $0x108;
	_ =	swait.ge @!p0 [sflag:s8], $0x0  }
0x24: {  	s3 =	sadd.s32 $0x88, s3;
	s6 =	simm.s32 @!p1 $0x1082;
	[sflag:s4] =	ssyncset.s32 $0xFFFFF086  }
0x25: {  	[simem:s6], [sflag:s4] =	dma.local [hbm:s3], $0xF7A  }
0x26: {  	[smem:$0x3F98] =	sst s1;
	(tag) =	ssettag s2;
	_ =	strace s9  }
0x27: {  	s1 =	sld [smem:$0x3FA8]  }
0x28: {  	s2 =	sld [smem:$0x3FA9]  }
0x29: {  	s4 =	sld [smem:$0x3FAB]  }
0x2a: {  	p0 =	seq.s32 s5, $0x0;
	s5 =	sld [smem:$0x3FAC]  }
0x2b: {  	s6 =	sld [smem:$0x3FAD]  }
0x2c: {  	s7 =	sld [smem:$0x3FAE]  }
0x2d: {  	s3 =	simm.s32 $0x108;
	s8 =	sld [smem:$0x3FAF]  }
0x2e: {  	s3 =	simm.s32 @!p0 $0x1082;
	s9 =	sld [smem:$0x3FB0]  }
0x2f: {  	lr =	sadd.s32 s0, s3;
	s0 =	sld [smem:$0x3FA7]  }
0x30: {  	s3 =	sld [smem:$0x3FAA]  }
0x31: {  	[smem:$0x3FB3] =	sst s10  }
0x32: {  	s10 =	sld [smem:$0x3FB1];
	_ =	sdelay $0x3  }
0x33: {  	p0 =	seq.s32 s10, $0x1;
	s10 =	sld [smem:$0x3FB3];
	_ =	sdelay $0x3  }
0x34: {  	[smem:$0x3FB3] =	sst s10  }
0x35: {  	s10 =	sld [smem:$0x3FB2];
	_ =	sdelay $0x3  }
0x36: {  	p1 =	seq.s32 s10, $0x1;
	s10 =	sld [smem:$0x3FB3];
	_ =	sdelay $0x3  }
0x37: {  	[smem:$0x3FB3] =	sst s10  }
0x38: {  	s10 =	sld [smem:$0x3FB4]  }
0x39: {  	_ = 	snop;
	(pc) =	sbr.ind lr, $3  }
0x3a: {  	_ = 	snop  }
0x3b: {  	_ = 	snop  }
0x3c: {  	p2 =	seq.s32 s10, $0x1;
	s10 =	sld [smem:$0x3FB3]  }
0x3d: {  	_ =	shalt  }
0x3e: {  	_ =	shalt  }
0x3f: {  	_ =	shalt  }
0x40: {  	_ =	shalt  }
0x41: {  	_ =	shalt  }
0x42: {  	_ =	shalt  }
0x43: {  	_ =	shalt  }
0x44: {  	_ =	shalt  }
0x45: {  	_ =	shalt  }
0x46: {  	_ =	shalt  }
0x47: {  	_ =	shalt  }
0x48: {  	_ =	shalt  }
0x49: {  	_ =	shalt  }
0x4a: {  	_ =	shalt  }
0x4b: {  	_ =	shalt  }
0x4c: {  	_ =	shalt  }
0x4d: {  	_ =	shalt  }
0x4e: {  	_ =	shalt  }
0x4f: {  	_ =	shalt  }
0x50: {  	_ =	shalt  }
0x51: {  	_ =	shalt  }
0x52: {  	_ =	shalt  }
0x53: {  	_ =	shalt  }
0x54: {  	_ =	shalt  }
0x55: {  	_ =	shalt  }
0x56: {  	_ =	shalt  }
0x57: {  	_ =	shalt  }
0x58: {  	_ =	shalt  }
0x59: {  	_ =	shalt  }
0x5a: {  	_ =	shalt  }
0x5b: {  	_ =	shalt  }
0x5c: {  	_ =	shalt  }
0x5d: {  	_ =	shalt  }
0x5e: {  	_ =	shalt  }
0x5f: {  	_ =	shalt  }
0x60: {  	_ =	shalt  }
0x61: {  	_ =	shalt  }
0x62: {  	_ =	shalt  }
0x63: {  	_ =	shalt  }
0x64: {  	_ =	shalt  }
0x65: {  	_ =	shalt  }
0x66: {  	_ =	shalt  }
0x67: {  	_ =	shalt  }
0x68: {  	_ =	shalt  }
0x69: {  	_ =	shalt  }
0x6a: {  	_ =	shalt  }
0x6b: {  	_ =	shalt  }
0x6c: {  	_ =	shalt  }
0x6d: {  	_ =	shalt  }
0x6e: {  	_ =	shalt  }
0x6f: {  	_ =	shalt  }
0x70: {  	_ =	shalt  }
0x71: {  	_ =	shalt  }
0x72: {  	_ =	shalt  }
0x73: {  	_ =	shalt  }
0x74: {  	_ =	shalt  }
0x75: {  	_ =	shalt  }
0x76: {  	_ =	shalt  }
0x77: {  	_ =	shalt  }
0x78: {  	_ =	shalt  }
0x79: {  	_ =	shalt  }
0x7a: {  	_ =	shalt  }
0x7b: {  	_ =	shalt  }
0x7c: {  	_ =	shalt  }
0x7d: {  	_ =	shalt  }
0x7e: {  	_ =	shalt  }
0x7f: {  	_ =	shalt  }
0x80: {  	_ =	shalt  }
0x81: {  	_ =	shalt  }
0x82: {  	_ =	shalt  }
0x83: {  	_ =	shalt  }
0x84: {  	_ =	shalt  }
0x85: {  	_ =	shalt  }
0x86: {  	_ =	shalt  }
0x87: {  	_ =	shalt  }
.Lfunc_end0:
.L_simem_size_0:
called_computation_lowered:
.L_overlay_start_0:
0x88: {  	s2 =	sld [smem:$0x3FD9]  }
0x89: {  	s3 =	sld [smem:$0x3FFE];
	_ =	sdelay $0x1  }
0x8a: {  	s1 =	srdreg.scid  }
0x8b: {  	s0 =	sand.u32 $0x1, s1  }
0x8c: {  	s16 =	sshll.u32 s0, $0xA;
	s2 =	sadd.s32 s3, s2  }
0x8d: {  	s2 =	sadd.s32 s2, s16  }
0x8e: {  	[smem:$0x3FBF] =	sst s2  }
0x8f: {  	_ = 	snop  }
0x90: {  	(tm) =	ssettm $0x1  }
0x91: {  	s17 =	sld [smem:$0x3FFB];
	_ =	sdelay $0x3  }
0x92: {  	_ =	strace s17  }
0x93: {  	s2 =	sld [smem:$0x3FFC];
	_ =	sdelay $0x3  }
0x94: {  	_ =	strace s2  }
0x95: {  	s2 =	sld [smem:$0x3FFD];
	_ =	sdelay $0x3  }
0x96: {  	_ =	strace s2  }
0x97: {  	_ =	strace $0x8FFFFFFF  }
0x98: {  	s18 =	sld [smem:$0x3FDB];
	_ =	sdelay $0x1  }
0x99: {  	s19 =	simm.s32 $_scs_section_size  }
0x9a: {  	s4 =	simm.s32 $_size__tile_overlayer_lowered;
	s5 =	simm.s32 $_tile_overlayer_lowered  }
0x9b: {  	s22 =	simm.s32 $0x1BFF;
	s21 =	sshll.u32 s5, $0x1;
	s2 =	sadd.s32 s19, s18  }
0x9c: {  	s6 =	simm.s32 $0x0;
	s20 =	sshll.u32 s4, $0x1;
	s4 =	sadd.s32 s21, s2  }
0x9d: {  	[timem:s6], [sflag:s22] =	dma.local [hbm:s4], s20  }
0x9e: {  	_ =	swait.ge [sflag:s22], s20  }
0x9f: {  	s3 =	ssub.s32 $0x0, s20;
	[sflag:s22] =	ssyncset.done $0x0  }
0xa0: {  	[sflag:s22] =	ssyncadd.s32 s3;
	_ =	sdelay $0x1  }
0xa1: {  	s23 =	simm.s32 $0x1B8B  }
0xa2: {  	_ =	swait.ge [sflag:s23], $0x1  }
0xa3: {  	[sflag:s23] =	ssyncset.done $0x0  }
0xa4: {  	s25 =	simm.s32 $0x1B8E;
	s24 =	sld [smem:$0x3FFE];
	[sflag:s23] =	ssyncadd.s32 $0xFFFFFFFF  }
0xa5: {  	s26 =	simm.s32 $execute0_lowered;
	[smem:$0x3FD2] =	sst s25  }
0xa6: {  	s4 =	sshll.u32 s26, $0x1;
	_ =	strace $0x80000046;
	[dreg:$0x1] =	wrdreg $0xFFFFFFFF  }
0xa7: {  	s28 =	simm.s32 $_size_execute0_lowered;
	s2 =	sadd.s32 s2, s4;
	[dreg:$0x0] =	wrdreg $0x0  }
0xa8: {  	s4 =	sshll.u32 s28, $0x1;
	[dreg:$0x2] =	wrdreg s2  }
0xa9: {  	[dreg:$0x3] =	wrdreg s4  }
0xaa: {  	[dreg:$0x4] =	wrdreg $0xC0  }
0xab: {  	_ =	task [dreg:s6], $0x5FFFF  }
0xac: {  	[dreg:$0x1] =	wrdreg $0xFFFFFFFF  }
0xad: {  	[dreg:$0x0] =	wrdreg $0x60  }
0xae: {  	[dreg:$0x2] =	wrdreg s24  }
0xaf: {  	[dreg:$0x3] =	wrdreg $0x54000  }
0xb0: {  	[dreg:$0x4] =	wrdreg $0x9  }
0xb1: {  	_ =	task.clear_ibuf [dreg:s6], $0x5FFFF;
	_ =	strace $0x90000046  }
0xb2: {  	s29 =	simm.s32 $0x9;
	_ =	strace $0x80000048  }
0xb3: {  	_ =	swait.ge [sflag:s29], $0x1  }
0xb4: {  	[sflag:s29] =	ssyncadd.s32 $0xFFFFFFFF  }
0xb5: {  	_ =	strace $0x90000048  }
0xb6: {  	_ =	sfence  }
0xb7: {  	s30 =	sld [smem:$0x0];
	_ =	sdelay $0x2  }
0xb8: {  	s31 =	sshll.u32 s1, $0xD;
	s1 =	sshrl.u32 s1, $0x2  }
0xb9: {  	s3 =	sand.u32 $0x4000, s31;
	s1 =	sadd.s32 s1, s30  }
0xba: {  	s0 =	sor.u32 s3, s0;
	s1 =	sshll.u32 s1, $0x11  }
0xbb: {  	s0 =	sor.u32 s1, s0  }
0xbc: {  	s0 =	sadd.s32 $0x8F2B, s0  }
0xbd: {  	[sflag:s0] =	ssyncadd.remote.s32 $0x1  }
0xbe: {  	_ =	sfence.sel $0xFFFF  }
0xbf: {  	[dreg:$0x0] =	wrdreg $0xFFFFFFFF;
	(pc) =	sbr.abs _section_cstart, $3  }
0xc0: {  	[dreg:$0x1] =	wrdreg $0xFFFFFFFF  }
0xc1: {  	_ =	task.clear_ibuf [dreg:s6], $0x2FFFF;
	_ =	strace $0x9FFFFFFF  }
0xc2: {  	(tm) =	ssettm $0x7FFFFFFF  }
0xc3: {  	_ =	shalt  }
tec
execute0_lowered:
.L_overlay_start_1:
0x0: {  	(tag) =	ssettag $0x1  }
0x1: {  	s1 =	srdreg.scid;
	s5 =	rddreg [dreg:$0x0]  }
0x2: {  	s0 =	stileid.u32;
	s2 =	rddreg [dreg:$0x1];
	s3 =	simm.s32 $0x0  }
0x3: {  	s14 =	simm.s32 $0x0;
	s6 =	sand.u32 $0x1, s1;
	s1 =	rddreg [dreg:$0x2]  }
0x4: {  	s28 =	sshll.u32 s0, $0x1;
	[smem:$0x7FF] =	sst s3;
	s7 =	smul.u32 $0x13C00, s0  }
0x5: {  	s29 =	smul.u32 $0x4F000, s0;
	s31 =	sshll.u32 s0, $0x6;
	s4 =	sor.u32 s6, s28  }
0x6: {  	_ =	strace $0x80000047;
	s8 =	smul.u32 $0x13C000, s6;
	s6 =	ssub.s32 $0x2, s6  }
0x7: {  	s4 =	smul.u32 $0x280, s4;
	s10 =	sshrl.u32 s7, $0x3;
	s11 =	sshrl.u32 s6, $0x1  }
0x8: {  	s30 =	sshrl.u32 s29, $0x2;
	s7 =	sadd.s32 s7, s8;
	s10 =	sadd.s32 s10, s5  }
0x9: {  	s11 =	ssub.s32 s6, s11;
	s13 =	sadd.s32 s30, s2;
	s6 =	sor.u32 $0x1C01, s31  }
0xa: {  	s9 =	sadd.s32 s4, s5;
	s4 =	sadd.s32 $0x2EA00, s5;
	s7 =	sshrl.u32 s7, $0x3  }
0xb: {  	s12 =	sadd.s32 s7, s5;
	s5 =	sadd.s32 $0x7200, s10;
	s7 =	sadd.s32 $0x2200, s9  }
0xc: {  	s9 =	smax.u32 s11, $0x1;
	s10 =	sshrl.u32 s13, $0x3;
	s11 =	simm.s32 $0x1  }
0xd: {  	s13 =	simm.s32 $0x80;
	s8 =	sadd.s32 $0x2F200, s12;
	s12 =	simm.s32 $0x1400  }
.LBB2_1:
0xe: {  	[spmem:s10], [sflag:s6] =	dma.local [hbm:s5], $0x2780  }
0xf: {  	_ =	swait.ge [sflag:s11], $0x2780  }
0x10: {  	[sflag:s11] =	ssyncset.done $0x0  }
0x11: {  	[sflag:s11] =	ssyncadd.s32 $0xFFFFD880  }
0x12: {  	[tilespmem:s12], [sflag:$0x1] =	stream.linear.gather [hbm4b:s4+s3], $0x4000, $0x38;
	[tilespmem:$0x19000] =	vst v63  }
0x13: {  	_ =	swait.ge [sflag:s11], $0x4000  }
0x14: {  	[sflag:s11] =	ssyncset.done $0x0  }
0x15: {  	[sflag:s11] =	ssyncadd.s32 $0xFFFFC000  }
0x16: {  	[tilespmem:s3], [sflag:$0x1] =	stream.linear.gather [hbm4b:s7+s3], $0x1400, $0x38;
	[tilespmem:$0x19000] =	vst v63  }
0x17: {  	_ =	swait.ge [sflag:s11], $0x1400  }
0x18: {  	[sflag:s11] =	ssyncset.done $0x0  }
0x19: {  	[sflag:s11] =	ssyncadd.s32 $0xFFFFEC00  }
0x1a: {  	s15 =	simm.s32 $0x0;
	[bflag:$0x0] =	sbarrier.arrive $0xFFFF  }
0x1b: {  	[spmem:s2] =	stream.indirect.scatter.add.f32 [tilespmem:s12], [sflag:$0x1], $0x80, s15, s13, $0xb8;
	[tilespmem:$0x19000] =	vst v63  }
0x1c: {  	_ =	swait.ge [sflag:s11], $0x4000  }
0x1d: {  	s15 =	simm.s32 $0x200;
	[sflag:s11] =	ssyncset.done $0x0  }
.LBB2_2:
0x1e: {  	s16 =	sshra.s32 s15, $0x2;
	[sflag:s11] =	ssyncadd.s32 $0xFFFFC000;
	p0 =	sne.s32 s15, $0x4E00  }
0x1f: {  	[spmem:s2] =	stream.indirect.scatter.add.f32 [tilespmem:s12], [sflag:$0x1], $0x80, s16, s13, $0xb8;
	[tilespmem:$0x19000] =	vst v63  }
.Ltmp0:
0x20: {  	_ = 	snop;
	(pc) =	sbr.rel @p0 .LBB2_2-.Ltmp0, $4  }
0x21: {  	_ = 	snop  }
0x22: {  	s15 =	sadd.s32 $0x200, s15  }
0x23: {  	_ =	swait.ge [sflag:s11], $0x4000  }
0x24: {  	[sflag:s11] =	ssyncset.done $0x0  }
0x25: {  	s14 =	sadd.s32 $0x1, s14  }
0x26: {  	[sflag:s11] =	ssyncadd.s32 $0xFFFFC000;
	p0 =	sne.s32 s14, s9  }
.Ltmp1:
0x27: {  	[bflag:$0x0] =	sbarrier.arrive $0xFFFF;
	(pc) =	sbr.rel @p0 .LBB2_1-.Ltmp1, $4  }
0x28: {  	[hbm:s8], [sflag:s6] =	dma.local [spmem:s10], $0x2780  }
0x29: {  	_ =	swait.ge [sflag:s11], $0x2780  }
0x2a: {  	[sflag:s11] =	ssyncset.done $0x0  }
0x2b: {  	[sflag:s11] =	ssyncadd.s32 $0xFFFFD880  }
0x2c: {  	_ =	sfence.sel $0x180000  }
0x2d: {  	[bflag:$0x0] =	sbarrier.arrive $0xFFFF  }
0x2e: {  	p0 =	sne.s32 s0, $0x0;
	_ =	strace $0x90000047  }
0x2f: {  	s0 =	sadd.s32 @!p0 $0x100000, s1;
	[bflag:$0x2] =	sbarrier.arrive $0xFFFF  }
0x30: {  	[sflag:s0] =	ssyncadd.tile.s32 @!p0 $0x1;
	_ =	shalt  }
.Lfunc_end2:
_tile_overlayer_lowered:
.L_overlay_start_2:
0x31: {  	(tag) =	ssettag $0x2  }
0x32: {  	s0 =	rddreg [dreg:$0x0];
	s2 =	stileid.u32  }
0x33: {  	s1 =	rddreg [dreg:$0x1];
	p0 =	sne.s32 s2, $0x0  }
0x34: {  	s3 =	rddreg [dreg:$0x2];
	[bflag:$0x3] =	sbarrier.arrive $0xFFFF;
	s2 =	simm.s32 @!p0 $0x1C01  }
0x35: {  	[timem:s3], [sflag:s2] =	dma.local @!p0 [hbm:s0], s1  }
0x36: {  	s0 =	simm.s32 @!p0 $0x1  }
0x37: {  	_ =	swait.ge @!p0 [sflag:s0], s1  }
0x38: {  	s1 =	ssub.s32 @!p0 $0x0, s1;
	[sflag:s0] =	ssyncset.done @!p0 $0x0  }
0x39: {  	[sflag:s0] =	ssyncadd.s32 @!p0 s1  }
0x3a: {  	[bflag:$0x3] =	sbarrier.arrive $0xFFFF  }
0x3b: {  	_ =	shalt  }

// kernel: kernel.14.cloned.1.call-start
scs
__scs_entry_jumppad:
0x0: {  	(pc) =	sbr.rel $0x88, $3  }
0x1: {  	(tag) =	ssettag $0x0;
	lr =	simm.s32 $0x1  }
0x2: {  	[smem:$0x3F98] =	sst lr;
	_ =	strace $0xD0000000  }
0x3: {  	_ = 	snop  }
0x4: {  	_ = 	snop  }
0x5: {  	_ = 	snop  }
0x6: {  	_ = 	snop  }
0x7: {  	_ = 	snop  }
__scs_overlays_trampoline_lowered:
0x8: {  	[smem:$0x3FA7] =	sst s0  }
0x9: {  	[smem:$0x3FA8] =	sst s1  }
0xa: {  	[smem:$0x3FA9] =	sst s2  }
0xb: {  	[smem:$0x3FAA] =	sst s3  }
0xc: {  	[smem:$0x3FAB] =	sst s4  }
0xd: {  	[smem:$0x3FAC] =	sst s5  }
0xe: {  	[smem:$0x3FAD] =	sst s6  }
0xf: {  	[smem:$0x3FAE] =	sst s7  }
0x10: {  	[smem:$0x3FAF] =	sst s8  }
0x11: {  	[smem:$0x3FB0] =	sst s9;
	s0 =	simm.s32 @!p0 $0x0  }
0x12: {  	s1 =	sld [smem:$0x3F96];
	s0 =	simm.s32 @p0 $0x1  }
0x13: {  	[smem:$0x3FB1] =	sst s0;
	s0 =	simm.s32 @!p1 $0x0  }
0x14: {  	s2 =	sld [smem:$0x3F95];
	s0 =	simm.s32 @p1 $0x1  }
0x15: {  	[smem:$0x3FB2] =	sst s0;
	s0 =	simm.s32 @!p2 $0x0  }
0x16: {  	s3 =	sld [smem:$0x3FDB];
	s0 =	simm.s32 @p2 $0x1  }
0x17: {  	s4 =	simm.s32 $0x1BF5;
	[smem:$0x3FB4] =	sst s0  }
0x18: {  	s0 =	sld [smem:$0x3F97];
	_ =	swait.ge [sflag:s4], $0x0  }
0x19: {  	s7 =	sld [smem:$0x3F98]  }
0x1a: {  	s8 =	sadd.s32 $0xFFFFE003, lr  }
0x1b: {  	s9 =	sadd.s32 $0xFFFFFEF7, lr;
	s5 =	simm.s32 $0xFFFFFFFF;
	p2 =	slt.u32 s8, $0xFFFFF086  }
0x1c: {  	p1 =	slt.u32 s9, $0xF7A;
	s5 =	simm.s32 @!p2 $0x0  }
0x1d: {  	s5 =	simm.s32 @p1 $0x1;
	p0 =	seq.s32 s7, s2  }
0x1e: {  	s7 =	smul.u32 @!p0 $0xF7A, s2;
	p2 =	seq.s32 @!p0 s5, $0x0  }
0x1f: {  	s9 =	smul.u32 $0xF7A, s1;
	s8 =	simm.s32 @!p0 $0x1BF5;
	p2 =	por !p2, p0  }
0x20: {  	[sflag:s8] =	ssyncset.s32 @!p0 $0xFFFFF086;
	s6 =	sadd.s32 @!p0 s3, s7;
	s7 =	simm.s32 @!p0 $0x108  }
0x21: {  	s3 =	sadd.s32 s3, s9;
	s6 =	sadd.s32 @!p0 $0x88, s6;
	s7 =	simm.s32 @p2 $0x1082  }
0x22: {  	[simem:s7], [sflag:s8] =	dma.local @!p0 [hbm:s6], $0xF7A  }
0x23: {  	s9 =	sor.u32 $0xD0000000, s2;
	s6 =	simm.s32 $0x108;
	_ =	swait.ge @!p0 [sflag:s8], $0x0  }
0x24: {  	s3 =	sadd.s32 $0x88, s3;
	s6 =	simm.s32 @!p1 $0x1082;
	[sflag:s4] =	ssyncset.s32 $0xFFFFF086  }
0x25: {  	[simem:s6], [sflag:s4] =	dma.local [hbm:s3], $0xF7A  }
0x26: {  	[smem:$0x3F98] =	sst s1;
	(tag) =	ssettag s2;
	_ =	strace s9  }
0x27: {  	s1 =	sld [smem:$0x3FA8]  }
0x28: {  	s2 =	sld [smem:$0x3FA9]  }
0x29: {  	s4 =	sld [smem:$0x3FAB]  }
0x2a: {  	p0 =	seq.s32 s5, $0x0;
	s5 =	sld [smem:$0x3FAC]  }
0x2b: {  	s6 =	sld [smem:$0x3FAD]  }
0x2c: {  	s7 =	sld [smem:$0x3FAE]  }
0x2d: {  	s3 =	simm.s32 $0x108;
	s8 =	sld [smem:$0x3FAF]  }
0x2e: {  	s3 =	simm.s32 @!p0 $0x1082;
	s9 =	sld [smem:$0x3FB0]  }
0x2f: {  	lr =	sadd.s32 s0, s3;
	s0 =	sld [smem:$0x3FA7]  }
0x30: {  	s3 =	sld [smem:$0x3FAA]  }
0x31: {  	[smem:$0x3FB3] =	sst s10  }
0x32: {  	s10 =	sld [smem:$0x3FB1];
	_ =	sdelay $0x3  }
0x33: {  	p0 =	seq.s32 s10, $0x1;
	s10 =	sld [smem:$0x3FB3];
	_ =	sdelay $0x3  }
0x34: {  	[smem:$0x3FB3] =	sst s10  }
0x35: {  	s10 =	sld [smem:$0x3FB2];
	_ =	sdelay $0x3  }
0x36: {  	p1 =	seq.s32 s10, $0x1;
	s10 =	sld [smem:$0x3FB3];
	_ =	sdelay $0x3  }
0x37: {  	[smem:$0x3FB3] =	sst s10  }
0x38: {  	s10 =	sld [smem:$0x3FB4]  }
0x39: {  	_ = 	snop;
	(pc) =	sbr.ind lr, $3  }
0x3a: {  	_ = 	snop  }
0x3b: {  	_ = 	snop  }
0x3c: {  	p2 =	seq.s32 s10, $0x1;
	s10 =	sld [smem:$0x3FB3]  }
0x3d: {  	_ =	shalt  }
0x3e: {  	_ =	shalt  }
0x3f: {  	_ =	shalt  }
0x40: {  	_ =	shalt  }
0x41: {  	_ =	shalt  }
0x42: {  	_ =	shalt  }
0x43: {  	_ =	shalt  }
0x44: {  	_ =	shalt  }
0x45: {  	_ =	shalt  }
0x46: {  	_ =	shalt  }
0x47: {  	_ =	shalt  }
0x48: {  	_ =	shalt  }
0x49: {  	_ =	shalt  }
0x4a: {  	_ =	shalt  }
0x4b: {  	_ =	shalt  }
0x4c: {  	_ =	shalt  }
0x4d: {  	_ =	shalt  }
0x4e: {  	_ =	shalt  }
0x4f: {  	_ =	shalt  }
0x50: {  	_ =	shalt  }
0x51: {  	_ =	shalt  }
0x52: {  	_ =	shalt  }
0x53: {  	_ =	shalt  }
0x54: {  	_ =	shalt  }
0x55: {  	_ =	shalt  }
0x56: {  	_ =	shalt  }
0x57: {  	_ =	shalt  }
0x58: {  	_ =	shalt  }
0x59: {  	_ =	shalt  }
0x5a: {  	_ =	shalt  }
0x5b: {  	_ =	shalt  }
0x5c: {  	_ =	shalt  }
0x5d: {  	_ =	shalt  }
0x5e: {  	_ =	shalt  }
0x5f: {  	_ =	shalt  }
0x60: {  	_ =	shalt  }
0x61: {  	_ =	shalt  }
0x62: {  	_ =	shalt  }
0x63: {  	_ =	shalt  }
0x64: {  	_ =	shalt  }
0x65: {  	_ =	shalt  }
0x66: {  	_ =	shalt  }
0x67: {  	_ =	shalt  }
0x68: {  	_ =	shalt  }
0x69: {  	_ =	shalt  }
0x6a: {  	_ =	shalt  }
0x6b: {  	_ =	shalt  }
0x6c: {  	_ =	shalt  }
0x6d: {  	_ =	shalt  }
0x6e: {  	_ =	shalt  }
0x6f: {  	_ =	shalt  }
0x70: {  	_ =	shalt  }
0x71: {  	_ =	shalt  }
0x72: {  	_ =	shalt  }
0x73: {  	_ =	shalt  }
0x74: {  	_ =	shalt  }
0x75: {  	_ =	shalt  }
0x76: {  	_ =	shalt  }
0x77: {  	_ =	shalt  }
0x78: {  	_ =	shalt  }
0x79: {  	_ =	shalt  }
0x7a: {  	_ =	shalt  }
0x7b: {  	_ =	shalt  }
0x7c: {  	_ =	shalt  }
0x7d: {  	_ =	shalt  }
0x7e: {  	_ =	shalt  }
0x7f: {  	_ =	shalt  }
0x80: {  	_ =	shalt  }
0x81: {  	_ =	shalt  }
0x82: {  	_ =	shalt  }
0x83: {  	_ =	shalt  }
0x84: {  	_ =	shalt  }
0x85: {  	_ =	shalt  }
0x86: {  	_ =	shalt  }
0x87: {  	_ =	shalt  }
.Lfunc_end0:
.L_simem_size_0:
called_computation.1_lowered:
.L_overlay_start_0:
0x88: {  	s2 =	sld [smem:$0x3FD9]  }
0x89: {  	s3 =	sld [smem:$0x3FFE];
	_ =	sdelay $0x1  }
0x8a: {  	s1 =	srdreg.scid  }
0x8b: {  	s0 =	sand.u32 $0x1, s1  }
0x8c: {  	s16 =	sshll.u32 s0, $0xA;
	s2 =	sadd.s32 s3, s2  }
0x8d: {  	s2 =	sadd.s32 s2, s16  }
0x8e: {  	[smem:$0x3FBF] =	sst s2  }
0x8f: {  	_ = 	snop  }
0x90: {  	(tm) =	ssettm $0x1  }
0x91: {  	s17 =	sld [smem:$0x3FFB];
	_ =	sdelay $0x3  }
0x92: {  	_ =	strace s17  }
0x93: {  	s2 =	sld [smem:$0x3FFC];
	_ =	sdelay $0x3  }
0x94: {  	_ =	strace s2  }
0x95: {  	s2 =	sld [smem:$0x3FFD];
	_ =	sdelay $0x3  }
0x96: {  	_ =	strace s2  }
0x97: {  	_ =	strace $0x8FFFFFFF  }
0x98: {  	s18 =	sld [smem:$0x3FDB];
	_ =	sdelay $0x1  }
0x99: {  	s19 =	simm.s32 $_scs_section_size  }
0x9a: {  	s4 =	simm.s32 $_size__tile_overlayer_lowered;
	s5 =	simm.s32 $_tile_overlayer_lowered  }
0x9b: {  	s22 =	simm.s32 $0x1BFF;
	s21 =	sshll.u32 s5, $0x1;
	s2 =	sadd.s32 s19, s18  }
0x9c: {  	s6 =	simm.s32 $0x0;
	s20 =	sshll.u32 s4, $0x1;
	s4 =	sadd.s32 s21, s2  }
0x9d: {  	[timem:s6], [sflag:s22] =	dma.local [hbm:s4], s20  }
0x9e: {  	_ =	swait.ge [sflag:s22], s20  }
0x9f: {  	s3 =	ssub.s32 $0x0, s20;
	[sflag:s22] =	ssyncset.done $0x0  }
0xa0: {  	[sflag:s22] =	ssyncadd.s32 s3;
	_ =	sdelay $0x1  }
0xa1: {  	s23 =	simm.s32 $0x1B8B  }
0xa2: {  	_ =	swait.ge [sflag:s23], $0x1  }
0xa3: {  	[sflag:s23] =	ssyncset.done $0x0  }
0xa4: {  	s25 =	simm.s32 $0x1B8E;
	s24 =	sld [smem:$0x3FFE];
	[sflag:s23] =	ssyncadd.s32 $0xFFFFFFFF  }
0xa5: {  	s26 =	simm.s32 $execute0_lowered;
	[smem:$0x3FD2] =	sst s25  }
0xa6: {  	s4 =	sshll.u32 s26, $0x1;
	_ =	strace $0x80000049;
	[dreg:$0x1] =	wrdreg $0xFFFFFFFF  }
0xa7: {  	s28 =	simm.s32 $_size_execute0_lowered;
	s2 =	sadd.s32 s2, s4;
	[dreg:$0x0] =	wrdreg $0x0  }
0xa8: {  	s4 =	sshll.u32 s28, $0x1;
	[dreg:$0x2] =	wrdreg s2  }
0xa9: {  	[dreg:$0x3] =	wrdreg s4  }
0xaa: {  	[dreg:$0x4] =	wrdreg $0xC0  }
0xab: {  	_ =	task [dreg:s6], $0x5FFFF  }
0xac: {  	[dreg:$0x1] =	wrdreg $0xFFFFFFFF  }
0xad: {  	[dreg:$0x0] =	wrdreg $0x60  }
0xae: {  	[dreg:$0x2] =	wrdreg s24  }
0xaf: {  	[dreg:$0x3] =	wrdreg $0xA8000  }
0xb0: {  	[dreg:$0x4] =	wrdreg $0x9  }
0xb1: {  	_ =	task.clear_ibuf [dreg:s6], $0x5FFFF;
	_ =	strace $0x90000049  }
0xb2: {  	s29 =	simm.s32 $0x9;
	_ =	strace $0x8000004B  }
0xb3: {  	_ =	swait.ge [sflag:s29], $0x1  }
0xb4: {  	[sflag:s29] =	ssyncadd.s32 $0xFFFFFFFF  }
0xb5: {  	_ =	strace $0x9000004B  }
0xb6: {  	_ =	sfence  }
0xb7: {  	s30 =	sld [smem:$0x0];
	_ =	sdelay $0x2  }
0xb8: {  	s31 =	sshll.u32 s1, $0xD;
	s1 =	sshrl.u32 s1, $0x2  }
0xb9: {  	s3 =	sand.u32 $0x4000, s31;
	s1 =	sadd.s32 s1, s30  }
0xba: {  	s0 =	sor.u32 s3, s0;
	s1 =	sshll.u32 s1, $0x11  }
0xbb: {  	s0 =	sor.u32 s1, s0  }
0xbc: {  	s0 =	sadd.s32 $0x8F2B, s0  }
0xbd: {  	[sflag:s0] =	ssyncadd.remote.s32 $0x1  }
0xbe: {  	_ =	sfence.sel $0xFFFF  }
0xbf: {  	[dreg:$0x0] =	wrdreg $0xFFFFFFFF;
	(pc) =	sbr.abs _section_cstart, $3  }
0xc0: {  	[dreg:$0x1] =	wrdreg $0xFFFFFFFF  }
0xc1: {  	_ =	task.clear_ibuf [dreg:s6], $0x2FFFF;
	_ =	strace $0x9FFFFFFF  }
0xc2: {  	(tm) =	ssettm $0x7FFFFFFF  }
0xc3: {  	_ =	shalt  }
tec
execute0_lowered:
.L_overlay_start_1:
0x0: {  	(tag) =	ssettag $0x1  }
0x1: {  	s5 =	rddreg [dreg:$0x0];
	s2 =	srdreg.scid  }
0x2: {  	s1 =	rddreg [dreg:$0x1];
	s6 =	sand.u32 $0x1, s2  }
0x3: {  	s2 =	stileid.u32;
	s7 =	smul.u32 $0x13C000, s6  }
0x4: {  	s0 =	rddreg [dreg:$0x2];
	s3 =	simm.s32 $0x0;
	s8 =	smul.u32 $0x13C00, s2  }
0x5: {  	s18 =	simm.s32 $0x6800;
	s19 =	simm.s32 $0x1;
	s9 =	smul.u32 $0x4F000, s2  }
0x6: {  	[smem:$0x7FF] =	sst s3;
	s4 =	sadd.s32 $0x7200, s5;
	s11 =	smul.u32 $0x27800, s6  }
0x7: {  	s10 =	sadd.s32 $0x7E200, s5;
	s12 =	sadd.s32 $0x2200, s5;
	s20 =	smul.u32 $0x2780, s2  }
0x8: {  	_ =	strace $0x8000004A;
	s13 =	ssub.s32 $0x2, s6;
	s14 =	smul.u32 $0x28000, s6  }
0x9: {  	s16 =	smul.u32 $0x2800, s2;
	s25 =	sshll.u32 s2, $0x6;
	s21 =	sshrl.u32 s13, $0x1  }
0xa: {  	s6 =	sor.u32 $0x1C05, s25;
	s25 =	simm.s32 $0x0;
	s7 =	sadd.s32 s8, s7  }
0xb: {  	s13 =	ssub.s32 s13, s21;
	s22 =	sshrl.u32 s9, $0x2;
	s23 =	sadd.s32 s20, s11  }
0xc: {  	s24 =	sadd.s32 s16, s14;
	s28 =	sadd.s32 $0x1400, s16;
	s30 =	sshrl.u32 s16, $0x3  }
0xd: {  	s16 =	simm.s32 $0x80;
	s20 =	simm.s32 $0x2;
	s21 =	simm.s32 $0x3  }
0xe: {  	s7 =	sshrl.u32 s7, $0x3;
	s17 =	sadd.s32 s22, s1;
	s26 =	sshrl.u32 s24, $0x3  }
0xf: {  	s29 =	sadd.s32 s14, s28;
	s31 =	sshrl.u32 s28, $0x3;
	s8 =	sadd.s32 s12, s30  }
0x10: {  	s22 =	simm.s32 $0x4;
	s24 =	simm.s32 $0x2780;
	s15 =	sadd.s32 s7, s5  }
0x11: {  	s5 =	sadd.s32 s4, s23;
	s7 =	sadd.s32 s10, s26;
	s14 =	sshrl.u32 s29, $0x3  }
0x12: {  	s23 =	simm.s32 $0x2700;
	s9 =	sadd.s32 s10, s14;
	s10 =	sadd.s32 s12, s31  }
0x13: {  	s11 =	sadd.s32 $0x88200, s15;
	s12 =	smax.u32 s13, $0x1;
	s13 =	sshrl.u32 s17, $0x3  }
0x14: {  	s14 =	simm.s32 $0x5;
	s15 =	simm.s32 $0x1400;
	s17 =	simm.s32 $0x2800  }
.LBB2_1:
0x15: {  	[spmem:s13], [sflag:s6] =	dma.local [hbm:s5], $0x2780  }
0x16: {  	_ =	swait.ge [sflag:s14], $0x2780  }
0x17: {  	[sflag:s14] =	ssyncset.done $0x0  }
0x18: {  	[sflag:s14] =	ssyncadd.s32 $0xFFFFD880  }
0x19: {  	[bflag:$0x0] =	sbarrier.arrive $0xFFFF  }
0x1a: {  	[tilespmem:s3], [sflag:$0x5] =	stream.linear.gather [hbm4b:s7+s3], $0x1400, $0x38;
	[tilespmem:$0x1E400] =	vst v63  }
0x1b: {  	_ =	swait.ge [sflag:s14], $0x1400  }
0x1c: {  	[sflag:s14] =	ssyncset.done $0x0  }
0x1d: {  	[sflag:s14] =	ssyncadd.s32 $0xFFFFEC00  }
0x1e: {  	[tilespmem:s15], [sflag:$0x5] =	stream.linear.gather [hbm4b:s8+s3], $0x1400, $0x38;
	[tilespmem:$0x1E400] =	vst v63  }
0x1f: {  	_ =	swait.ge [sflag:s14], $0x1400  }
0x20: {  	[sflag:s14] =	ssyncset.done $0x0  }
0x21: {  	[sflag:s14] =	ssyncadd.s32 $0xFFFFEC00  }
0x22: {  	[tilespmem:s17], [sflag:$0x1] =	stream.indirect.gather [hbm4b:s4+s16], $0x80, s3, s16, $0xb8;
	[tilespmem:$0x1E400] =	vst v63  }
0x23: {  	_ = 	snop  }
0x24: {  	[tilespmem:s18], [sflag:$0x2] =	stream.indirect.gather [hbm4b:s4+s16], $0x80, s16, s16, $0xb8;
	[tilespmem:$0x1E400] =	vst v63  }
0x25: {  	_ =	swait.ge [sflag:s19], $0x4000  }
0x26: {  	[sflag:s19] =	ssyncset.done $0x0  }
0x27: {  	s26 =	simm.s32 $0x1400;
	[sflag:s19] =	ssyncadd.s32 $0xFFFFC000  }
0x28: {  	[spmem:s1] =	stream.indirect.scatter.add.f32 [tilespmem:s17], [sflag:$0x3], $0x80, s26, s16, $0xb8;
	[tilespmem:$0x1E400] =	vst v63  }
0x29: {  	_ =	swait.ge [sflag:s20], $0x4000  }
0x2a: {  	[sflag:s20] =	ssyncset.done $0x0  }
0x2b: {  	s30 =	simm.s32 $0x1480;
	[sflag:s20] =	ssyncadd.s32 $0xFFFFC000  }
0x2c: {  	[spmem:s1] =	stream.indirect.scatter.add.f32 [tilespmem:s18], [sflag:$0x4], $0x80, s30, s16, $0xb8;
	[tilespmem:$0x1E400] =	vst v63  }
0x2d: {  	_ =	swait.ge [sflag:s21], $0x4000  }
0x2e: {  	[sflag:s21] =	ssyncset.done $0x0  }
0x2f: {  	s31 =	simm.s32 $0x100;
	[sflag:s21] =	ssyncadd.s32 $0xFFFFC000  }
0x30: {  	[tilespmem:s17], [sflag:$0x1] =	stream.indirect.gather [hbm4b:s4+s16], $0x80, s31, s16, $0xb8;
	[tilespmem:$0x1E400] =	vst v63  }
0x31: {  	_ =	swait.ge [sflag:s22], $0x4000  }
0x32: {  	[sflag:s22] =	ssyncset.done $0x0  }
0x33: {  	s28 =	simm.s32 $0x180;
	s26 =	simm.s32 $0x400;
	[sflag:s22] =	ssyncadd.s32 $0xFFFFC000  }
.LBB2_2:
0x34: {  	[tilespmem:s18], [sflag:$0x2] =	stream.indirect.gather [hbm4b:s4+s16], $0x80, s28, s16, $0xb8;
	[tilespmem:$0x1E400] =	vst v63  }
0x35: {  	s28 =	smov.u32 s26  }
0x36: {  	p0 =	sne.s32 s26, $0x4800;
	s26 =	sadd.s32 $0x400, s26;
	_ =	swait.ge [sflag:s19], $0x4000  }
0x37: {  	s28 =	sshra.s32 s28, $0x2;
	[sflag:s19] =	ssyncset.done $0x0  }
0x38: {  	s29 =	sadd.s32 $0x1400, s28;
	[sflag:s19] =	ssyncadd.s32 $0xFFFFC000  }
0x39: {  	[spmem:s1] =	stream.indirect.scatter.add.f32 [tilespmem:s17], [sflag:$0x3], $0x80, s29, s16, $0xb8;
	[tilespmem:$0x1E400] =	vst v63  }
0x3a: {  	_ =	swait.ge [sflag:s20], $0x4000  }
0x3b: {  	[sflag:s20] =	ssyncset.done $0x0  }
0x3c: {  	s29 =	sadd.s32 $0x1480, s28;
	[sflag:s20] =	ssyncadd.s32 $0xFFFFC000  }
0x3d: {  	[spmem:s1] =	stream.indirect.scatter.add.f32 [tilespmem:s18], [sflag:$0x4], $0x80, s29, s16, $0xb8;
	[tilespmem:$0x1E400] =	vst v63  }
0x3e: {  	_ =	swait.ge [sflag:s21], $0x4000  }
0x3f: {  	[sflag:s21] =	ssyncset.done $0x0  }
.Ltmp0:
0x40: {  	s29 =	sadd.s32 $0x100, s28;
	[sflag:s21] =	ssyncadd.s32 $0xFFFFC000;
	(pc) =	sbr.rel @p0 .LBB2_2-.Ltmp0, $4  }
0x41: {  	[tilespmem:s17], [sflag:$0x1] =	stream.indirect.gather [hbm4b:s4+s16], $0x80, s29, s16, $0xb8;
	[tilespmem:$0x1E400] =	vst v63  }
0x42: {  	_ =	swait.ge [sflag:s22], $0x4000  }
0x43: {  	[sflag:s22] =	ssyncset.done $0x0  }
0x44: {  	s28 =	sadd.s32 $0x180, s28;
	[sflag:s22] =	ssyncadd.s32 $0xFFFFC000  }
0x45: {  	[tilespmem:s18], [sflag:$0x2] =	stream.indirect.gather [hbm4b:s4+s16], $0x80, s28, s16, $0xb8;
	[tilespmem:$0x1E400] =	vst v63  }
0x46: {  	_ =	swait.ge [sflag:s19], $0x4000  }
0x47: {  	[sflag:s19] =	ssyncset.done $0x0  }
0x48: {  	[sflag:s19] =	ssyncadd.s32 $0xFFFFC000  }
0x49: {  	[spmem:s1] =	stream.indirect.scatter.add.f32 [tilespmem:s17], [sflag:$0x3], $0x80, s23, s16, $0xb8;
	[tilespmem:$0x1E400] =	vst v63  }
0x4a: {  	_ =	swait.ge [sflag:s20], $0x4000  }
0x4b: {  	[sflag:s20] =	ssyncset.done $0x0  }
0x4c: {  	[sflag:s20] =	ssyncadd.s32 $0xFFFFC000  }
0x4d: {  	[spmem:s1] =	stream.indirect.scatter.add.f32 [tilespmem:s18], [sflag:$0x4], $0x80, s24, s16, $0xb8;
	[tilespmem:$0x1E400] =	vst v63  }
0x4e: {  	_ =	swait.ge [sflag:s21], $0x4000  }
0x4f: {  	[sflag:s21] =	ssyncset.done $0x0  }
0x50: {  	[sflag:s21] =	ssyncadd.s32 $0xFFFFC000  }
0x51: {  	_ =	swait.ge [sflag:s22], $0x4000  }
0x52: {  	[sflag:s22] =	ssyncset.done $0x0  }
0x53: {  	s26 =	simm.s32 $0x0;
	[sflag:s22] =	ssyncadd.s32 $0xFFFFC000  }
0x54: {  	[tilespmem:s26], [sflag:$0x5] =	stream.linear.gather [hbm4b:s9+s26], $0x1400, $0x38;
	[tilespmem:$0x1E400] =	vst v63  }
0x55: {  	_ =	swait.ge [sflag:s14], $0x1400  }
0x56: {  	[sflag:s14] =	ssyncset.done $0x0  }
0x57: {  	[sflag:s14] =	ssyncadd.s32 $0xFFFFEC00  }
0x58: {  	[tilespmem:s15], [sflag:$0x5] =	stream.linear.gather [hbm4b:s10+s26], $0x1400, $0x38;
	[tilespmem:$0x1E400] =	vst v63  }
0x59: {  	_ =	swait.ge [sflag:s14], $0x1400  }
0x5a: {  	[sflag:s14] =	ssyncset.done $0x0  }
0x5b: {  	[sflag:s14] =	ssyncadd.s32 $0xFFFFEC00  }
0x5c: {  	[tilespmem:s17], [sflag:$0x1] =	stream.indirect.gather [hbm4b:s4+s16], $0x80, s26, s16, $0xb8;
	[tilespmem:$0x1E400] =	vst v63  }
0x5d: {  	_ = 	snop  }
0x5e: {  	[tilespmem:s18], [sflag:$0x2] =	stream.indirect.gather [hbm4b:s4+s16], $0x80, s16, s16, $0xb8;
	[tilespmem:$0x1E400] =	vst v63  }
0x5f: {  	_ =	swait.ge [sflag:s19], $0x4000  }
0x60: {  	[sflag:s19] =	ssyncset.done $0x0  }
0x61: {  	s29 =	simm.s32 $0x1400;
	[sflag:s19] =	ssyncadd.s32 $0xFFFFC000  }
0x62: {  	[spmem:s1] =	stream.indirect.scatter.add.f32 [tilespmem:s17], [sflag:$0x3], $0x80, s29, s16, $0xb8;
	[tilespmem:$0x1E400] =	vst v63  }
0x63: {  	_ =	swait.ge [sflag:s20], $0x4000  }
0x64: {  	[sflag:s20] =	ssyncset.done $0x0  }
0x65: {  	s30 =	simm.s32 $0x1480;
	[sflag:s20] =	ssyncadd.s32 $0xFFFFC000  }
0x66: {  	[spmem:s1] =	stream.indirect.scatter.add.f32 [tilespmem:s18], [sflag:$0x4], $0x80, s30, s16, $0xb8;
	[tilespmem:$0x1E400] =	vst v63  }
0x67: {  	_ =	swait.ge [sflag:s21], $0x4000  }
0x68: {  	[sflag:s21] =	ssyncset.done $0x0  }
0x69: {  	s31 =	simm.s32 $0x100;
	[sflag:s21] =	ssyncadd.s32 $0xFFFFC000  }
0x6a: {  	[tilespmem:s17], [sflag:$0x1] =	stream.indirect.gather [hbm4b:s4+s16], $0x80, s31, s16, $0xb8;
	[tilespmem:$0x1E400] =	vst v63  }
0x6b: {  	_ =	swait.ge [sflag:s22], $0x4000  }
0x6c: {  	[sflag:s22] =	ssyncset.done $0x0  }
0x6d: {  	s28 =	simm.s32 $0x180;
	s26 =	simm.s32 $0x400;
	[sflag:s22] =	ssyncadd.s32 $0xFFFFC000  }
.LBB2_4:
0x6e: {  	[tilespmem:s18], [sflag:$0x2] =	stream.indirect.gather [hbm4b:s4+s16], $0x80, s28, s16, $0xb8;
	[tilespmem:$0x1E400] =	vst v63  }
0x6f: {  	s28 =	smov.u32 s26  }
0x70: {  	p0 =	sne.s32 s26, $0x4800;
	s26 =	sadd.s32 $0x400, s26;
	_ =	swait.ge [sflag:s19], $0x4000  }
0x71: {  	s28 =	sshra.s32 s28, $0x2;
	[sflag:s19] =	ssyncset.done $0x0  }
0x72: {  	s29 =	sadd.s32 $0x1400, s28;
	[sflag:s19] =	ssyncadd.s32 $0xFFFFC000  }
0x73: {  	[spmem:s1] =	stream.indirect.scatter.add.f32 [tilespmem:s17], [sflag:$0x3], $0x80, s29, s16, $0xb8;
	[tilespmem:$0x1E400] =	vst v63  }
0x74: {  	_ =	swait.ge [sflag:s20], $0x4000  }
0x75: {  	[sflag:s20] =	ssyncset.done $0x0  }
0x76: {  	s29 =	sadd.s32 $0x1480, s28;
	[sflag:s20] =	ssyncadd.s32 $0xFFFFC000  }
0x77: {  	[spmem:s1] =	stream.indirect.scatter.add.f32 [tilespmem:s18], [sflag:$0x4], $0x80, s29, s16, $0xb8;
	[tilespmem:$0x1E400] =	vst v63  }
0x78: {  	_ =	swait.ge [sflag:s21], $0x4000  }
0x79: {  	[sflag:s21] =	ssyncset.done $0x0  }
.Ltmp1:
0x7a: {  	s29 =	sadd.s32 $0x100, s28;
	[sflag:s21] =	ssyncadd.s32 $0xFFFFC000;
	(pc) =	sbr.rel @p0 .LBB2_4-.Ltmp1, $4  }
0x7b: {  	[tilespmem:s17], [sflag:$0x1] =	stream.indirect.gather [hbm4b:s4+s16], $0x80, s29, s16, $0xb8;
	[tilespmem:$0x1E400] =	vst v63  }
0x7c: {  	_ =	swait.ge [sflag:s22], $0x4000  }
0x7d: {  	[sflag:s22] =	ssyncset.done $0x0  }
0x7e: {  	s28 =	sadd.s32 $0x180, s28;
	[sflag:s22] =	ssyncadd.s32 $0xFFFFC000  }
0x7f: {  	[tilespmem:s18], [sflag:$0x2] =	stream.indirect.gather [hbm4b:s4+s16], $0x80, s28, s16, $0xb8;
	[tilespmem:$0x1E400] =	vst v63  }
0x80: {  	_ =	swait.ge [sflag:s19], $0x4000  }
0x81: {  	[sflag:s19] =	ssyncset.done $0x0  }
0x82: {  	[sflag:s19] =	ssyncadd.s32 $0xFFFFC000  }
0x83: {  	[spmem:s1] =	stream.indirect.scatter.add.f32 [tilespmem:s17], [sflag:$0x3], $0x80, s23, s16, $0xb8;
	[tilespmem:$0x1E400] =	vst v63  }
0x84: {  	_ =	swait.ge [sflag:s20], $0x4000  }
0x85: {  	[sflag:s20] =	ssyncset.done $0x0  }
0x86: {  	[sflag:s20] =	ssyncadd.s32 $0xFFFFC000  }
0x87: {  	[spmem:s1] =	stream.indirect.scatter.add.f32 [tilespmem:s18], [sflag:$0x4], $0x80, s24, s16, $0xb8;
	[tilespmem:$0x1E400] =	vst v63  }
0x88: {  	_ =	swait.ge [sflag:s21], $0x4000  }
0x89: {  	[sflag:s21] =	ssyncset.done $0x0  }
0x8a: {  	[sflag:s21] =	ssyncadd.s32 $0xFFFFC000  }
0x8b: {  	_ =	swait.ge [sflag:s22], $0x4000  }
0x8c: {  	s25 =	sadd.s32 $0x1, s25;
	[sflag:s22] =	ssyncset.done $0x0  }
0x8d: {  	p0 =	sne.s32 s25, s12;
	[sflag:s22] =	ssyncadd.s32 $0xFFFFC000  }
.Ltmp2:
0x8e: {  	[bflag:$0x0] =	sbarrier.arrive $0xFFFF;
	(pc) =	sbr.rel @p0 .LBB2_1-.Ltmp2, $4  }
0x8f: {  	[hbm:s11], [sflag:s6] =	dma.local [spmem:s13], $0x2780  }
0x90: {  	_ =	swait.ge [sflag:s14], $0x2780  }
0x91: {  	[sflag:s14] =	ssyncset.done $0x0  }
0x92: {  	[sflag:s14] =	ssyncadd.s32 $0xFFFFD880  }
0x93: {  	_ =	sfence.sel $0x180000  }
0x94: {  	[bflag:$0x0] =	sbarrier.arrive $0xFFFF  }
0x95: {  	p0 =	sne.s32 s2, $0x0;
	_ =	strace $0x9000004A  }
0x96: {  	s0 =	sadd.s32 @!p0 $0x100000, s0;
	[bflag:$0x2] =	sbarrier.arrive $0xFFFF  }
0x97: {  	[sflag:s0] =	ssyncadd.tile.s32 @!p0 $0x1;
	_ =	shalt  }
.Lfunc_end2:
_tile_overlayer_lowered:
.L_overlay_start_2:
0x98: {  	(tag) =	ssettag $0x2  }
0x99: {  	s0 =	rddreg [dreg:$0x0];
	s2 =	stileid.u32  }
0x9a: {  	s1 =	rddreg [dreg:$0x1];
	p0 =	sne.s32 s2, $0x0  }
0x9b: {  	s3 =	rddreg [dreg:$0x2];
	[bflag:$0x3] =	sbarrier.arrive $0xFFFF;
	s2 =	simm.s32 @!p0 $0x1C05  }
0x9c: {  	[timem:s3], [sflag:s2] =	dma.local @!p0 [hbm:s0], s1  }
0x9d: {  	s0 =	simm.s32 @!p0 $0x5  }
0x9e: {  	_ =	swait.ge @!p0 [sflag:s0], s1  }
0x9f: {  	s1 =	ssub.s32 @!p0 $0x0, s1;
	[sflag:s0] =	ssyncset.done @!p0 $0x0  }
0xa0: {  	[sflag:s0] =	ssyncadd.s32 @!p0 s1  }
0xa1: {  	[bflag:$0x3] =	sbarrier.arrive $0xFFFF  }
0xa2: {  	_ =	shalt  }

// kernel: kernel.17.cloned.1.call-start
scs
__scs_entry_jumppad:
0x0: {  	(pc) =	sbr.rel $0x88, $3  }
0x1: {  	(tag) =	ssettag $0x0;
	lr =	simm.s32 $0x1  }
0x2: {  	[smem:$0x3F98] =	sst lr;
	_ =	strace $0xD0000000  }
0x3: {  	_ = 	snop  }
0x4: {  	_ = 	snop  }
0x5: {  	_ = 	snop  }
0x6: {  	_ = 	snop  }
0x7: {  	_ = 	snop  }
__scs_overlays_trampoline_lowered:
0x8: {  	[smem:$0x3FA7] =	sst s0  }
0x9: {  	[smem:$0x3FA8] =	sst s1  }
0xa: {  	[smem:$0x3FA9] =	sst s2  }
0xb: {  	[smem:$0x3FAA] =	sst s3  }
0xc: {  	[smem:$0x3FAB] =	sst s4  }
0xd: {  	[smem:$0x3FAC] =	sst s5  }
0xe: {  	[smem:$0x3FAD] =	sst s6  }
0xf: {  	[smem:$0x3FAE] =	sst s7  }
0x10: {  	[smem:$0x3FAF] =	sst s8  }
0x11: {  	[smem:$0x3FB0] =	sst s9;
	s0 =	simm.s32 @!p0 $0x0  }
0x12: {  	s1 =	sld [smem:$0x3F96];
	s0 =	simm.s32 @p0 $0x1  }
0x13: {  	[smem:$0x3FB1] =	sst s0;
	s0 =	simm.s32 @!p1 $0x0  }
0x14: {  	s2 =	sld [smem:$0x3F95];
	s0 =	simm.s32 @p1 $0x1  }
0x15: {  	[smem:$0x3FB2] =	sst s0;
	s0 =	simm.s32 @!p2 $0x0  }
0x16: {  	s3 =	sld [smem:$0x3FDB];
	s0 =	simm.s32 @p2 $0x1  }
0x17: {  	s4 =	simm.s32 $0x1BF5;
	[smem:$0x3FB4] =	sst s0  }
0x18: {  	s0 =	sld [smem:$0x3F97];
	_ =	swait.ge [sflag:s4], $0x0  }
0x19: {  	s7 =	sld [smem:$0x3F98]  }
0x1a: {  	s8 =	sadd.s32 $0xFFFFE003, lr  }
0x1b: {  	s9 =	sadd.s32 $0xFFFFFEF7, lr;
	s5 =	simm.s32 $0xFFFFFFFF;
	p2 =	slt.u32 s8, $0xFFFFF086  }
0x1c: {  	p1 =	slt.u32 s9, $0xF7A;
	s5 =	simm.s32 @!p2 $0x0  }
0x1d: {  	s5 =	simm.s32 @p1 $0x1;
	p0 =	seq.s32 s7, s2  }
0x1e: {  	s7 =	smul.u32 @!p0 $0xF7A, s2;
	p2 =	seq.s32 @!p0 s5, $0x0  }
0x1f: {  	s9 =	smul.u32 $0xF7A, s1;
	s8 =	simm.s32 @!p0 $0x1BF5;
	p2 =	por !p2, p0  }
0x20: {  	[sflag:s8] =	ssyncset.s32 @!p0 $0xFFFFF086;
	s6 =	sadd.s32 @!p0 s3, s7;
	s7 =	simm.s32 @!p0 $0x108  }
0x21: {  	s3 =	sadd.s32 s3, s9;
	s6 =	sadd.s32 @!p0 $0x88, s6;
	s7 =	simm.s32 @p2 $0x1082  }
0x22: {  	[simem:s7], [sflag:s8] =	dma.local @!p0 [hbm:s6], $0xF7A  }
0x23: {  	s9 =	sor.u32 $0xD0000000, s2;
	s6 =	simm.s32 $0x108;
	_ =	swait.ge @!p0 [sflag:s8], $0x0  }
0x24: {  	s3 =	sadd.s32 $0x88, s3;
	s6 =	simm.s32 @!p1 $0x1082;
	[sflag:s4] =	ssyncset.s32 $0xFFFFF086  }
0x25: {  	[simem:s6], [sflag:s4] =	dma.local [hbm:s3], $0xF7A  }
0x26: {  	[smem:$0x3F98] =	sst s1;
	(tag) =	ssettag s2;
	_ =	strace s9  }
0x27: {  	s1 =	sld [smem:$0x3FA8]  }
0x28: {  	s2 =	sld [smem:$0x3FA9]  }
0x29: {  	s4 =	sld [smem:$0x3FAB]  }
0x2a: {  	p0 =	seq.s32 s5, $0x0;
	s5 =	sld [smem:$0x3FAC]  }
0x2b: {  	s6 =	sld [smem:$0x3FAD]  }
0x2c: {  	s7 =	sld [smem:$0x3FAE]  }
0x2d: {  	s3 =	simm.s32 $0x108;
	s8 =	sld [smem:$0x3FAF]  }
0x2e: {  	s3 =	simm.s32 @!p0 $0x1082;
	s9 =	sld [smem:$0x3FB0]  }
0x2f: {  	lr =	sadd.s32 s0, s3;
	s0 =	sld [smem:$0x3FA7]  }
0x30: {  	s3 =	sld [smem:$0x3FAA]  }
0x31: {  	[smem:$0x3FB3] =	sst s10  }
0x32: {  	s10 =	sld [smem:$0x3FB1];
	_ =	sdelay $0x3  }
0x33: {  	p0 =	seq.s32 s10, $0x1;
	s10 =	sld [smem:$0x3FB3];
	_ =	sdelay $0x3  }
0x34: {  	[smem:$0x3FB3] =	sst s10  }
0x35: {  	s10 =	sld [smem:$0x3FB2];
	_ =	sdelay $0x3  }
0x36: {  	p1 =	seq.s32 s10, $0x1;
	s10 =	sld [smem:$0x3FB3];
	_ =	sdelay $0x3  }
0x37: {  	[smem:$0x3FB3] =	sst s10  }
0x38: {  	s10 =	sld [smem:$0x3FB4]  }
0x39: {  	_ = 	snop;
	(pc) =	sbr.ind lr, $3  }
0x3a: {  	_ = 	snop  }
0x3b: {  	_ = 	snop  }
0x3c: {  	p2 =	seq.s32 s10, $0x1;
	s10 =	sld [smem:$0x3FB3]  }
0x3d: {  	_ =	shalt  }
0x3e: {  	_ =	shalt  }
0x3f: {  	_ =	shalt  }
0x40: {  	_ =	shalt  }
0x41: {  	_ =	shalt  }
0x42: {  	_ =	shalt  }
0x43: {  	_ =	shalt  }
0x44: {  	_ =	shalt  }
0x45: {  	_ =	shalt  }
0x46: {  	_ =	shalt  }
0x47: {  	_ =	shalt  }
0x48: {  	_ =	shalt  }
0x49: {  	_ =	shalt  }
0x4a: {  	_ =	shalt  }
0x4b: {  	_ =	shalt  }
0x4c: {  	_ =	shalt  }
0x4d: {  	_ =	shalt  }
0x4e: {  	_ =	shalt  }
0x4f: {  	_ =	shalt  }
0x50: {  	_ =	shalt  }
0x51: {  	_ =	shalt  }
0x52: {  	_ =	shalt  }
0x53: {  	_ =	shalt  }
0x54: {  	_ =	shalt  }
0x55: {  	_ =	shalt  }
0x56: {  	_ =	shalt  }
0x57: {  	_ =	shalt  }
0x58: {  	_ =	shalt  }
0x59: {  	_ =	shalt  }
0x5a: {  	_ =	shalt  }
0x5b: {  	_ =	shalt  }
0x5c: {  	_ =	shalt  }
0x5d: {  	_ =	shalt  }
0x5e: {  	_ =	shalt  }
0x5f: {  	_ =	shalt  }
0x60: {  	_ =	shalt  }
0x61: {  	_ =	shalt  }
0x62: {  	_ =	shalt  }
0x63: {  	_ =	shalt  }
0x64: {  	_ =	shalt  }
0x65: {  	_ =	shalt  }
0x66: {  	_ =	shalt  }
0x67: {  	_ =	shalt  }
0x68: {  	_ =	shalt  }
0x69: {  	_ =	shalt  }
0x6a: {  	_ =	shalt  }
0x6b: {  	_ =	shalt  }
0x6c: {  	_ =	shalt  }
0x6d: {  	_ =	shalt  }
0x6e: {  	_ =	shalt  }
0x6f: {  	_ =	shalt  }
0x70: {  	_ =	shalt  }
0x71: {  	_ =	shalt  }
0x72: {  	_ =	shalt  }
0x73: {  	_ =	shalt  }
0x74: {  	_ =	shalt  }
0x75: {  	_ =	shalt  }
0x76: {  	_ =	shalt  }
0x77: {  	_ =	shalt  }
0x78: {  	_ =	shalt  }
0x79: {  	_ =	shalt  }
0x7a: {  	_ =	shalt  }
0x7b: {  	_ =	shalt  }
0x7c: {  	_ =	shalt  }
0x7d: {  	_ =	shalt  }
0x7e: {  	_ =	shalt  }
0x7f: {  	_ =	shalt  }
0x80: {  	_ =	shalt  }
0x81: {  	_ =	shalt  }
0x82: {  	_ =	shalt  }
0x83: {  	_ =	shalt  }
0x84: {  	_ =	shalt  }
0x85: {  	_ =	shalt  }
0x86: {  	_ =	shalt  }
0x87: {  	_ =	shalt  }
.Lfunc_end0:
.L_simem_size_0:
called_computation.2_lowered:
.L_overlay_start_0:
0x88: {  	s2 =	sld [smem:$0x3FD9]  }
0x89: {  	s3 =	sld [smem:$0x3FFE];
	_ =	sdelay $0x1  }
0x8a: {  	s1 =	srdreg.scid  }
0x8b: {  	s0 =	sand.u32 $0x1, s1  }
0x8c: {  	s16 =	sshll.u32 s0, $0xA;
	s2 =	sadd.s32 s3, s2  }
0x8d: {  	s2 =	sadd.s32 s2, s16  }
0x8e: {  	[smem:$0x3FBF] =	sst s2  }
0x8f: {  	_ = 	snop  }
0x90: {  	(tm) =	ssettm $0x1  }
0x91: {  	s17 =	sld [smem:$0x3FFB];
	_ =	sdelay $0x3  }
0x92: {  	_ =	strace s17  }
0x93: {  	s2 =	sld [smem:$0x3FFC];
	_ =	sdelay $0x3  }
0x94: {  	_ =	strace s2  }
0x95: {  	s2 =	sld [smem:$0x3FFD];
	_ =	sdelay $0x3  }
0x96: {  	_ =	strace s2  }
0x97: {  	_ =	strace $0x8FFFFFFF  }
0x98: {  	s18 =	sld [smem:$0x3FDB];
	_ =	sdelay $0x1  }
0x99: {  	s19 =	simm.s32 $_scs_section_size  }
0x9a: {  	s4 =	simm.s32 $_size__tile_overlayer_lowered;
	s5 =	simm.s32 $_tile_overlayer_lowered  }
0x9b: {  	s22 =	simm.s32 $0x1BFF;
	s21 =	sshll.u32 s5, $0x1;
	s2 =	sadd.s32 s19, s18  }
0x9c: {  	s6 =	simm.s32 $0x0;
	s20 =	sshll.u32 s4, $0x1;
	s4 =	sadd.s32 s21, s2  }
0x9d: {  	[timem:s6], [sflag:s22] =	dma.local [hbm:s4], s20  }
0x9e: {  	_ =	swait.ge [sflag:s22], s20  }
0x9f: {  	s3 =	ssub.s32 $0x0, s20;
	[sflag:s22] =	ssyncset.done $0x0  }
0xa0: {  	[sflag:s22] =	ssyncadd.s32 s3;
	_ =	sdelay $0x1  }
0xa1: {  	s23 =	simm.s32 $0x1B8B  }
0xa2: {  	_ =	swait.ge [sflag:s23], $0x1  }
0xa3: {  	[sflag:s23] =	ssyncset.done $0x0  }
0xa4: {  	s25 =	simm.s32 $0x1B8E;
	s24 =	sld [smem:$0x3FFE];
	[sflag:s23] =	ssyncadd.s32 $0xFFFFFFFF  }
0xa5: {  	s26 =	simm.s32 $execute0_lowered;
	[smem:$0x3FD2] =	sst s25  }
0xa6: {  	s4 =	sshll.u32 s26, $0x1;
	_ =	strace $0x8000004C;
	[dreg:$0x1] =	wrdreg $0xFFFFFFFF  }
0xa7: {  	s28 =	simm.s32 $_size_execute0_lowered;
	s2 =	sadd.s32 s2, s4;
	[dreg:$0x0] =	wrdreg $0x0  }
0xa8: {  	s4 =	sshll.u32 s28, $0x1;
	[dreg:$0x2] =	wrdreg s2  }
0xa9: {  	[dreg:$0x3] =	wrdreg s4  }
0xaa: {  	[dreg:$0x4] =	wrdreg $0xC0  }
0xab: {  	_ =	task [dreg:s6], $0x5FFFF  }
0xac: {  	[dreg:$0x1] =	wrdreg $0xFFFFFFFF  }
0xad: {  	[dreg:$0x0] =	wrdreg $0x60  }
0xae: {  	[dreg:$0x2] =	wrdreg s24  }
0xaf: {  	[dreg:$0x3] =	wrdreg $0xA8000  }
0xb0: {  	[dreg:$0x4] =	wrdreg $0x9  }
0xb1: {  	_ =	task.clear_ibuf [dreg:s6], $0x5FFFF;
	_ =	strace $0x9000004C  }
0xb2: {  	s29 =	simm.s32 $0x9;
	_ =	strace $0x8000004E  }
0xb3: {  	_ =	swait.ge [sflag:s29], $0x1  }
0xb4: {  	[sflag:s29] =	ssyncadd.s32 $0xFFFFFFFF  }
0xb5: {  	_ =	strace $0x9000004E  }
0xb6: {  	_ =	sfence  }
0xb7: {  	s30 =	sld [smem:$0x0];
	_ =	sdelay $0x2  }
0xb8: {  	s31 =	sshll.u32 s1, $0xD;
	s1 =	sshrl.u32 s1, $0x2  }
0xb9: {  	s3 =	sand.u32 $0x4000, s31;
	s1 =	sadd.s32 s1, s30  }
0xba: {  	s0 =	sor.u32 s3, s0;
	s1 =	sshll.u32 s1, $0x11  }
0xbb: {  	s0 =	sor.u32 s1, s0  }
0xbc: {  	s0 =	sadd.s32 $0x8F2B, s0  }
0xbd: {  	[sflag:s0] =	ssyncadd.remote.s32 $0x1  }
0xbe: {  	_ =	sfence.sel $0xFFFF  }
0xbf: {  	[dreg:$0x0] =	wrdreg $0xFFFFFFFF;
	(pc) =	sbr.abs _section_cstart, $3  }
0xc0: {  	[dreg:$0x1] =	wrdreg $0xFFFFFFFF  }
0xc1: {  	_ =	task.clear_ibuf [dreg:s6], $0x2FFFF;
	_ =	strace $0x9FFFFFFF  }
0xc2: {  	(tm) =	ssettm $0x7FFFFFFF  }
0xc3: {  	_ =	shalt  }
tec
execute0_lowered:
.L_overlay_start_1:
0x0: {  	(tag) =	ssettag $0x1  }
0x1: {  	s5 =	rddreg [dreg:$0x0];
	s2 =	srdreg.scid  }
0x2: {  	s1 =	rddreg [dreg:$0x1];
	s6 =	sand.u32 $0x1, s2  }
0x3: {  	s2 =	stileid.u32;
	s7 =	smul.u32 $0x13C000, s6  }
0x4: {  	s0 =	rddreg [dreg:$0x2];
	s3 =	simm.s32 $0x0;
	s8 =	smul.u32 $0x13C00, s2  }
0x5: {  	s18 =	simm.s32 $0x6800;
	s19 =	simm.s32 $0x1;
	s9 =	smul.u32 $0x4F000, s2  }
0x6: {  	[smem:$0x7FF] =	sst s3;
	s4 =	sadd.s32 $0x7200, s5;
	s11 =	smul.u32 $0x27800, s6  }
0x7: {  	s10 =	sadd.s32 $0x7E200, s5;
	s12 =	sadd.s32 $0x2200, s5;
	s20 =	smul.u32 $0x2780, s2  }
0x8: {  	_ =	strace $0x8000004D;
	s13 =	ssub.s32 $0x2, s6;
	s14 =	smul.u32 $0x28000, s6  }
0x9: {  	s16 =	smul.u32 $0x2800, s2;
	s25 =	sshll.u32 s2, $0x6;
	s21 =	sshrl.u32 s13, $0x1  }
0xa: {  	s6 =	sor.u32 $0x1C05, s25;
	s25 =	simm.s32 $0x0;
	s7 =	sadd.s32 s8, s7  }
0xb: {  	s13 =	ssub.s32 s13, s21;
	s22 =	sshrl.u32 s9, $0x2;
	s23 =	sadd.s32 s20, s11  }
0xc: {  	s24 =	sadd.s32 s16, s14;
	s28 =	sadd.s32 $0x1400, s16;
	s30 =	sshrl.u32 s16, $0x3  }
0xd: {  	s16 =	simm.s32 $0x80;
	s20 =	simm.s32 $0x2;
	s21 =	simm.s32 $0x3  }
0xe: {  	s7 =	sshrl.u32 s7, $0x3;
	s17 =	sadd.s32 s22, s1;
	s26 =	sshrl.u32 s24, $0x3  }
0xf: {  	s29 =	sadd.s32 s14, s28;
	s31 =	sshrl.u32 s28, $0x3;
	s8 =	sadd.s32 s12, s30  }
0x10: {  	s22 =	simm.s32 $0x4;
	s24 =	simm.s32 $0x2780;
	s15 =	sadd.s32 s7, s5  }
0x11: {  	s5 =	sadd.s32 s4, s23;
	s7 =	sadd.s32 s10, s26;
	s14 =	sshrl.u32 s29, $0x3  }
0x12: {  	s23 =	simm.s32 $0x2700;
	s9 =	sadd.s32 s10, s14;
	s10 =	sadd.s32 s12, s31  }
0x13: {  	s11 =	sadd.s32 $0x88200, s15;
	s12 =	smax.u32 s13, $0x1;
	s13 =	sshrl.u32 s17, $0x3  }
0x14: {  	s14 =	simm.s32 $0x5;
	s15 =	simm.s32 $0x1400;
	s17 =	simm.s32 $0x2800  }
.LBB2_1:
0x15: {  	[spmem:s13], [sflag:s6] =	dma.local [hbm:s5], $0x2780  }
0x16: {  	_ =	swait.ge [sflag:s14], $0x2780  }
0x17: {  	[sflag:s14] =	ssyncset.done $0x0  }
0x18: {  	[sflag:s14] =	ssyncadd.s32 $0xFFFFD880  }
0x19: {  	[bflag:$0x0] =	sbarrier.arrive $0xFFFF  }
0x1a: {  	[tilespmem:s3], [sflag:$0x5] =	stream.linear.gather [hbm4b:s7+s3], $0x1400, $0x38;
	[tilespmem:$0x1E400] =	vst v63  }
0x1b: {  	_ =	swait.ge [sflag:s14], $0x1400  }
0x1c: {  	[sflag:s14] =	ssyncset.done $0x0  }
0x1d: {  	[sflag:s14] =	ssyncadd.s32 $0xFFFFEC00  }
0x1e: {  	[tilespmem:s15], [sflag:$0x5] =	stream.linear.gather [hbm4b:s8+s3], $0x1400, $0x38;
	[tilespmem:$0x1E400] =	vst v63  }
0x1f: {  	_ =	swait.ge [sflag:s14], $0x1400  }
0x20: {  	[sflag:s14] =	ssyncset.done $0x0  }
0x21: {  	[sflag:s14] =	ssyncadd.s32 $0xFFFFEC00  }
0x22: {  	[tilespmem:s17], [sflag:$0x1] =	stream.indirect.gather [hbm4b:s4+s16], $0x80, s3, s16, $0xb8;
	[tilespmem:$0x1E400] =	vst v63  }
0x23: {  	_ = 	snop  }
0x24: {  	[tilespmem:s18], [sflag:$0x2] =	stream.indirect.gather [hbm4b:s4+s16], $0x80, s16, s16, $0xb8;
	[tilespmem:$0x1E400] =	vst v63  }
0x25: {  	_ =	swait.ge [sflag:s19], $0x4000  }
0x26: {  	[sflag:s19] =	ssyncset.done $0x0  }
0x27: {  	s26 =	simm.s32 $0x1400;
	[sflag:s19] =	ssyncadd.s32 $0xFFFFC000  }
0x28: {  	[spmem:s1] =	stream.indirect.scatter.add.f32 [tilespmem:s17], [sflag:$0x3], $0x80, s26, s16, $0xb8;
	[tilespmem:$0x1E400] =	vst v63  }
0x29: {  	_ =	swait.ge [sflag:s20], $0x4000  }
0x2a: {  	[sflag:s20] =	ssyncset.done $0x0  }
0x2b: {  	s30 =	simm.s32 $0x1480;
	[sflag:s20] =	ssyncadd.s32 $0xFFFFC000  }
0x2c: {  	[spmem:s1] =	stream.indirect.scatter.add.f32 [tilespmem:s18], [sflag:$0x4], $0x80, s30, s16, $0xb8;
	[tilespmem:$0x1E400] =	vst v63  }
0x2d: {  	_ =	swait.ge [sflag:s21], $0x4000  }
0x2e: {  	[sflag:s21] =	ssyncset.done $0x0  }
0x2f: {  	s31 =	simm.s32 $0x100;
	[sflag:s21] =	ssyncadd.s32 $0xFFFFC000  }
0x30: {  	[tilespmem:s17], [sflag:$0x1] =	stream.indirect.gather [hbm4b:s4+s16], $0x80, s31, s16, $0xb8;
	[tilespmem:$0x1E400] =	vst v63  }
0x31: {  	_ =	swait.ge [sflag:s22], $0x4000  }
0x32: {  	[sflag:s22] =	ssyncset.done $0x0  }
0x33: {  	s28 =	simm.s32 $0x180;
	s26 =	simm.s32 $0x400;
	[sflag:s22] =	ssyncadd.s32 $0xFFFFC000  }
.LBB2_2:
0x34: {  	[tilespmem:s18], [sflag:$0x2] =	stream.indirect.gather [hbm4b:s4+s16], $0x80, s28, s16, $0xb8;
	[tilespmem:$0x1E400] =	vst v63  }
0x35: {  	s28 =	smov.u32 s26  }
0x36: {  	p0 =	sne.s32 s26, $0x4800;
	s26 =	sadd.s32 $0x400, s26;
	_ =	swait.ge [sflag:s19], $0x4000  }
0x37: {  	s28 =	sshra.s32 s28, $0x2;
	[sflag:s19] =	ssyncset.done $0x0  }
0x38: {  	s29 =	sadd.s32 $0x1400, s28;
	[sflag:s19] =	ssyncadd.s32 $0xFFFFC000  }
0x39: {  	[spmem:s1] =	stream.indirect.scatter.add.f32 [tilespmem:s17], [sflag:$0x3], $0x80, s29, s16, $0xb8;
	[tilespmem:$0x1E400] =	vst v63  }
0x3a: {  	_ =	swait.ge [sflag:s20], $0x4000  }
0x3b: {  	[sflag:s20] =	ssyncset.done $0x0  }
0x3c: {  	s29 =	sadd.s32 $0x1480, s28;
	[sflag:s20] =	ssyncadd.s32 $0xFFFFC000  }
0x3d: {  	[spmem:s1] =	stream.indirect.scatter.add.f32 [tilespmem:s18], [sflag:$0x4], $0x80, s29, s16, $0xb8;
	[tilespmem:$0x1E400] =	vst v63  }
0x3e: {  	_ =	swait.ge [sflag:s21], $0x4000  }
0x3f: {  	[sflag:s21] =	ssyncset.done $0x0  }
.Ltmp0:
0x40: {  	s29 =	sadd.s32 $0x100, s28;
	[sflag:s21] =	ssyncadd.s32 $0xFFFFC000;
	(pc) =	sbr.rel @p0 .LBB2_2-.Ltmp0, $4  }
0x41: {  	[tilespmem:s17], [sflag:$0x1] =	stream.indirect.gather [hbm4b:s4+s16], $0x80, s29, s16, $0xb8;
	[tilespmem:$0x1E400] =	vst v63  }
0x42: {  	_ =	swait.ge [sflag:s22], $0x4000  }
0x43: {  	[sflag:s22] =	ssyncset.done $0x0  }
0x44: {  	s28 =	sadd.s32 $0x180, s28;
	[sflag:s22] =	ssyncadd.s32 $0xFFFFC000  }
0x45: {  	[tilespmem:s18], [sflag:$0x2] =	stream.indirect.gather [hbm4b:s4+s16], $0x80, s28, s16, $0xb8;
	[tilespmem:$0x1E400] =	vst v63  }
0x46: {  	_ =	swait.ge [sflag:s19], $0x4000  }
0x47: {  	[sflag:s19] =	ssyncset.done $0x0  }
0x48: {  	[sflag:s19] =	ssyncadd.s32 $0xFFFFC000  }
0x49: {  	[spmem:s1] =	stream.indirect.scatter.add.f32 [tilespmem:s17], [sflag:$0x3], $0x80, s23, s16, $0xb8;
	[tilespmem:$0x1E400] =	vst v63  }
0x4a: {  	_ =	swait.ge [sflag:s20], $0x4000  }
0x4b: {  	[sflag:s20] =	ssyncset.done $0x0  }
0x4c: {  	[sflag:s20] =	ssyncadd.s32 $0xFFFFC000  }
0x4d: {  	[spmem:s1] =	stream.indirect.scatter.add.f32 [tilespmem:s18], [sflag:$0x4], $0x80, s24, s16, $0xb8;
	[tilespmem:$0x1E400] =	vst v63  }
0x4e: {  	_ =	swait.ge [sflag:s21], $0x4000  }
0x4f: {  	[sflag:s21] =	ssyncset.done $0x0  }
0x50: {  	[sflag:s21] =	ssyncadd.s32 $0xFFFFC000  }
0x51: {  	_ =	swait.ge [sflag:s22], $0x4000  }
0x52: {  	[sflag:s22] =	ssyncset.done $0x0  }
0x53: {  	s26 =	simm.s32 $0x0;
	[sflag:s22] =	ssyncadd.s32 $0xFFFFC000  }
0x54: {  	[tilespmem:s26], [sflag:$0x5] =	stream.linear.gather [hbm4b:s9+s26], $0x1400, $0x38;
	[tilespmem:$0x1E400] =	vst v63  }
0x55: {  	_ =	swait.ge [sflag:s14], $0x1400  }
0x56: {  	[sflag:s14] =	ssyncset.done $0x0  }
0x57: {  	[sflag:s14] =	ssyncadd.s32 $0xFFFFEC00  }
0x58: {  	[tilespmem:s15], [sflag:$0x5] =	stream.linear.gather [hbm4b:s10+s26], $0x1400, $0x38;
	[tilespmem:$0x1E400] =	vst v63  }
0x59: {  	_ =	swait.ge [sflag:s14], $0x1400  }
0x5a: {  	[sflag:s14] =	ssyncset.done $0x0  }
0x5b: {  	[sflag:s14] =	ssyncadd.s32 $0xFFFFEC00  }
0x5c: {  	[tilespmem:s17], [sflag:$0x1] =	stream.indirect.gather [hbm4b:s4+s16], $0x80, s26, s16, $0xb8;
	[tilespmem:$0x1E400] =	vst v63  }
0x5d: {  	_ = 	snop  }
0x5e: {  	[tilespmem:s18], [sflag:$0x2] =	stream.indirect.gather [hbm4b:s4+s16], $0x80, s16, s16, $0xb8;
	[tilespmem:$0x1E400] =	vst v63  }
0x5f: {  	_ =	swait.ge [sflag:s19], $0x4000  }
0x60: {  	[sflag:s19] =	ssyncset.done $0x0  }
0x61: {  	s29 =	simm.s32 $0x1400;
	[sflag:s19] =	ssyncadd.s32 $0xFFFFC000  }
0x62: {  	[spmem:s1] =	stream.indirect.scatter.add.f32 [tilespmem:s17], [sflag:$0x3], $0x80, s29, s16, $0xb8;
	[tilespmem:$0x1E400] =	vst v63  }
0x63: {  	_ =	swait.ge [sflag:s20], $0x4000  }
0x64: {  	[sflag:s20] =	ssyncset.done $0x0  }
0x65: {  	s30 =	simm.s32 $0x1480;
	[sflag:s20] =	ssyncadd.s32 $0xFFFFC000  }
0x66: {  	[spmem:s1] =	stream.indirect.scatter.add.f32 [tilespmem:s18], [sflag:$0x4], $0x80, s30, s16, $0xb8;
	[tilespmem:$0x1E400] =	vst v63  }
0x67: {  	_ =	swait.ge [sflag:s21], $0x4000  }
0x68: {  	[sflag:s21] =	ssyncset.done $0x0  }
0x69: {  	s31 =	simm.s32 $0x100;
	[sflag:s21] =	ssyncadd.s32 $0xFFFFC000  }
0x6a: {  	[tilespmem:s17], [sflag:$0x1] =	stream.indirect.gather [hbm4b:s4+s16], $0x80, s31, s16, $0xb8;
	[tilespmem:$0x1E400] =	vst v63  }
0x6b: {  	_ =	swait.ge [sflag:s22], $0x4000  }
0x6c: {  	[sflag:s22] =	ssyncset.done $0x0  }
0x6d: {  	s28 =	simm.s32 $0x180;
	s26 =	simm.s32 $0x400;
	[sflag:s22] =	ssyncadd.s32 $0xFFFFC000  }
.LBB2_4:
0x6e: {  	[tilespmem:s18], [sflag:$0x2] =	stream.indirect.gather [hbm4b:s4+s16], $0x80, s28, s16, $0xb8;
	[tilespmem:$0x1E400] =	vst v63  }
0x6f: {  	s28 =	smov.u32 s26  }
0x70: {  	p0 =	sne.s32 s26, $0x4800;
	s26 =	sadd.s32 $0x400, s26;
	_ =	swait.ge [sflag:s19], $0x4000  }
0x71: {  	s28 =	sshra.s32 s28, $0x2;
	[sflag:s19] =	ssyncset.done $0x0  }
0x72: {  	s29 =	sadd.s32 $0x1400, s28;
	[sflag:s19] =	ssyncadd.s32 $0xFFFFC000  }
0x73: {  	[spmem:s1] =	stream.indirect.scatter.add.f32 [tilespmem:s17], [sflag:$0x3], $0x80, s29, s16, $0xb8;
	[tilespmem:$0x1E400] =	vst v63  }
0x74: {  	_ =	swait.ge [sflag:s20], $0x4000  }
0x75: {  	[sflag:s20] =	ssyncset.done $0x0  }
0x76: {  	s29 =	sadd.s32 $0x1480, s28;
	[sflag:s20] =	ssyncadd.s32 $0xFFFFC000  }
0x77: {  	[spmem:s1] =	stream.indirect.scatter.add.f32 [tilespmem:s18], [sflag:$0x4], $0x80, s29, s16, $0xb8;
	[tilespmem:$0x1E400] =	vst v63  }
0x78: {  	_ =	swait.ge [sflag:s21], $0x4000  }
0x79: {  	[sflag:s21] =	ssyncset.done $0x0  }
.Ltmp1:
0x7a: {  	s29 =	sadd.s32 $0x100, s28;
	[sflag:s21] =	ssyncadd.s32 $0xFFFFC000;
	(pc) =	sbr.rel @p0 .LBB2_4-.Ltmp1, $4  }
0x7b: {  	[tilespmem:s17], [sflag:$0x1] =	stream.indirect.gather [hbm4b:s4+s16], $0x80, s29, s16, $0xb8;
	[tilespmem:$0x1E400] =	vst v63  }
0x7c: {  	_ =	swait.ge [sflag:s22], $0x4000  }
0x7d: {  	[sflag:s22] =	ssyncset.done $0x0  }
0x7e: {  	s28 =	sadd.s32 $0x180, s28;
	[sflag:s22] =	ssyncadd.s32 $0xFFFFC000  }
0x7f: {  	[tilespmem:s18], [sflag:$0x2] =	stream.indirect.gather [hbm4b:s4+s16], $0x80, s28, s16, $0xb8;
	[tilespmem:$0x1E400] =	vst v63  }
0x80: {  	_ =	swait.ge [sflag:s19], $0x4000  }
0x81: {  	[sflag:s19] =	ssyncset.done $0x0  }
0x82: {  	[sflag:s19] =	ssyncadd.s32 $0xFFFFC000  }
0x83: {  	[spmem:s1] =	stream.indirect.scatter.add.f32 [tilespmem:s17], [sflag:$0x3], $0x80, s23, s16, $0xb8;
	[tilespmem:$0x1E400] =	vst v63  }
0x84: {  	_ =	swait.ge [sflag:s20], $0x4000  }
0x85: {  	[sflag:s20] =	ssyncset.done $0x0  }
0x86: {  	[sflag:s20] =	ssyncadd.s32 $0xFFFFC000  }
0x87: {  	[spmem:s1] =	stream.indirect.scatter.add.f32 [tilespmem:s18], [sflag:$0x4], $0x80, s24, s16, $0xb8;
	[tilespmem:$0x1E400] =	vst v63  }
0x88: {  	_ =	swait.ge [sflag:s21], $0x4000  }
0x89: {  	[sflag:s21] =	ssyncset.done $0x0  }
0x8a: {  	[sflag:s21] =	ssyncadd.s32 $0xFFFFC000  }
0x8b: {  	_ =	swait.ge [sflag:s22], $0x4000  }
0x8c: {  	s25 =	sadd.s32 $0x1, s25;
	[sflag:s22] =	ssyncset.done $0x0  }
0x8d: {  	p0 =	sne.s32 s25, s12;
	[sflag:s22] =	ssyncadd.s32 $0xFFFFC000  }
.Ltmp2:
0x8e: {  	[bflag:$0x0] =	sbarrier.arrive $0xFFFF;
	(pc) =	sbr.rel @p0 .LBB2_1-.Ltmp2, $4  }
0x8f: {  	[hbm:s11], [sflag:s6] =	dma.local [spmem:s13], $0x2780  }
0x90: {  	_ =	swait.ge [sflag:s14], $0x2780  }
0x91: {  	[sflag:s14] =	ssyncset.done $0x0  }
0x92: {  	[sflag:s14] =	ssyncadd.s32 $0xFFFFD880  }
0x93: {  	_ =	sfence.sel $0x180000  }
0x94: {  	[bflag:$0x0] =	sbarrier.arrive $0xFFFF  }
0x95: {  	p0 =	sne.s32 s2, $0x0;
	_ =	strace $0x9000004D  }
0x96: {  	s0 =	sadd.s32 @!p0 $0x100000, s0;
	[bflag:$0x2] =	sbarrier.arrive $0xFFFF  }
0x97: {  	[sflag:s0] =	ssyncadd.tile.s32 @!p0 $0x1;
	_ =	shalt  }
.Lfunc_end2:
_tile_overlayer_lowered:
.L_overlay_start_2:
0x98: {  	(tag) =	ssettag $0x2  }
0x99: {  	s0 =	rddreg [dreg:$0x0];
	s2 =	stileid.u32  }
0x9a: {  	s1 =	rddreg [dreg:$0x1];
	p0 =	sne.s32 s2, $0x0  }
0x9b: {  	s3 =	rddreg [dreg:$0x2];
	[bflag:$0x3] =	sbarrier.arrive $0xFFFF;
	s2 =	simm.s32 @!p0 $0x1C05  }
0x9c: {  	[timem:s3], [sflag:s2] =	dma.local @!p0 [hbm:s0], s1  }
0x9d: {  	s0 =	simm.s32 @!p0 $0x5  }
0x9e: {  	_ =	swait.ge @!p0 [sflag:s0], s1  }
0x9f: {  	s1 =	ssub.s32 @!p0 $0x0, s1;
	[sflag:s0] =	ssyncset.done @!p0 $0x0  }
0xa0: {  	[sflag:s0] =	ssyncadd.s32 @!p0 s1  }
0xa1: {  	[bflag:$0x3] =	sbarrier.arrive $0xFFFF  }
0xa2: {  	_ =	shalt  }

// kernel: kernel.20.cloned.1.call-start
scs
__scs_entry_jumppad:
0x0: {  	(pc) =	sbr.rel $0x88, $3  }
0x1: {  	(tag) =	ssettag $0x0;
	lr =	simm.s32 $0x1  }
0x2: {  	[smem:$0x3F98] =	sst lr;
	_ =	strace $0xD0000000  }
0x3: {  	_ = 	snop  }
0x4: {  	_ = 	snop  }
0x5: {  	_ = 	snop  }
0x6: {  	_ = 	snop  }
0x7: {  	_ = 	snop  }
__scs_overlays_trampoline_lowered:
0x8: {  	[smem:$0x3FA7] =	sst s0  }
0x9: {  	[smem:$0x3FA8] =	sst s1  }
0xa: {  	[smem:$0x3FA9] =	sst s2  }
0xb: {  	[smem:$0x3FAA] =	sst s3  }
0xc: {  	[smem:$0x3FAB] =	sst s4  }
0xd: {  	[smem:$0x3FAC] =	sst s5  }
0xe: {  	[smem:$0x3FAD] =	sst s6  }
0xf: {  	[smem:$0x3FAE] =	sst s7  }
0x10: {  	[smem:$0x3FAF] =	sst s8  }
0x11: {  	[smem:$0x3FB0] =	sst s9;
	s0 =	simm.s32 @!p0 $0x0  }
0x12: {  	s1 =	sld [smem:$0x3F96];
	s0 =	simm.s32 @p0 $0x1  }
0x13: {  	[smem:$0x3FB1] =	sst s0;
	s0 =	simm.s32 @!p1 $0x0  }
0x14: {  	s2 =	sld [smem:$0x3F95];
	s0 =	simm.s32 @p1 $0x1  }
0x15: {  	[smem:$0x3FB2] =	sst s0;
	s0 =	simm.s32 @!p2 $0x0  }
0x16: {  	s3 =	sld [smem:$0x3FDB];
	s0 =	simm.s32 @p2 $0x1  }
0x17: {  	s4 =	simm.s32 $0x1BF5;
	[smem:$0x3FB4] =	sst s0  }
0x18: {  	s0 =	sld [smem:$0x3F97];
	_ =	swait.ge [sflag:s4], $0x0  }
0x19: {  	s7 =	sld [smem:$0x3F98]  }
0x1a: {  	s8 =	sadd.s32 $0xFFFFE003, lr  }
0x1b: {  	s9 =	sadd.s32 $0xFFFFFEF7, lr;
	s5 =	simm.s32 $0xFFFFFFFF;
	p2 =	slt.u32 s8, $0xFFFFF086  }
0x1c: {  	p1 =	slt.u32 s9, $0xF7A;
	s5 =	simm.s32 @!p2 $0x0  }
0x1d: {  	s5 =	simm.s32 @p1 $0x1;
	p0 =	seq.s32 s7, s2  }
0x1e: {  	s7 =	smul.u32 @!p0 $0xF7A, s2;
	p2 =	seq.s32 @!p0 s5, $0x0  }
0x1f: {  	s9 =	smul.u32 $0xF7A, s1;
	s8 =	simm.s32 @!p0 $0x1BF5;
	p2 =	por !p2, p0  }
0x20: {  	[sflag:s8] =	ssyncset.s32 @!p0 $0xFFFFF086;
	s6 =	sadd.s32 @!p0 s3, s7;
	s7 =	simm.s32 @!p0 $0x108  }
0x21: {  	s3 =	sadd.s32 s3, s9;
	s6 =	sadd.s32 @!p0 $0x88, s6;
	s7 =	simm.s32 @p2 $0x1082  }
0x22: {  	[simem:s7], [sflag:s8] =	dma.local @!p0 [hbm:s6], $0xF7A  }
0x23: {  	s9 =	sor.u32 $0xD0000000, s2;
	s6 =	simm.s32 $0x108;
	_ =	swait.ge @!p0 [sflag:s8], $0x0  }
0x24: {  	s3 =	sadd.s32 $0x88, s3;
	s6 =	simm.s32 @!p1 $0x1082;
	[sflag:s4] =	ssyncset.s32 $0xFFFFF086  }
0x25: {  	[simem:s6], [sflag:s4] =	dma.local [hbm:s3], $0xF7A  }
0x26: {  	[smem:$0x3F98] =	sst s1;
	(tag) =	ssettag s2;
	_ =	strace s9  }
0x27: {  	s1 =	sld [smem:$0x3FA8]  }
0x28: {  	s2 =	sld [smem:$0x3FA9]  }
0x29: {  	s4 =	sld [smem:$0x3FAB]  }
0x2a: {  	p0 =	seq.s32 s5, $0x0;
	s5 =	sld [smem:$0x3FAC]  }
0x2b: {  	s6 =	sld [smem:$0x3FAD]  }
0x2c: {  	s7 =	sld [smem:$0x3FAE]  }
0x2d: {  	s3 =	simm.s32 $0x108;
	s8 =	sld [smem:$0x3FAF]  }
0x2e: {  	s3 =	simm.s32 @!p0 $0x1082;
	s9 =	sld [smem:$0x3FB0]  }
0x2f: {  	lr =	sadd.s32 s0, s3;
	s0 =	sld [smem:$0x3FA7]  }
0x30: {  	s3 =	sld [smem:$0x3FAA]  }
0x31: {  	[smem:$0x3FB3] =	sst s10  }
0x32: {  	s10 =	sld [smem:$0x3FB1];
	_ =	sdelay $0x3  }
0x33: {  	p0 =	seq.s32 s10, $0x1;
	s10 =	sld [smem:$0x3FB3];
	_ =	sdelay $0x3  }
0x34: {  	[smem:$0x3FB3] =	sst s10  }
0x35: {  	s10 =	sld [smem:$0x3FB2];
	_ =	sdelay $0x3  }
0x36: {  	p1 =	seq.s32 s10, $0x1;
	s10 =	sld [smem:$0x3FB3];
	_ =	sdelay $0x3  }
0x37: {  	[smem:$0x3FB3] =	sst s10  }
0x38: {  	s10 =	sld [smem:$0x3FB4]  }
0x39: {  	_ = 	snop;
	(pc) =	sbr.ind lr, $3  }
0x3a: {  	_ = 	snop  }
0x3b: {  	_ = 	snop  }
0x3c: {  	p2 =	seq.s32 s10, $0x1;
	s10 =	sld [smem:$0x3FB3]  }
0x3d: {  	_ =	shalt  }
0x3e: {  	_ =	shalt  }
0x3f: {  	_ =	shalt  }
0x40: {  	_ =	shalt  }
0x41: {  	_ =	shalt  }
0x42: {  	_ =	shalt  }
0x43: {  	_ =	shalt  }
0x44: {  	_ =	shalt  }
0x45: {  	_ =	shalt  }
0x46: {  	_ =	shalt  }
0x47: {  	_ =	shalt  }
0x48: {  	_ =	shalt  }
0x49: {  	_ =	shalt  }
0x4a: {  	_ =	shalt  }
0x4b: {  	_ =	shalt  }
0x4c: {  	_ =	shalt  }
0x4d: {  	_ =	shalt  }
0x4e: {  	_ =	shalt  }
0x4f: {  	_ =	shalt  }
0x50: {  	_ =	shalt  }
0x51: {  	_ =	shalt  }
0x52: {  	_ =	shalt  }
0x53: {  	_ =	shalt  }
0x54: {  	_ =	shalt  }
0x55: {  	_ =	shalt  }
0x56: {  	_ =	shalt  }
0x57: {  	_ =	shalt  }
0x58: {  	_ =	shalt  }
0x59: {  	_ =	shalt  }
0x5a: {  	_ =	shalt  }
0x5b: {  	_ =	shalt  }
0x5c: {  	_ =	shalt  }
0x5d: {  	_ =	shalt  }
0x5e: {  	_ =	shalt  }
0x5f: {  	_ =	shalt  }
0x60: {  	_ =	shalt  }
0x61: {  	_ =	shalt  }
0x62: {  	_ =	shalt  }
0x63: {  	_ =	shalt  }
0x64: {  	_ =	shalt  }
0x65: {  	_ =	shalt  }
0x66: {  	_ =	shalt  }
0x67: {  	_ =	shalt  }
0x68: {  	_ =	shalt  }
0x69: {  	_ =	shalt  }
0x6a: {  	_ =	shalt  }
0x6b: {  	_ =	shalt  }
0x6c: {  	_ =	shalt  }
0x6d: {  	_ =	shalt  }
0x6e: {  	_ =	shalt  }
0x6f: {  	_ =	shalt  }
0x70: {  	_ =	shalt  }
0x71: {  	_ =	shalt  }
0x72: {  	_ =	shalt  }
0x73: {  	_ =	shalt  }
0x74: {  	_ =	shalt  }
0x75: {  	_ =	shalt  }
0x76: {  	_ =	shalt  }
0x77: {  	_ =	shalt  }
0x78: {  	_ =	shalt  }
0x79: {  	_ =	shalt  }
0x7a: {  	_ =	shalt  }
0x7b: {  	_ =	shalt  }
0x7c: {  	_ =	shalt  }
0x7d: {  	_ =	shalt  }
0x7e: {  	_ =	shalt  }
0x7f: {  	_ =	shalt  }
0x80: {  	_ =	shalt  }
0x81: {  	_ =	shalt  }
0x82: {  	_ =	shalt  }
0x83: {  	_ =	shalt  }
0x84: {  	_ =	shalt  }
0x85: {  	_ =	shalt  }
0x86: {  	_ =	shalt  }
0x87: {  	_ =	shalt  }
.Lfunc_end0:
.L_simem_size_0:
called_computation.3_lowered:
.L_overlay_start_0:
0x88: {  	s2 =	sld [smem:$0x3FD9]  }
0x89: {  	s3 =	sld [smem:$0x3FFE];
	_ =	sdelay $0x1  }
0x8a: {  	s1 =	srdreg.scid  }
0x8b: {  	s0 =	sand.u32 $0x1, s1  }
0x8c: {  	s16 =	sshll.u32 s0, $0xA;
	s2 =	sadd.s32 s3, s2  }
0x8d: {  	s2 =	sadd.s32 s2, s16  }
0x8e: {  	[smem:$0x3FBF] =	sst s2  }
0x8f: {  	_ = 	snop  }
0x90: {  	(tm) =	ssettm $0x1  }
0x91: {  	s17 =	sld [smem:$0x3FFB];
	_ =	sdelay $0x3  }
0x92: {  	_ =	strace s17  }
0x93: {  	s2 =	sld [smem:$0x3FFC];
	_ =	sdelay $0x3  }
0x94: {  	_ =	strace s2  }
0x95: {  	s2 =	sld [smem:$0x3FFD];
	_ =	sdelay $0x3  }
0x96: {  	_ =	strace s2  }
0x97: {  	_ =	strace $0x8FFFFFFF  }
0x98: {  	s18 =	sld [smem:$0x3FDB];
	_ =	sdelay $0x1  }
0x99: {  	s19 =	simm.s32 $_scs_section_size  }
0x9a: {  	s4 =	simm.s32 $_size__tile_overlayer_lowered;
	s5 =	simm.s32 $_tile_overlayer_lowered  }
0x9b: {  	s22 =	simm.s32 $0x1BFF;
	s21 =	sshll.u32 s5, $0x1;
	s2 =	sadd.s32 s19, s18  }
0x9c: {  	s6 =	simm.s32 $0x0;
	s20 =	sshll.u32 s4, $0x1;
	s4 =	sadd.s32 s21, s2  }
0x9d: {  	[timem:s6], [sflag:s22] =	dma.local [hbm:s4], s20  }
0x9e: {  	_ =	swait.ge [sflag:s22], s20  }
0x9f: {  	s3 =	ssub.s32 $0x0, s20;
	[sflag:s22] =	ssyncset.done $0x0  }
0xa0: {  	[sflag:s22] =	ssyncadd.s32 s3;
	_ =	sdelay $0x1  }
0xa1: {  	s23 =	simm.s32 $0x1B8B  }
0xa2: {  	_ =	swait.ge [sflag:s23], $0x1  }
0xa3: {  	[sflag:s23] =	ssyncset.done $0x0  }
0xa4: {  	s25 =	simm.s32 $0x1B8E;
	s24 =	sld [smem:$0x3FFE];
	[sflag:s23] =	ssyncadd.s32 $0xFFFFFFFF  }
0xa5: {  	s26 =	simm.s32 $execute0_lowered;
	[smem:$0x3FD2] =	sst s25  }
0xa6: {  	s4 =	sshll.u32 s26, $0x1;
	_ =	strace $0x8000004F;
	[dreg:$0x1] =	wrdreg $0xFFFFFFFF  }
0xa7: {  	s28 =	simm.s32 $_size_execute0_lowered;
	s2 =	sadd.s32 s2, s4;
	[dreg:$0x0] =	wrdreg $0x0  }
0xa8: {  	s4 =	sshll.u32 s28, $0x1;
	[dreg:$0x2] =	wrdreg s2  }
0xa9: {  	[dreg:$0x3] =	wrdreg s4  }
0xaa: {  	[dreg:$0x4] =	wrdreg $0xC0  }
0xab: {  	_ =	task [dreg:s6], $0x5FFFF  }
0xac: {  	[dreg:$0x1] =	wrdreg $0xFFFFFFFF  }
0xad: {  	[dreg:$0x0] =	wrdreg $0x60  }
0xae: {  	[dreg:$0x2] =	wrdreg s24  }
0xaf: {  	[dreg:$0x3] =	wrdreg $0xA8000  }
0xb0: {  	[dreg:$0x4] =	wrdreg $0x9  }
0xb1: {  	_ =	task.clear_ibuf [dreg:s6], $0x5FFFF;
	_ =	strace $0x9000004F  }
0xb2: {  	s29 =	simm.s32 $0x9;
	_ =	strace $0x80000051  }
0xb3: {  	_ =	swait.ge [sflag:s29], $0x1  }
0xb4: {  	[sflag:s29] =	ssyncadd.s32 $0xFFFFFFFF  }
0xb5: {  	_ =	strace $0x90000051  }
0xb6: {  	_ =	sfence  }
0xb7: {  	s30 =	sld [smem:$0x0];
	_ =	sdelay $0x2  }
0xb8: {  	s31 =	sshll.u32 s1, $0xD;
	s1 =	sshrl.u32 s1, $0x2  }
0xb9: {  	s3 =	sand.u32 $0x4000, s31;
	s1 =	sadd.s32 s1, s30  }
0xba: {  	s0 =	sor.u32 s3, s0;
	s1 =	sshll.u32 s1, $0x11  }
0xbb: {  	s0 =	sor.u32 s1, s0  }
0xbc: {  	s0 =	sadd.s32 $0x8F2B, s0  }
0xbd: {  	[sflag:s0] =	ssyncadd.remote.s32 $0x1  }
0xbe: {  	_ =	sfence.sel $0xFFFF  }
0xbf: {  	[dreg:$0x0] =	wrdreg $0xFFFFFFFF;
	(pc) =	sbr.abs _section_cstart, $3  }
0xc0: {  	[dreg:$0x1] =	wrdreg $0xFFFFFFFF  }
0xc1: {  	_ =	task.clear_ibuf [dreg:s6], $0x2FFFF;
	_ =	strace $0x9FFFFFFF  }
0xc2: {  	(tm) =	ssettm $0x7FFFFFFF  }
0xc3: {  	_ =	shalt  }
tec
execute0_lowered:
.L_overlay_start_1:
0x0: {  	(tag) =	ssettag $0x1  }
0x1: {  	s5 =	rddreg [dreg:$0x0];
	s2 =	srdreg.scid  }
0x2: {  	s1 =	rddreg [dreg:$0x1];
	s6 =	sand.u32 $0x1, s2  }
0x3: {  	s2 =	stileid.u32;
	s7 =	smul.u32 $0x13C000, s6  }
0x4: {  	s0 =	rddreg [dreg:$0x2];
	s3 =	simm.s32 $0x0;
	s8 =	smul.u32 $0x13C00, s2  }
0x5: {  	s18 =	simm.s32 $0x6800;
	s19 =	simm.s32 $0x1;
	s9 =	smul.u32 $0x4F000, s2  }
0x6: {  	[smem:$0x7FF] =	sst s3;
	s4 =	sadd.s32 $0x7200, s5;
	s11 =	smul.u32 $0x27800, s6  }
0x7: {  	s10 =	sadd.s32 $0x7E200, s5;
	s12 =	sadd.s32 $0x2200, s5;
	s20 =	smul.u32 $0x2780, s2  }
0x8: {  	_ =	strace $0x80000050;
	s13 =	ssub.s32 $0x2, s6;
	s14 =	smul.u32 $0x28000, s6  }
0x9: {  	s16 =	smul.u32 $0x2800, s2;
	s25 =	sshll.u32 s2, $0x6;
	s21 =	sshrl.u32 s13, $0x1  }
0xa: {  	s6 =	sor.u32 $0x1C05, s25;
	s25 =	simm.s32 $0x0;
	s7 =	sadd.s32 s8, s7  }
0xb: {  	s13 =	ssub.s32 s13, s21;
	s22 =	sshrl.u32 s9, $0x2;
	s23 =	sadd.s32 s20, s11  }
0xc: {  	s24 =	sadd.s32 s16, s14;
	s28 =	sadd.s32 $0x1400, s16;
	s30 =	sshrl.u32 s16, $0x3  }
0xd: {  	s16 =	simm.s32 $0x80;
	s20 =	simm.s32 $0x2;
	s21 =	simm.s32 $0x3  }
0xe: {  	s7 =	sshrl.u32 s7, $0x3;
	s17 =	sadd.s32 s22, s1;
	s26 =	sshrl.u32 s24, $0x3  }
0xf: {  	s29 =	sadd.s32 s14, s28;
	s31 =	sshrl.u32 s28, $0x3;
	s8 =	sadd.s32 s12, s30  }
0x10: {  	s22 =	simm.s32 $0x4;
	s24 =	simm.s32 $0x2780;
	s15 =	sadd.s32 s7, s5  }
0x11: {  	s5 =	sadd.s32 s4, s23;
	s7 =	sadd.s32 s10, s26;
	s14 =	sshrl.u32 s29, $0x3  }
0x12: {  	s23 =	simm.s32 $0x2700;
	s9 =	sadd.s32 s10, s14;
	s10 =	sadd.s32 s12, s31  }
0x13: {  	s11 =	sadd.s32 $0x88200, s15;
	s12 =	smax.u32 s13, $0x1;
	s13 =	sshrl.u32 s17, $0x3  }
0x14: {  	s14 =	simm.s32 $0x5;
	s15 =	simm.s32 $0x1400;
	s17 =	simm.s32 $0x2800  }
.LBB2_1:
0x15: {  	[spmem:s13], [sflag:s6] =	dma.local [hbm:s5], $0x2780  }
0x16: {  	_ =	swait.ge [sflag:s14], $0x2780  }
0x17: {  	[sflag:s14] =	ssyncset.done $0x0  }
0x18: {  	[sflag:s14] =	ssyncadd.s32 $0xFFFFD880  }
0x19: {  	[bflag:$0x0] =	sbarrier.arrive $0xFFFF  }
0x1a: {  	[tilespmem:s3], [sflag:$0x5] =	stream.linear.gather [hbm4b:s7+s3], $0x1400, $0x38;
	[tilespmem:$0x1E400] =	vst v63  }
0x1b: {  	_ =	swait.ge [sflag:s14], $0x1400  }
0x1c: {  	[sflag:s14] =	ssyncset.done $0x0  }
0x1d: {  	[sflag:s14] =	ssyncadd.s32 $0xFFFFEC00  }
0x1e: {  	[tilespmem:s15], [sflag:$0x5] =	stream.linear.gather [hbm4b:s8+s3], $0x1400, $0x38;
	[tilespmem:$0x1E400] =	vst v63  }
0x1f: {  	_ =	swait.ge [sflag:s14], $0x1400  }
0x20: {  	[sflag:s14] =	ssyncset.done $0x0  }
0x21: {  	[sflag:s14] =	ssyncadd.s32 $0xFFFFEC00  }
0x22: {  	[tilespmem:s17], [sflag:$0x1] =	stream.indirect.gather [hbm4b:s4+s16], $0x80, s3, s16, $0xb8;
	[tilespmem:$0x1E400] =	vst v63  }
0x23: {  	_ = 	snop  }
0x24: {  	[tilespmem:s18], [sflag:$0x2] =	stream.indirect.gather [hbm4b:s4+s16], $0x80, s16, s16, $0xb8;
	[tilespmem:$0x1E400] =	vst v63  }
0x25: {  	_ =	swait.ge [sflag:s19], $0x4000  }
0x26: {  	[sflag:s19] =	ssyncset.done $0x0  }
0x27: {  	s26 =	simm.s32 $0x1400;
	[sflag:s19] =	ssyncadd.s32 $0xFFFFC000  }
0x28: {  	[spmem:s1] =	stream.indirect.scatter.add.f32 [tilespmem:s17], [sflag:$0x3], $0x80, s26, s16, $0xb8;
	[tilespmem:$0x1E400] =	vst v63  }
0x29: {  	_ =	swait.ge [sflag:s20], $0x4000  }
0x2a: {  	[sflag:s20] =	ssyncset.done $0x0  }
0x2b: {  	s30 =	simm.s32 $0x1480;
	[sflag:s20] =	ssyncadd.s32 $0xFFFFC000  }
0x2c: {  	[spmem:s1] =	stream.indirect.scatter.add.f32 [tilespmem:s18], [sflag:$0x4], $0x80, s30, s16, $0xb8;
	[tilespmem:$0x1E400] =	vst v63  }
0x2d: {  	_ =	swait.ge [sflag:s21], $0x4000  }
0x2e: {  	[sflag:s21] =	ssyncset.done $0x0  }
0x2f: {  	s31 =	simm.s32 $0x100;
	[sflag:s21] =	ssyncadd.s32 $0xFFFFC000  }
0x30: {  	[tilespmem:s17], [sflag:$0x1] =	stream.indirect.gather [hbm4b:s4+s16], $0x80, s31, s16, $0xb8;
	[tilespmem:$0x1E400] =	vst v63  }
0x31: {  	_ =	swait.ge [sflag:s22], $0x4000  }
0x32: {  	[sflag:s22] =	ssyncset.done $0x0  }
0x33: {  	s28 =	simm.s32 $0x180;
	s26 =	simm.s32 $0x400;
	[sflag:s22] =	ssyncadd.s32 $0xFFFFC000  }
.LBB2_2:
0x34: {  	[tilespmem:s18], [sflag:$0x2] =	stream.indirect.gather [hbm4b:s4+s16], $0x80, s28, s16, $0xb8;
	[tilespmem:$0x1E400] =	vst v63  }
0x35: {  	s28 =	smov.u32 s26  }
0x36: {  	p0 =	sne.s32 s26, $0x4800;
	s26 =	sadd.s32 $0x400, s26;
	_ =	swait.ge [sflag:s19], $0x4000  }
0x37: {  	s28 =	sshra.s32 s28, $0x2;
	[sflag:s19] =	ssyncset.done $0x0  }
0x38: {  	s29 =	sadd.s32 $0x1400, s28;
	[sflag:s19] =	ssyncadd.s32 $0xFFFFC000  }
0x39: {  	[spmem:s1] =	stream.indirect.scatter.add.f32 [tilespmem:s17], [sflag:$0x3], $0x80, s29, s16, $0xb8;
	[tilespmem:$0x1E400] =	vst v63  }
0x3a: {  	_ =	swait.ge [sflag:s20], $0x4000  }
0x3b: {  	[sflag:s20] =	ssyncset.done $0x0  }
0x3c: {  	s29 =	sadd.s32 $0x1480, s28;
	[sflag:s20] =	ssyncadd.s32 $0xFFFFC000  }
0x3d: {  	[spmem:s1] =	stream.indirect.scatter.add.f32 [tilespmem:s18], [sflag:$0x4], $0x80, s29, s16, $0xb8;
	[tilespmem:$0x1E400] =	vst v63  }
0x3e: {  	_ =	swait.ge [sflag:s21], $0x4000  }
0x3f: {  	[sflag:s21] =	ssyncset.done $0x0  }
.Ltmp0:
0x40: {  	s29 =	sadd.s32 $0x100, s28;
	[sflag:s21] =	ssyncadd.s32 $0xFFFFC000;
	(pc) =	sbr.rel @p0 .LBB2_2-.Ltmp0, $4  }
0x41: {  	[tilespmem:s17], [sflag:$0x1] =	stream.indirect.gather [hbm4b:s4+s16], $0x80, s29, s16, $0xb8;
	[tilespmem:$0x1E400] =	vst v63  }
0x42: {  	_ =	swait.ge [sflag:s22], $0x4000  }
0x43: {  	[sflag:s22] =	ssyncset.done $0x0  }
0x44: {  	s28 =	sadd.s32 $0x180, s28;
	[sflag:s22] =	ssyncadd.s32 $0xFFFFC000  }
0x45: {  	[tilespmem:s18], [sflag:$0x2] =	stream.indirect.gather [hbm4b:s4+s16], $0x80, s28, s16, $0xb8;
	[tilespmem:$0x1E400] =	vst v63  }
0x46: {  	_ =	swait.ge [sflag:s19], $0x4000  }
0x47: {  	[sflag:s19] =	ssyncset.done $0x0  }
0x48: {  	[sflag:s19] =	ssyncadd.s32 $0xFFFFC000  }
0x49: {  	[spmem:s1] =	stream.indirect.scatter.add.f32 [tilespmem:s17], [sflag:$0x3], $0x80, s23, s16, $0xb8;
	[tilespmem:$0x1E400] =	vst v63  }
0x4a: {  	_ =	swait.ge [sflag:s20], $0x4000  }
0x4b: {  	[sflag:s20] =	ssyncset.done $0x0  }
0x4c: {  	[sflag:s20] =	ssyncadd.s32 $0xFFFFC000  }
0x4d: {  	[spmem:s1] =	stream.indirect.scatter.add.f32 [tilespmem:s18], [sflag:$0x4], $0x80, s24, s16, $0xb8;
	[tilespmem:$0x1E400] =	vst v63  }
0x4e: {  	_ =	swait.ge [sflag:s21], $0x4000  }
0x4f: {  	[sflag:s21] =	ssyncset.done $0x0  }
0x50: {  	[sflag:s21] =	ssyncadd.s32 $0xFFFFC000  }
0x51: {  	_ =	swait.ge [sflag:s22], $0x4000  }
0x52: {  	[sflag:s22] =	ssyncset.done $0x0  }
0x53: {  	s26 =	simm.s32 $0x0;
	[sflag:s22] =	ssyncadd.s32 $0xFFFFC000  }
0x54: {  	[tilespmem:s26], [sflag:$0x5] =	stream.linear.gather [hbm4b:s9+s26], $0x1400, $0x38;
	[tilespmem:$0x1E400] =	vst v63  }
0x55: {  	_ =	swait.ge [sflag:s14], $0x1400  }
0x56: {  	[sflag:s14] =	ssyncset.done $0x0  }
0x57: {  	[sflag:s14] =	ssyncadd.s32 $0xFFFFEC00  }
0x58: {  	[tilespmem:s15], [sflag:$0x5] =	stream.linear.gather [hbm4b:s10+s26], $0x1400, $0x38;
	[tilespmem:$0x1E400] =	vst v63  }
0x59: {  	_ =	swait.ge [sflag:s14], $0x1400  }
0x5a: {  	[sflag:s14] =	ssyncset.done $0x0  }
0x5b: {  	[sflag:s14] =	ssyncadd.s32 $0xFFFFEC00  }
0x5c: {  	[tilespmem:s17], [sflag:$0x1] =	stream.indirect.gather [hbm4b:s4+s16], $0x80, s26, s16, $0xb8;
	[tilespmem:$0x1E400] =	vst v63  }
0x5d: {  	_ = 	snop  }
0x5e: {  	[tilespmem:s18], [sflag:$0x2] =	stream.indirect.gather [hbm4b:s4+s16], $0x80, s16, s16, $0xb8;
	[tilespmem:$0x1E400] =	vst v63  }
0x5f: {  	_ =	swait.ge [sflag:s19], $0x4000  }
0x60: {  	[sflag:s19] =	ssyncset.done $0x0  }
0x61: {  	s29 =	simm.s32 $0x1400;
	[sflag:s19] =	ssyncadd.s32 $0xFFFFC000  }
0x62: {  	[spmem:s1] =	stream.indirect.scatter.add.f32 [tilespmem:s17], [sflag:$0x3], $0x80, s29, s16, $0xb8;
	[tilespmem:$0x1E400] =	vst v63  }
0x63: {  	_ =	swait.ge [sflag:s20], $0x4000  }
0x64: {  	[sflag:s20] =	ssyncset.done $0x0  }
0x65: {  	s30 =	simm.s32 $0x1480;
	[sflag:s20] =	ssyncadd.s32 $0xFFFFC000  }
0x66: {  	[spmem:s1] =	stream.indirect.scatter.add.f32 [tilespmem:s18], [sflag:$0x4], $0x80, s30, s16, $0xb8;
	[tilespmem:$0x1E400] =	vst v63  }
0x67: {  	_ =	swait.ge [sflag:s21], $0x4000  }
0x68: {  	[sflag:s21] =	ssyncset.done $0x0  }
0x69: {  	s31 =	simm.s32 $0x100;
	[sflag:s21] =	ssyncadd.s32 $0xFFFFC000  }
0x6a: {  	[tilespmem:s17], [sflag:$0x1] =	stream.indirect.gather [hbm4b:s4+s16], $0x80, s31, s16, $0xb8;
	[tilespmem:$0x1E400] =	vst v63  }
0x6b: {  	_ =	swait.ge [sflag:s22], $0x4000  }
0x6c: {  	[sflag:s22] =	ssyncset.done $0x0  }
0x6d: {  	s28 =	simm.s32 $0x180;
	s26 =	simm.s32 $0x400;
	[sflag:s22] =	ssyncadd.s32 $0xFFFFC000  }
.LBB2_4:
0x6e: {  	[tilespmem:s18], [sflag:$0x2] =	stream.indirect.gather [hbm4b:s4+s16], $0x80, s28, s16, $0xb8;
	[tilespmem:$0x1E400] =	vst v63  }
0x6f: {  	s28 =	smov.u32 s26  }
0x70: {  	p0 =	sne.s32 s26, $0x4800;
	s26 =	sadd.s32 $0x400, s26;
	_ =	swait.ge [sflag:s19], $0x4000  }
0x71: {  	s28 =	sshra.s32 s28, $0x2;
	[sflag:s19] =	ssyncset.done $0x0  }
0x72: {  	s29 =	sadd.s32 $0x1400, s28;
	[sflag:s19] =	ssyncadd.s32 $0xFFFFC000  }
0x73: {  	[spmem:s1] =	stream.indirect.scatter.add.f32 [tilespmem:s17], [sflag:$0x3], $0x80, s29, s16, $0xb8;
	[tilespmem:$0x1E400] =	vst v63  }
0x74: {  	_ =	swait.ge [sflag:s20], $0x4000  }
0x75: {  	[sflag:s20] =	ssyncset.done $0x0  }
0x76: {  	s29 =	sadd.s32 $0x1480, s28;
	[sflag:s20] =	ssyncadd.s32 $0xFFFFC000  }
0x77: {  	[spmem:s1] =	stream.indirect.scatter.add.f32 [tilespmem:s18], [sflag:$0x4], $0x80, s29, s16, $0xb8;
	[tilespmem:$0x1E400] =	vst v63  }
0x78: {  	_ =	swait.ge [sflag:s21], $0x4000  }
0x79: {  	[sflag:s21] =	ssyncset.done $0x0  }
.Ltmp1:
0x7a: {  	s29 =	sadd.s32 $0x100, s28;
	[sflag:s21] =	ssyncadd.s32 $0xFFFFC000;
	(pc) =	sbr.rel @p0 .LBB2_4-.Ltmp1, $4  }
0x7b: {  	[tilespmem:s17], [sflag:$0x1] =	stream.indirect.gather [hbm4b:s4+s16], $0x80, s29, s16, $0xb8;
	[tilespmem:$0x1E400] =	vst v63  }
0x7c: {  	_ =	swait.ge [sflag:s22], $0x4000  }
0x7d: {  	[sflag:s22] =	ssyncset.done $0x0  }
0x7e: {  	s28 =	sadd.s32 $0x180, s28;
	[sflag:s22] =	ssyncadd.s32 $0xFFFFC000  }
0x7f: {  	[tilespmem:s18], [sflag:$0x2] =	stream.indirect.gather [hbm4b:s4+s16], $0x80, s28, s16, $0xb8;
	[tilespmem:$0x1E400] =	vst v63  }
0x80: {  	_ =	swait.ge [sflag:s19], $0x4000  }
0x81: {  	[sflag:s19] =	ssyncset.done $0x0  }
0x82: {  	[sflag:s19] =	ssyncadd.s32 $0xFFFFC000  }
0x83: {  	[spmem:s1] =	stream.indirect.scatter.add.f32 [tilespmem:s17], [sflag:$0x3], $0x80, s23, s16, $0xb8;
	[tilespmem:$0x1E400] =	vst v63  }
0x84: {  	_ =	swait.ge [sflag:s20], $0x4000  }
0x85: {  	[sflag:s20] =	ssyncset.done $0x0  }
0x86: {  	[sflag:s20] =	ssyncadd.s32 $0xFFFFC000  }
0x87: {  	[spmem:s1] =	stream.indirect.scatter.add.f32 [tilespmem:s18], [sflag:$0x4], $0x80, s24, s16, $0xb8;
	[tilespmem:$0x1E400] =	vst v63  }
0x88: {  	_ =	swait.ge [sflag:s21], $0x4000  }
0x89: {  	[sflag:s21] =	ssyncset.done $0x0  }
0x8a: {  	[sflag:s21] =	ssyncadd.s32 $0xFFFFC000  }
0x8b: {  	_ =	swait.ge [sflag:s22], $0x4000  }
0x8c: {  	s25 =	sadd.s32 $0x1, s25;
	[sflag:s22] =	ssyncset.done $0x0  }
0x8d: {  	p0 =	sne.s32 s25, s12;
	[sflag:s22] =	ssyncadd.s32 $0xFFFFC000  }
.Ltmp2:
0x8e: {  	[bflag:$0x0] =	sbarrier.arrive $0xFFFF;
	(pc) =	sbr.rel @p0 .LBB2_1-.Ltmp2, $4  }
0x8f: {  	[hbm:s11], [sflag:s6] =	dma.local [spmem:s13], $0x2780  }
0x90: {  	_ =	swait.ge [sflag:s14], $0x2780  }
0x91: {  	[sflag:s14] =	ssyncset.done $0x0  }
0x92: {  	[sflag:s14] =	ssyncadd.s32 $0xFFFFD880  }
0x93: {  	_ =	sfence.sel $0x180000  }
0x94: {  	[bflag:$0x0] =	sbarrier.arrive $0xFFFF  }
0x95: {  	p0 =	sne.s32 s2, $0x0;
	_ =	strace $0x90000050  }
0x96: {  	s0 =	sadd.s32 @!p0 $0x100000, s0;
	[bflag:$0x2] =	sbarrier.arrive $0xFFFF  }
0x97: {  	[sflag:s0] =	ssyncadd.tile.s32 @!p0 $0x1;
	_ =	shalt  }
.Lfunc_end2:
_tile_overlayer_lowered:
.L_overlay_start_2:
0x98: {  	(tag) =	ssettag $0x2  }
0x99: {  	s0 =	rddreg [dreg:$0x0];
	s2 =	stileid.u32  }
0x9a: {  	s1 =	rddreg [dreg:$0x1];
	p0 =	sne.s32 s2, $0x0  }
0x9b: {  	s3 =	rddreg [dreg:$0x2];
	[bflag:$0x3] =	sbarrier.arrive $0xFFFF;
	s2 =	simm.s32 @!p0 $0x1C05  }
0x9c: {  	[timem:s3], [sflag:s2] =	dma.local @!p0 [hbm:s0], s1  }
0x9d: {  	s0 =	simm.s32 @!p0 $0x5  }
0x9e: {  	_ =	swait.ge @!p0 [sflag:s0], s1  }
0x9f: {  	s1 =	ssub.s32 @!p0 $0x0, s1;
	[sflag:s0] =	ssyncset.done @!p0 $0x0  }
0xa0: {  	[sflag:s0] =	ssyncadd.s32 @!p0 s1  }
0xa1: {  	[bflag:$0x3] =	sbarrier.arrive $0xFFFF  }
0xa2: {  	_ =	shalt  }

</sc_bundles>
